<compile_context>
chip_gen: v7x
topology: tpu7x:2x2x1
jax: 0.10.2.dev20260603
libtpu: 0.0.44.dev20260713+nightly
codegen_flags: <defaults>
</compile_context>

<pallas_src>
import jax
import jax.numpy as jnp
from jax import lax
from jax.experimental import pallas as pl
from jax.experimental.pallas import tpu as pltpu
from jax.experimental.pallas import tpu_sc as plsc

VOCAB = 100000
HIDDEN = 128
BATCH = 1024
SEQ = 200
EPS = 1e-3

NC = 2
NS = 16
L = 16
NW = NC * NS
TOTAL = BATCH * SEQ
RW = TOTAL // NW
GRP = 128
G = RW // GRP
NBUF = 4
NCOMBO = 2 * SEQ
RB = 8192
NSLICE = 5
GS = G // NSLICE
RWS = GS * GRP
ROWS_S = TOTAL // NSLICE


def _gather_body(tok_hbm, cidx_hbm, word_hbm, combo_hbm, out_hbm,
                 idx_v, cidx_v, wbuf, combo_sh, sem_in, sem_add, sem_out):
    sid = lax.axis_index("s")
    wid = sid * NC + lax.axis_index("c")

    @pl.when(sid == 0)
    def _():
        pltpu.sync_copy(combo_hbm, combo_sh)
    plsc.subcore_barrier()

    pltpu.sync_copy(tok_hbm.at[wid], idx_v)
    pltpu.sync_copy(cidx_hbm.at[wid], cidx_v)

    def slot(i):
        return wbuf.at[pl.ds(lax.rem(i, NBUF) * GRP, GRP)]

    def drain(sem):
        pltpu.make_async_copy(out_hbm.at[pl.ds(0, GRP)],
                              wbuf.at[pl.ds(0, GRP)], sem).wait()

    pltpu.async_copy(word_hbm.at[idx_v.at[0]], slot(0), sem_in)
    drain(sem_in)
    pltpu.async_copy(combo_sh.at[cidx_v.at[0]], slot(0), sem_add, add=True)
    pltpu.async_copy(word_hbm.at[idx_v.at[1]], slot(1), sem_in)

    def chunk_body(c, _):
        @pl.when(jnp.logical_and(c + 2 < GS, c >= 2))
        def _():
            drain(sem_out)

        @pl.when(c + 2 < GS)
        def _():
            pltpu.async_copy(word_hbm.at[idx_v.at[c + 2]], slot(c + 2),
                             sem_in)

        @pl.when(c + 1 < GS)
        def _():
            drain(sem_in)
            pltpu.async_copy(combo_sh.at[cidx_v.at[c + 1]], slot(c + 1),
                             sem_add, add=True)

        drain(sem_add)
        base = wid * RWS + c * GRP
        pltpu.async_copy(slot(c), out_hbm.at[pl.ds(base, GRP)], sem_out)
        return ()

    lax.fori_loop(0, GS, chunk_body, ())
    for _ in range(NBUF):
        drain(sem_out)


def _ln_body(x_ref, gb_ref, o_ref):
    x = x_ref[...]
    ones = jnp.ones((HIDDEN, HIDDEN), jnp.float32)
    mean = jax.lax.dot(x, ones) * (1.0 / HIDDEN)
    xc = x - mean
    var = jax.lax.dot(xc * xc, ones) * (1.0 / HIDDEN)
    o_ref[...] = (xc * lax.rsqrt(var + EPS) * gb_ref[0:1, :]
                  + gb_ref[1:2, :])


@jax.jit
def _run(tok4, cidx4, word_emb, combo, gb):
    mesh = plsc.VectorSubcoreMesh(core_axis_name="c", subcore_axis_name="s",
                                  num_cores=NC, num_subcores=NS)
    gather = pl.kernel(
        _gather_body,
        out_type=jax.ShapeDtypeStruct((ROWS_S, HIDDEN), jnp.float32),
        mesh=mesh,
        scratch_types=[
            pltpu.VMEM((GS, GRP), jnp.int32),
            pltpu.VMEM((GS, GRP), jnp.int32),
            pltpu.VMEM((NBUF * GRP, HIDDEN), jnp.float32),
            pltpu.VMEM_SHARED((NCOMBO, HIDDEN), jnp.float32),
            pltpu.SemaphoreType.DMA,
            pltpu.SemaphoreType.DMA,
            pltpu.SemaphoreType.DMA,
        ],
        compiler_params=pltpu.CompilerParams(needs_layout_passes=False),
    )

    nblk = ROWS_S // RB

    def make_ln(s, aliased):
        in_specs = [pl.BlockSpec((RB, HIDDEN), lambda i: (i, 0)),
                    pl.BlockSpec((2, HIDDEN), lambda i: (0, 0))]
        body = _ln_body
        io_aliases = {}
        if aliased:
            in_specs = [pl.BlockSpec(memory_space=pl.ANY)] + in_specs
            body = lambda buf_ref, x_ref, gb_ref, o_ref: \
                _ln_body(x_ref, gb_ref, o_ref)
            io_aliases = {0: 0}
        return pl.pallas_call(
            body,
            grid=(nblk,),
            in_specs=in_specs,
            out_specs=pl.BlockSpec((RB, HIDDEN),
                                   lambda i, s=s: (i + s * nblk, 0)),
            out_shape=jax.ShapeDtypeStruct((TOTAL, HIDDEN), jnp.float32),
            input_output_aliases=io_aliases,
        )

    xs = [gather(tok4[s], cidx4[s], word_emb, combo) for s in range(NSLICE)]
    out = make_ln(0, False)(xs[0], gb)
    for s in range(1, NSLICE):
        out = make_ln(s, True)(out, xs[s], gb)
    return out


def kernel(token, segment, word_emb, seg_emb, pos_emb, gamma, beta):
    tok4 = token.astype(jnp.int32).reshape(NSLICE, NW, GS, GRP)
    pos = jnp.arange(SEQ, dtype=jnp.int32)
    cidx4 = (segment.astype(jnp.int32) * SEQ + pos[None, :]).reshape(
        NSLICE, NW, GS, GRP)
    combo = (seg_emb[:, None, :] + pos_emb[None, :SEQ, :]).reshape(
        NCOMBO, HIDDEN)
    gb = jnp.stack([gamma, beta])
    out = _run(tok4, cidx4, word_emb, combo, gb)
    return out.reshape(BATCH, SEQ, HIDDEN)

# --- scband reference (transcript-rebuilt; emitter-appended) ---
"""Pipeline reference for scband-input-embedding-90529320665097 (READ-ONLY COPY).

The authoritative reference and input builder live on the scoring server;
editing this copy changes nothing except your own understanding.
"""

import jax, jax.numpy as jnp
import numpy as np

VOCAB = 100000
HIDDEN = 128
MAX_POS = 512
BATCH = 1024
SEQ = 200
EPS = 1e-3


def setup_inputs(seed: int = 0) -> dict:
    key = jax.random.key(seed)
    k1, k2, k3, k4, k5 = jax.random.split(key, 5)
    token = jax.random.randint(k1, (BATCH, SEQ), 0, VOCAB, dtype=jnp.int64 if jax.config.jax_enable_x64 else jnp.int32)
    segment = jax.random.randint(k2, (BATCH, SEQ), 0, 2, dtype=jnp.int64 if jax.config.jax_enable_x64 else jnp.int32)
    word_emb = jax.random.normal(k3, (VOCAB, HIDDEN), dtype=jnp.float32) * 0.02
    seg_emb = jax.random.normal(k4, (2, HIDDEN), dtype=jnp.float32) * 0.02
    pos_emb = jax.random.normal(k5, (MAX_POS, HIDDEN), dtype=jnp.float32) * 0.02
    gamma = jnp.ones((HIDDEN,), dtype=jnp.float32)
    beta = jnp.zeros((HIDDEN,), dtype=jnp.float32)
    return {"token": token, "segment": segment, "word_emb": word_emb,
            "seg_emb": seg_emb, "pos_emb": pos_emb, "gamma": gamma, "beta": beta}


def reference(token, segment, word_emb, seg_emb, pos_emb, gamma, beta):
    # token embedding lookup (gather)
    token_embedding = jnp.take(word_emb, token, axis=0)          # [B, S, H]
    segment_embedding = jnp.take(seg_emb, segment, axis=0)       # [B, S, H]
    seq_len = token.shape[1]
    position_ids = jnp.arange(seq_len)
    position_embedding = jnp.take(pos_emb, position_ids, axis=0)  # [S, H]
    position_embedding = jnp.broadcast_to(position_embedding[None, :, :],
                                          token_embedding.shape)
    out = token_embedding + segment_embedding + position_embedding
    # dropout is identity at inference; then LayerNorm (Keras default eps=1e-3)
    mean = jnp.mean(out, axis=-1, keepdims=True)
    var = jnp.mean(jnp.square(out - mean), axis=-1, keepdims=True)
    out = (out - mean) / jnp.sqrt(var + EPS)
    out = out * gamma + beta
    return out

if __name__ == "__main__":
    import jax
    _d = setup_inputs()
    print(jax.jit(kernel)(*tuple(_d.values())))

</pallas_src>

<mosaic_0001>
#map = affine_map<(d0, d1) -> (0, 0, 0)>
#map1 = affine_map<(d0, d1) -> (0, 0)>
module attributes {stable_mosaic.version = 14 : i64} {
  func.func @_gather_body(%arg0: i32, %arg1: i32, %arg2: memref<32x10x128xi32, #tpu.memory_space<hbm>>, %arg3: memref<32x10x128xi32, #tpu.memory_space<hbm>>, %arg4: memref<100000x128xf32, #tpu.memory_space<hbm>>, %arg5: memref<400x128xf32, #tpu.memory_space<hbm>>, %arg6: memref<40960x128xf32, #tpu.memory_space<hbm>>, %arg7: memref<10x128xi32, #tpu.memory_space<vmem>>, %arg8: memref<10x128xi32, #tpu.memory_space<vmem>>, %arg9: memref<512x128xf32, #tpu.memory_space<vmem>>, %arg10: memref<400x128xf32, #tpu.memory_space<vmem_shared>>, %arg11: memref<!tpu.dma_semaphore, #tpu.memory_space<semaphore_mem>>, %arg12: memref<!tpu.dma_semaphore, #tpu.memory_space<semaphore_mem>>, %arg13: memref<!tpu.dma_semaphore, #tpu.memory_space<semaphore_mem>>) attributes {dimension_semantics = [#tpu.dimension_semantics<core_parallel>, #tpu.dimension_semantics<subcore_parallel>], iteration_bounds = array<i64: 2, 16>, scalar_prefetch = 0 : i64, scratch_operands = 7 : i64, tpu.core_type = #tpu.core_type<sc_vector_subcore>, window_params = [{transform_indices = #map}, {transform_indices = #map}, {transform_indices = #map1}, {transform_indices = #map1}, {transform_indices = #map1}]} {
    %mul3A = arith.constant 2 : i32
    %mul3A_0 = arith.muli %arg1, %mul3A : i32
    %add3A = arith.addi %mul3A_0, %arg0 : i32
    %eq3A = arith.constant 0 : i32
    %eq3A_1 = arith.cmpi eq, %arg1, %eq3A : i32
    %convert_element_type3A = arith.extui %eq3A_1 : i1 to i32
    %cond3A = arith.constant 0 : i32
    %cond3A_2 = arith.cmpi ne, %convert_element_type3A, %cond3A : i32
    scf.if %cond3A_2 {
      "tpu.region"() ({
        %run_scoped3A = tpu.sem_alloc : memref<!tpu.dma_semaphore, #tpu.memory_space<semaphore_mem>>
        tpu.enqueue_dma source(%arg5 : memref<400x128xf32, #tpu.memory_space<hbm>>) target(%arg10 : memref<400x128xf32, #tpu.memory_space<vmem_shared>>) target_semaphore(%run_scoped3A : memref<!tpu.dma_semaphore, #tpu.memory_space<semaphore_mem>>)
        tpu.wait_dma2 semaphore(%run_scoped3A : memref<!tpu.dma_semaphore, #tpu.memory_space<semaphore_mem>>) src(%arg5 : memref<400x128xf32, #tpu.memory_space<hbm>>) dst(%arg10 : memref<400x128xf32, #tpu.memory_space<vmem_shared>>)
        tpu.yield
      }) : () -> ()
    } else {
    }
    %barrier3A = arith.constant 0 : index
    tpu.barrier barrier_id(%barrier3A)
    "tpu.region"() ({
      %run_scoped3A = tpu.sem_alloc : memref<!tpu.dma_semaphore, #tpu.memory_space<semaphore_mem>>
      %dma_start3A_106 = arith.constant 0 : i32
      %dma_start3A_107 = arith.constant 0 : i32
      %dma_start3A_108 = tpu.memref_slice %arg2[%add3A, %dma_start3A_106, %dma_start3A_107] : memref<32x10x128xi32, #tpu.memory_space<hbm>> -> memref<1x10x128xi32, #tpu.memory_space<hbm>>
      %dma_start3A_109 = tpu.memref_squeeze %dma_start3A_108 : memref<1x10x128xi32, #tpu.memory_space<hbm>> -> memref<10x128xi32, #tpu.memory_space<hbm>>
      %dma_start3A_110 = arith.constant 0 : i32
      %dma_start3A_111 = arith.constant 0 : i32
      %dma_start3A_112 = tpu.memref_slice %arg2[%add3A, %dma_start3A_110, %dma_start3A_111] : memref<32x10x128xi32, #tpu.memory_space<hbm>> -> memref<1x10x128xi32, #tpu.memory_space<hbm>>
      %dma_start3A_113 = tpu.memref_squeeze %dma_start3A_112 : memref<1x10x128xi32, #tpu.memory_space<hbm>> -> memref<10x128xi32, #tpu.memory_space<hbm>>
      tpu.enqueue_dma source(%dma_start3A_113 : memref<10x128xi32, #tpu.memory_space<hbm>>) target(%arg7 : memref<10x128xi32, #tpu.memory_space<vmem>>) target_semaphore(%run_scoped3A : memref<!tpu.dma_semaphore, #tpu.memory_space<semaphore_mem>>)
      %dma_wait3A_114 = arith.constant 0 : i32
      %dma_wait3A_115 = arith.constant 0 : i32
      %dma_wait3A_116 = tpu.memref_slice %arg2[%add3A, %dma_wait3A_114, %dma_wait3A_115] : memref<32x10x128xi32, #tpu.memory_space<hbm>> -> memref<1x10x128xi32, #tpu.memory_space<hbm>>
      %dma_wait3A_117 = tpu.memref_squeeze %dma_wait3A_116 : memref<1x10x128xi32, #tpu.memory_space<hbm>> -> memref<10x128xi32, #tpu.memory_space<hbm>>
      %dma_wait3A_118 = arith.constant 0 : i32
      %dma_wait3A_119 = arith.constant 0 : i32
      %dma_wait3A_120 = tpu.memref_slice %arg2[%add3A, %dma_wait3A_118, %dma_wait3A_119] : memref<32x10x128xi32, #tpu.memory_space<hbm>> -> memref<1x10x128xi32, #tpu.memory_space<hbm>>
      %dma_wait3A_121 = tpu.memref_squeeze %dma_wait3A_120 : memref<1x10x128xi32, #tpu.memory_space<hbm>> -> memref<10x128xi32, #tpu.memory_space<hbm>>
      tpu.wait_dma2 semaphore(%run_scoped3A : memref<!tpu.dma_semaphore, #tpu.memory_space<semaphore_mem>>) src(%dma_wait3A_121 : memref<10x128xi32, #tpu.memory_space<hbm>>) dst(%arg7 : memref<10x128xi32, #tpu.memory_space<vmem>>)
      tpu.yield
    }) : () -> ()
    "tpu.region"() ({
      %run_scoped3A = tpu.sem_alloc : memref<!tpu.dma_semaphore, #tpu.memory_space<semaphore_mem>>
      %dma_start3A_106 = arith.constant 0 : i32
      %dma_start3A_107 = arith.constant 0 : i32
      %dma_start3A_108 = tpu.memref_slice %arg3[%add3A, %dma_start3A_106, %dma_start3A_107] : memref<32x10x128xi32, #tpu.memory_space<hbm>> -> memref<1x10x128xi32, #tpu.memory_space<hbm>>
      %dma_start3A_109 = tpu.memref_squeeze %dma_start3A_108 : memref<1x10x128xi32, #tpu.memory_space<hbm>> -> memref<10x128xi32, #tpu.memory_space<hbm>>
      %dma_start3A_110 = arith.constant 0 : i32
      %dma_start3A_111 = arith.constant 0 : i32
      %dma_start3A_112 = tpu.memref_slice %arg3[%add3A, %dma_start3A_110, %dma_start3A_111] : memref<32x10x128xi32, #tpu.memory_space<hbm>> -> memref<1x10x128xi32, #tpu.memory_space<hbm>>
      %dma_start3A_113 = tpu.memref_squeeze %dma_start3A_112 : memref<1x10x128xi32, #tpu.memory_space<hbm>> -> memref<10x128xi32, #tpu.memory_space<hbm>>
      tpu.enqueue_dma source(%dma_start3A_113 : memref<10x128xi32, #tpu.memory_space<hbm>>) target(%arg8 : memref<10x128xi32, #tpu.memory_space<vmem>>) target_semaphore(%run_scoped3A : memref<!tpu.dma_semaphore, #tpu.memory_space<semaphore_mem>>)
      %dma_wait3A_114 = arith.constant 0 : i32
      %dma_wait3A_115 = arith.constant 0 : i32
      %dma_wait3A_116 = tpu.memref_slice %arg3[%add3A, %dma_wait3A_114, %dma_wait3A_115] : memref<32x10x128xi32, #tpu.memory_space<hbm>> -> memref<1x10x128xi32, #tpu.memory_space<hbm>>
      %dma_wait3A_117 = tpu.memref_squeeze %dma_wait3A_116 : memref<1x10x128xi32, #tpu.memory_space<hbm>> -> memref<10x128xi32, #tpu.memory_space<hbm>>
      %dma_wait3A_118 = arith.constant 0 : i32
      %dma_wait3A_119 = arith.constant 0 : i32
      %dma_wait3A_120 = tpu.memref_slice %arg3[%add3A, %dma_wait3A_118, %dma_wait3A_119] : memref<32x10x128xi32, #tpu.memory_space<hbm>> -> memref<1x10x128xi32, #tpu.memory_space<hbm>>
      %dma_wait3A_121 = tpu.memref_squeeze %dma_wait3A_120 : memref<1x10x128xi32, #tpu.memory_space<hbm>> -> memref<10x128xi32, #tpu.memory_space<hbm>>
      tpu.wait_dma2 semaphore(%run_scoped3A : memref<!tpu.dma_semaphore, #tpu.memory_space<semaphore_mem>>) src(%dma_wait3A_121 : memref<10x128xi32, #tpu.memory_space<hbm>>) dst(%arg8 : memref<10x128xi32, #tpu.memory_space<vmem>>)
      tpu.yield
    }) : () -> ()
    %rem3A = arith.constant 0 : i32
    %rem3A_3 = arith.constant 4 : i32
    %rem3A_4 = arith.remsi %rem3A, %rem3A_3 : i32
    %mul3A_5 = arith.constant 128 : i32
    %mul3A_6 = arith.muli %rem3A_4, %mul3A_5 : i32
    %dma_start3A = arith.constant 0 : i32
    %dma_start3A_7 = arith.constant 0 : i32
    %dma_start3A_8 = tpu.memref_slice %arg9[%mul3A_6, %dma_start3A_7] : memref<512x128xf32, #tpu.memory_space<vmem>> -> memref<128x128xf32, #tpu.memory_space<vmem>>
    %dma_start3A_9 = arith.constant 0 : i32
    %dma_start3A_10 = tpu.memref_slice %arg7[%dma_start3A, %dma_start3A_9] : memref<10x128xi32, #tpu.memory_space<vmem>> -> memref<1x128xi32, #tpu.memory_space<vmem>>
    %dma_start3A_11 = tpu.memref_squeeze %dma_start3A_10 : memref<1x128xi32, #tpu.memory_space<vmem>> -> memref<128xi32, #tpu.memory_space<vmem>>
    %dma_start3A_12 = arith.constant 0 : i32
    %dma_start3A_13 = arith.constant 0 : i32
    %dma_start3A_14 = tpu.memref_slice %arg4[%dma_start3A_12, %dma_start3A_13] : memref<100000x128xf32, #tpu.memory_space<hbm>> -> memref<100000x128xf32, #tpu.memory_space<hbm>>
    tpu.enqueue_indirect_dma source(%dma_start3A_14 : memref<100000x128xf32, #tpu.memory_space<hbm>>) target(%dma_start3A_8 : memref<128x128xf32, #tpu.memory_space<vmem>>) offsets(%dma_start3A_11 : memref<128xi32, #tpu.memory_space<vmem>>) semaphore(%arg11 : memref<!tpu.dma_semaphore, #tpu.memory_space<semaphore_mem>>)
    %dma_wait3A = arith.constant 0 : i32
    %dma_wait3A_15 = arith.constant 0 : i32
    %dma_wait3A_16 = tpu.memref_slice %arg9[%dma_wait3A, %dma_wait3A_15] : memref<512x128xf32, #tpu.memory_space<vmem>> -> memref<128x128xf32, #tpu.memory_space<vmem>>
    %dma_wait3A_17 = arith.constant 0 : i32
    %dma_wait3A_18 = arith.constant 0 : i32
    %dma_wait3A_19 = tpu.memref_slice %arg6[%dma_wait3A_17, %dma_wait3A_18] : memref<40960x128xf32, #tpu.memory_space<hbm>> -> memref<128x128xf32, #tpu.memory_space<hbm>>
    %dma_wait3A_20 = arith.constant 0 : i32
    %dma_wait3A_21 = arith.constant 0 : i32
    %dma_wait3A_22 = tpu.memref_slice %arg9[%dma_wait3A_20, %dma_wait3A_21] : memref<512x128xf32, #tpu.memory_space<vmem>> -> memref<128x128xf32, #tpu.memory_space<vmem>>
    %dma_wait3A_23 = arith.constant 0 : i32
    %dma_wait3A_24 = arith.constant 0 : i32
    %dma_wait3A_25 = tpu.memref_slice %arg6[%dma_wait3A_23, %dma_wait3A_24] : memref<40960x128xf32, #tpu.memory_space<hbm>> -> memref<128x128xf32, #tpu.memory_space<hbm>>
    tpu.wait_dma2 semaphore(%arg11 : memref<!tpu.dma_semaphore, #tpu.memory_space<semaphore_mem>>) src(%dma_wait3A_25 : memref<128x128xf32, #tpu.memory_space<hbm>>) dst(%dma_wait3A_22 : memref<128x128xf32, #tpu.memory_space<vmem>>)
    %rem3A_26 = arith.constant 0 : i32
    %rem3A_27 = arith.constant 4 : i32
    %rem3A_28 = arith.remsi %rem3A_26, %rem3A_27 : i32
    %mul3A_29 = arith.constant 128 : i32
    %mul3A_30 = arith.muli %rem3A_28, %mul3A_29 : i32
    %dma_start3A_31 = arith.constant 0 : i32
    %dma_start3A_32 = arith.constant 0 : i32
    %dma_start3A_33 = tpu.memref_slice %arg9[%mul3A_30, %dma_start3A_32] : memref<512x128xf32, #tpu.memory_space<vmem>> -> memref<128x128xf32, #tpu.memory_space<vmem>>
    %dma_start3A_34 = arith.constant 0 : i32
    %dma_start3A_35 = tpu.memref_slice %arg8[%dma_start3A_31, %dma_start3A_34] : memref<10x128xi32, #tpu.memory_space<vmem>> -> memref<1x128xi32, #tpu.memory_space<vmem>>
    %dma_start3A_36 = tpu.memref_squeeze %dma_start3A_35 : memref<1x128xi32, #tpu.memory_space<vmem>> -> memref<128xi32, #tpu.memory_space<vmem>>
    %dma_start3A_37 = arith.constant 0 : i32
    %dma_start3A_38 = arith.constant 0 : i32
    %dma_start3A_39 = tpu.memref_slice %arg10[%dma_start3A_37, %dma_start3A_38] : memref<400x128xf32, #tpu.memory_space<vmem_shared>> -> memref<400x128xf32, #tpu.memory_space<vmem_shared>>
    tpu.enqueue_indirect_dma source(%dma_start3A_39 : memref<400x128xf32, #tpu.memory_space<vmem_shared>>) target(%dma_start3A_33 : memref<128x128xf32, #tpu.memory_space<vmem>>) offsets(%dma_start3A_36 : memref<128xi32, #tpu.memory_space<vmem>>) semaphore(%arg12 : memref<!tpu.dma_semaphore, #tpu.memory_space<semaphore_mem>>) {add = true}
    %rem3A_40 = arith.constant 1 : i32
    %rem3A_41 = arith.constant 4 : i32
    %rem3A_42 = arith.remsi %rem3A_40, %rem3A_41 : i32
    %mul3A_43 = arith.constant 128 : i32
    %mul3A_44 = arith.muli %rem3A_42, %mul3A_43 : i32
    %dma_start3A_45 = arith.constant 1 : i32
    %dma_start3A_46 = arith.constant 0 : i32
    %dma_start3A_47 = tpu.memref_slice %arg9[%mul3A_44, %dma_start3A_46] : memref<512x128xf32, #tpu.memory_space<vmem>> -> memref<128x128xf32, #tpu.memory_space<vmem>>
    %dma_start3A_48 = arith.constant 0 : i32
    %dma_start3A_49 = tpu.memref_slice %arg7[%dma_start3A_45, %dma_start3A_48] : memref<10x128xi32, #tpu.memory_space<vmem>> -> memref<1x128xi32, #tpu.memory_space<vmem>>
    %dma_start3A_50 = tpu.memref_squeeze %dma_start3A_49 : memref<1x128xi32, #tpu.memory_space<vmem>> -> memref<128xi32, #tpu.memory_space<vmem>>
    %dma_start3A_51 = arith.constant 0 : i32
    %dma_start3A_52 = arith.constant 0 : i32
    %dma_start3A_53 = tpu.memref_slice %arg4[%dma_start3A_51, %dma_start3A_52] : memref<100000x128xf32, #tpu.memory_space<hbm>> -> memref<100000x128xf32, #tpu.memory_space<hbm>>
    tpu.enqueue_indirect_dma source(%dma_start3A_53 : memref<100000x128xf32, #tpu.memory_space<hbm>>) target(%dma_start3A_47 : memref<128x128xf32, #tpu.memory_space<vmem>>) offsets(%dma_start3A_50 : memref<128xi32, #tpu.memory_space<vmem>>) semaphore(%arg11 : memref<!tpu.dma_semaphore, #tpu.memory_space<semaphore_mem>>)
    %scan3A = arith.constant 0 : i32
    %scan3A_54 = arith.constant 10 : i32
    %scan3A_55 = arith.addi %scan3A, %scan3A_54 : i32
    %scan3A_56 = arith.constant 1 : i32
    scf.for %scan3A_106 = %scan3A to %scan3A_55 step %scan3A_56  : i32 {
      %add3A_107 = arith.constant 2 : i32
      %add3A_108 = arith.addi %scan3A_106, %add3A_107 : i32
      %lt3A = arith.constant 10 : i32
      %lt3A_109 = arith.cmpi slt, %add3A_108, %lt3A : i32
      %ge3A = arith.constant 2 : i32
      %ge3A_110 = arith.cmpi sge, %scan3A_106, %ge3A : i32
      %and3A = arith.andi %lt3A_109, %ge3A_110 : i1
      %convert_element_type3A_111 = arith.extui %and3A : i1 to i32
      %cond3A_112 = arith.constant 0 : i32
      %cond3A_113 = arith.cmpi ne, %convert_element_type3A_111, %cond3A_112 : i32
      scf.if %cond3A_113 {
        %dma_wait3A_157 = arith.constant 0 : i32
        %dma_wait3A_158 = arith.constant 0 : i32
        %dma_wait3A_159 = tpu.memref_slice %arg9[%dma_wait3A_157, %dma_wait3A_158] : memref<512x128xf32, #tpu.memory_space<vmem>> -> memref<128x128xf32, #tpu.memory_space<vmem>>
        %dma_wait3A_160 = arith.constant 0 : i32
        %dma_wait3A_161 = arith.constant 0 : i32
        %dma_wait3A_162 = tpu.memref_slice %arg6[%dma_wait3A_160, %dma_wait3A_161] : memref<40960x128xf32, #tpu.memory_space<hbm>> -> memref<128x128xf32, #tpu.memory_space<hbm>>
        %dma_wait3A_163 = arith.constant 0 : i32
        %dma_wait3A_164 = arith.constant 0 : i32
        %dma_wait3A_165 = tpu.memref_slice %arg9[%dma_wait3A_163, %dma_wait3A_164] : memref<512x128xf32, #tpu.memory_space<vmem>> -> memref<128x128xf32, #tpu.memory_space<vmem>>
        %dma_wait3A_166 = arith.constant 0 : i32
        %dma_wait3A_167 = arith.constant 0 : i32
        %dma_wait3A_168 = tpu.memref_slice %arg6[%dma_wait3A_166, %dma_wait3A_167] : memref<40960x128xf32, #tpu.memory_space<hbm>> -> memref<128x128xf32, #tpu.memory_space<hbm>>
        tpu.wait_dma2 semaphore(%arg13 : memref<!tpu.dma_semaphore, #tpu.memory_space<semaphore_mem>>) src(%dma_wait3A_168 : memref<128x128xf32, #tpu.memory_space<hbm>>) dst(%dma_wait3A_165 : memref<128x128xf32, #tpu.memory_space<vmem>>)
      } else {
      }
      %add3A_114 = arith.constant 2 : i32
      %add3A_115 = arith.addi %scan3A_106, %add3A_114 : i32
      %lt3A_116 = arith.constant 10 : i32
      %lt3A_117 = arith.cmpi slt, %add3A_115, %lt3A_116 : i32
      %convert_element_type3A_118 = arith.extui %lt3A_117 : i1 to i32
      %cond3A_119 = arith.constant 0 : i32
      %cond3A_120 = arith.cmpi ne, %convert_element_type3A_118, %cond3A_119 : i32
      scf.if %cond3A_120 {
        %add3A_157 = arith.constant 2 : i32
        %add3A_158 = arith.addi %scan3A_106, %add3A_157 : i32
        %add3A_159 = arith.constant 2 : i32
        %add3A_160 = arith.addi %scan3A_106, %add3A_159 : i32
        %rem3A_161 = arith.constant 4 : i32
        %rem3A_162 = arith.remsi %add3A_160, %rem3A_161 : i32
        %mul3A_163 = arith.constant 128 : i32
        %mul3A_164 = arith.muli %rem3A_162, %mul3A_163 : i32
        %dma_start3A_165 = arith.constant 0 : i32
        %dma_start3A_166 = tpu.memref_slice %arg9[%mul3A_164, %dma_start3A_165] : memref<512x128xf32, #tpu.memory_space<vmem>> -> memref<128x128xf32, #tpu.memory_space<vmem>>
        %dma_start3A_167 = arith.constant 0 : i32
        %dma_start3A_168 = tpu.memref_slice %arg7[%add3A_158, %dma_start3A_167] : memref<10x128xi32, #tpu.memory_space<vmem>> -> memref<1x128xi32, #tpu.memory_space<vmem>>
        %dma_start3A_169 = tpu.memref_squeeze %dma_start3A_168 : memref<1x128xi32, #tpu.memory_space<vmem>> -> memref<128xi32, #tpu.memory_space<vmem>>
        %dma_start3A_170 = arith.constant 0 : i32
        %dma_start3A_171 = arith.constant 0 : i32
        %dma_start3A_172 = tpu.memref_slice %arg4[%dma_start3A_170, %dma_start3A_171] : memref<100000x128xf32, #tpu.memory_space<hbm>> -> memref<100000x128xf32, #tpu.memory_space<hbm>>
        tpu.enqueue_indirect_dma source(%dma_start3A_172 : memref<100000x128xf32, #tpu.memory_space<hbm>>) target(%dma_start3A_166 : memref<128x128xf32, #tpu.memory_space<vmem>>) offsets(%dma_start3A_169 : memref<128xi32, #tpu.memory_space<vmem>>) semaphore(%arg11 : memref<!tpu.dma_semaphore, #tpu.memory_space<semaphore_mem>>)
      } else {
      }
      %add3A_121 = arith.constant 1 : i32
      %add3A_122 = arith.addi %scan3A_106, %add3A_121 : i32
      %lt3A_123 = arith.constant 10 : i32
      %lt3A_124 = arith.cmpi slt, %add3A_122, %lt3A_123 : i32
      %convert_element_type3A_125 = arith.extui %lt3A_124 : i1 to i32
      %cond3A_126 = arith.constant 0 : i32
      %cond3A_127 = arith.cmpi ne, %convert_element_type3A_125, %cond3A_126 : i32
      scf.if %cond3A_127 {
        %dma_wait3A_157 = arith.constant 0 : i32
        %dma_wait3A_158 = arith.constant 0 : i32
        %dma_wait3A_159 = tpu.memref_slice %arg9[%dma_wait3A_157, %dma_wait3A_158] : memref<512x128xf32, #tpu.memory_space<vmem>> -> memref<128x128xf32, #tpu.memory_space<vmem>>
        %dma_wait3A_160 = arith.constant 0 : i32
        %dma_wait3A_161 = arith.constant 0 : i32
        %dma_wait3A_162 = tpu.memref_slice %arg6[%dma_wait3A_160, %dma_wait3A_161] : memref<40960x128xf32, #tpu.memory_space<hbm>> -> memref<128x128xf32, #tpu.memory_space<hbm>>
        %dma_wait3A_163 = arith.constant 0 : i32
        %dma_wait3A_164 = arith.constant 0 : i32
        %dma_wait3A_165 = tpu.memref_slice %arg9[%dma_wait3A_163, %dma_wait3A_164] : memref<512x128xf32, #tpu.memory_space<vmem>> -> memref<128x128xf32, #tpu.memory_space<vmem>>
        %dma_wait3A_166 = arith.constant 0 : i32
        %dma_wait3A_167 = arith.constant 0 : i32
        %dma_wait3A_168 = tpu.memref_slice %arg6[%dma_wait3A_166, %dma_wait3A_167] : memref<40960x128xf32, #tpu.memory_space<hbm>> -> memref<128x128xf32, #tpu.memory_space<hbm>>
        tpu.wait_dma2 semaphore(%arg11 : memref<!tpu.dma_semaphore, #tpu.memory_space<semaphore_mem>>) src(%dma_wait3A_168 : memref<128x128xf32, #tpu.memory_space<hbm>>) dst(%dma_wait3A_165 : memref<128x128xf32, #tpu.memory_space<vmem>>)
        %add3A_169 = arith.constant 1 : i32
        %add3A_170 = arith.addi %scan3A_106, %add3A_169 : i32
        %add3A_171 = arith.constant 1 : i32
        %add3A_172 = arith.addi %scan3A_106, %add3A_171 : i32
        %rem3A_173 = arith.constant 4 : i32
        %rem3A_174 = arith.remsi %add3A_172, %rem3A_173 : i32
        %mul3A_175 = arith.constant 128 : i32
        %mul3A_176 = arith.muli %rem3A_174, %mul3A_175 : i32
        %dma_start3A_177 = arith.constant 0 : i32
        %dma_start3A_178 = tpu.memref_slice %arg9[%mul3A_176, %dma_start3A_177] : memref<512x128xf32, #tpu.memory_space<vmem>> -> memref<128x128xf32, #tpu.memory_space<vmem>>
        %dma_start3A_179 = arith.constant 0 : i32
        %dma_start3A_180 = tpu.memref_slice %arg8[%add3A_170, %dma_start3A_179] : memref<10x128xi32, #tpu.memory_space<vmem>> -> memref<1x128xi32, #tpu.memory_space<vmem>>
        %dma_start3A_181 = tpu.memref_squeeze %dma_start3A_180 : memref<1x128xi32, #tpu.memory_space<vmem>> -> memref<128xi32, #tpu.memory_space<vmem>>
        %dma_start3A_182 = arith.constant 0 : i32
        %dma_start3A_183 = arith.constant 0 : i32
        %dma_start3A_184 = tpu.memref_slice %arg10[%dma_start3A_182, %dma_start3A_183] : memref<400x128xf32, #tpu.memory_space<vmem_shared>> -> memref<400x128xf32, #tpu.memory_space<vmem_shared>>
        tpu.enqueue_indirect_dma source(%dma_start3A_184 : memref<400x128xf32, #tpu.memory_space<vmem_shared>>) target(%dma_start3A_178 : memref<128x128xf32, #tpu.memory_space<vmem>>) offsets(%dma_start3A_181 : memref<128xi32, #tpu.memory_space<vmem>>) semaphore(%arg12 : memref<!tpu.dma_semaphore, #tpu.memory_space<semaphore_mem>>) {add = true}
      } else {
      }
      %dma_wait3A_128 = arith.constant 0 : i32
      %dma_wait3A_129 = arith.constant 0 : i32
      %dma_wait3A_130 = tpu.memref_slice %arg9[%dma_wait3A_128, %dma_wait3A_129] : memref<512x128xf32, #tpu.memory_space<vmem>> -> memref<128x128xf32, #tpu.memory_space<vmem>>
      %dma_wait3A_131 = arith.constant 0 : i32
      %dma_wait3A_132 = arith.constant 0 : i32
      %dma_wait3A_133 = tpu.memref_slice %arg6[%dma_wait3A_131, %dma_wait3A_132] : memref<40960x128xf32, #tpu.memory_space<hbm>> -> memref<128x128xf32, #tpu.memory_space<hbm>>
      %dma_wait3A_134 = arith.constant 0 : i32
      %dma_wait3A_135 = arith.constant 0 : i32
      %dma_wait3A_136 = tpu.memref_slice %arg9[%dma_wait3A_134, %dma_wait3A_135] : memref<512x128xf32, #tpu.memory_space<vmem>> -> memref<128x128xf32, #tpu.memory_space<vmem>>
      %dma_wait3A_137 = arith.constant 0 : i32
      %dma_wait3A_138 = arith.constant 0 : i32
      %dma_wait3A_139 = tpu.memref_slice %arg6[%dma_wait3A_137, %dma_wait3A_138] : memref<40960x128xf32, #tpu.memory_space<hbm>> -> memref<128x128xf32, #tpu.memory_space<hbm>>
      tpu.wait_dma2 semaphore(%arg12 : memref<!tpu.dma_semaphore, #tpu.memory_space<semaphore_mem>>) src(%dma_wait3A_139 : memref<128x128xf32, #tpu.memory_space<hbm>>) dst(%dma_wait3A_136 : memref<128x128xf32, #tpu.memory_space<vmem>>)
      %mul3A_140 = arith.constant 1280 : i32
      %mul3A_141 = arith.muli %add3A, %mul3A_140 : i32
      %mul3A_142 = arith.constant 128 : i32
      %mul3A_143 = arith.muli %scan3A_106, %mul3A_142 : i32
      %add3A_144 = arith.addi %mul3A_141, %mul3A_143 : i32
      %rem3A_145 = arith.constant 4 : i32
      %rem3A_146 = arith.remsi %scan3A_106, %rem3A_145 : i32
      %mul3A_147 = arith.constant 128 : i32
      %mul3A_148 = arith.muli %rem3A_146, %mul3A_147 : i32
      %dma_start3A_149 = arith.constant 0 : i32
      %dma_start3A_150 = tpu.memref_slice %arg9[%mul3A_148, %dma_start3A_149] : memref<512x128xf32, #tpu.memory_space<vmem>> -> memref<128x128xf32, #tpu.memory_space<vmem>>
      %dma_start3A_151 = arith.constant 0 : i32
      %dma_start3A_152 = tpu.memref_slice %arg6[%add3A_144, %dma_start3A_151] : memref<40960x128xf32, #tpu.memory_space<hbm>> -> memref<128x128xf32, #tpu.memory_space<hbm>>
      %dma_start3A_153 = arith.constant 0 : i32
      %dma_start3A_154 = tpu.memref_slice %arg6[%add3A_144, %dma_start3A_153] : memref<40960x128xf32, #tpu.memory_space<hbm>> -> memref<128x128xf32, #tpu.memory_space<hbm>>
      %dma_start3A_155 = arith.constant 0 : i32
      %dma_start3A_156 = tpu.memref_slice %arg9[%mul3A_148, %dma_start3A_155] : memref<512x128xf32, #tpu.memory_space<vmem>> -> memref<128x128xf32, #tpu.memory_space<vmem>>
      tpu.enqueue_dma source(%dma_start3A_156 : memref<128x128xf32, #tpu.memory_space<vmem>>) target(%dma_start3A_154 : memref<128x128xf32, #tpu.memory_space<hbm>>) target_semaphore(%arg13 : memref<!tpu.dma_semaphore, #tpu.memory_space<semaphore_mem>>)
    }
    %scan3A_57 = arith.constant 10 : i32
    %dma_wait3A_58 = arith.constant 0 : i32
    %dma_wait3A_59 = arith.constant 0 : i32
    %dma_wait3A_60 = tpu.memref_slice %arg9[%dma_wait3A_58, %dma_wait3A_59] : memref<512x128xf32, #tpu.memory_space<vmem>> -> memref<128x128xf32, #tpu.memory_space<vmem>>
    %dma_wait3A_61 = arith.constant 0 : i32
    %dma_wait3A_62 = arith.constant 0 : i32
    %dma_wait3A_63 = tpu.memref_slice %arg6[%dma_wait3A_61, %dma_wait3A_62] : memref<40960x128xf32, #tpu.memory_space<hbm>> -> memref<128x128xf32, #tpu.memory_space<hbm>>
    %dma_wait3A_64 = arith.constant 0 : i32
    %dma_wait3A_65 = arith.constant 0 : i32
    %dma_wait3A_66 = tpu.memref_slice %arg9[%dma_wait3A_64, %dma_wait3A_65] : memref<512x128xf32, #tpu.memory_space<vmem>> -> memref<128x128xf32, #tpu.memory_space<vmem>>
    %dma_wait3A_67 = arith.constant 0 : i32
    %dma_wait3A_68 = arith.constant 0 : i32
    %dma_wait3A_69 = tpu.memref_slice %arg6[%dma_wait3A_67, %dma_wait3A_68] : memref<40960x128xf32, #tpu.memory_space<hbm>> -> memref<128x128xf32, #tpu.memory_space<hbm>>
    tpu.wait_dma2 semaphore(%arg13 : memref<!tpu.dma_semaphore, #tpu.memory_space<semaphore_mem>>) src(%dma_wait3A_69 : memref<128x128xf32, #tpu.memory_space<hbm>>) dst(%dma_wait3A_66 : memref<128x128xf32, #tpu.memory_space<vmem>>)
    %dma_wait3A_70 = arith.constant 0 : i32
    %dma_wait3A_71 = arith.constant 0 : i32
    %dma_wait3A_72 = tpu.memref_slice %arg9[%dma_wait3A_70, %dma_wait3A_71] : memref<512x128xf32, #tpu.memory_space<vmem>> -> memref<128x128xf32, #tpu.memory_space<vmem>>
    %dma_wait3A_73 = arith.constant 0 : i32
    %dma_wait3A_74 = arith.constant 0 : i32
    %dma_wait3A_75 = tpu.memref_slice %arg6[%dma_wait3A_73, %dma_wait3A_74] : memref<40960x128xf32, #tpu.memory_space<hbm>> -> memref<128x128xf32, #tpu.memory_space<hbm>>
    %dma_wait3A_76 = arith.constant 0 : i32
    %dma_wait3A_77 = arith.constant 0 : i32
    %dma_wait3A_78 = tpu.memref_slice %arg9[%dma_wait3A_76, %dma_wait3A_77] : memref<512x128xf32, #tpu.memory_space<vmem>> -> memref<128x128xf32, #tpu.memory_space<vmem>>
    %dma_wait3A_79 = arith.constant 0 : i32
    %dma_wait3A_80 = arith.constant 0 : i32
    %dma_wait3A_81 = tpu.memref_slice %arg6[%dma_wait3A_79, %dma_wait3A_80] : memref<40960x128xf32, #tpu.memory_space<hbm>> -> memref<128x128xf32, #tpu.memory_space<hbm>>
    tpu.wait_dma2 semaphore(%arg13 : memref<!tpu.dma_semaphore, #tpu.memory_space<semaphore_mem>>) src(%dma_wait3A_81 : memref<128x128xf32, #tpu.memory_space<hbm>>) dst(%dma_wait3A_78 : memref<128x128xf32, #tpu.memory_space<vmem>>)
    %dma_wait3A_82 = arith.constant 0 : i32
    %dma_wait3A_83 = arith.constant 0 : i32
    %dma_wait3A_84 = tpu.memref_slice %arg9[%dma_wait3A_82, %dma_wait3A_83] : memref<512x128xf32, #tpu.memory_space<vmem>> -> memref<128x128xf32, #tpu.memory_space<vmem>>
    %dma_wait3A_85 = arith.constant 0 : i32
    %dma_wait3A_86 = arith.constant 0 : i32
    %dma_wait3A_87 = tpu.memref_slice %arg6[%dma_wait3A_85, %dma_wait3A_86] : memref<40960x128xf32, #tpu.memory_space<hbm>> -> memref<128x128xf32, #tpu.memory_space<hbm>>
    %dma_wait3A_88 = arith.constant 0 : i32
    %dma_wait3A_89 = arith.constant 0 : i32
    %dma_wait3A_90 = tpu.memref_slice %arg9[%dma_wait3A_88, %dma_wait3A_89] : memref<512x128xf32, #tpu.memory_space<vmem>> -> memref<128x128xf32, #tpu.memory_space<vmem>>
    %dma_wait3A_91 = arith.constant 0 : i32
    %dma_wait3A_92 = arith.constant 0 : i32
    %dma_wait3A_93 = tpu.memref_slice %arg6[%dma_wait3A_91, %dma_wait3A_92] : memref<40960x128xf32, #tpu.memory_space<hbm>> -> memref<128x128xf32, #tpu.memory_space<hbm>>
    tpu.wait_dma2 semaphore(%arg13 : memref<!tpu.dma_semaphore, #tpu.memory_space<semaphore_mem>>) src(%dma_wait3A_93 : memref<128x128xf32, #tpu.memory_space<hbm>>) dst(%dma_wait3A_90 : memref<128x128xf32, #tpu.memory_space<vmem>>)
    %dma_wait3A_94 = arith.constant 0 : i32
    %dma_wait3A_95 = arith.constant 0 : i32
    %dma_wait3A_96 = tpu.memref_slice %arg9[%dma_wait3A_94, %dma_wait3A_95] : memref<512x128xf32, #tpu.memory_space<vmem>> -> memref<128x128xf32, #tpu.memory_space<vmem>>
    %dma_wait3A_97 = arith.constant 0 : i32
    %dma_wait3A_98 = arith.constant 0 : i32
    %dma_wait3A_99 = tpu.memref_slice %arg6[%dma_wait3A_97, %dma_wait3A_98] : memref<40960x128xf32, #tpu.memory_space<hbm>> -> memref<128x128xf32, #tpu.memory_space<hbm>>
    %dma_wait3A_100 = arith.constant 0 : i32
    %dma_wait3A_101 = arith.constant 0 : i32
    %dma_wait3A_102 = tpu.memref_slice %arg9[%dma_wait3A_100, %dma_wait3A_101] : memref<512x128xf32, #tpu.memory_space<vmem>> -> memref<128x128xf32, #tpu.memory_space<vmem>>
    %dma_wait3A_103 = arith.constant 0 : i32
    %dma_wait3A_104 = arith.constant 0 : i32
    %dma_wait3A_105 = tpu.memref_slice %arg6[%dma_wait3A_103, %dma_wait3A_104] : memref<40960x128xf32, #tpu.memory_space<hbm>> -> memref<128x128xf32, #tpu.memory_space<hbm>>
    tpu.wait_dma2 semaphore(%arg13 : memref<!tpu.dma_semaphore, #tpu.memory_space<semaphore_mem>>) src(%dma_wait3A_105 : memref<128x128xf32, #tpu.memory_space<hbm>>) dst(%dma_wait3A_102 : memref<128x128xf32, #tpu.memory_space<vmem>>)
    return
  }
}

#map = affine_map<(d0, d1) -> (0, 0, 0)>
#map1 = affine_map<(d0, d1) -> (0, 0)>
module attributes {stable_mosaic.version = 14 : i64} {
  func.func @_gather_body(%arg0: i32, %arg1: i32, %arg2: memref<32x10x128xi32, #tpu.memory_space<hbm>>, %arg3: memref<32x10x128xi32, #tpu.memory_space<hbm>>, %arg4: memref<100000x128xf32, #tpu.memory_space<hbm>>, %arg5: memref<400x128xf32, #tpu.memory_space<hbm>>, %arg6: memref<40960x128xf32, #tpu.memory_space<hbm>>, %arg7: memref<10x128xi32, #tpu.memory_space<vmem>>, %arg8: memref<10x128xi32, #tpu.memory_space<vmem>>, %arg9: memref<512x128xf32, #tpu.memory_space<vmem>>, %arg10: memref<400x128xf32, #tpu.memory_space<vmem_shared>>, %arg11: memref<!tpu.dma_semaphore, #tpu.memory_space<semaphore_mem>>, %arg12: memref<!tpu.dma_semaphore, #tpu.memory_space<semaphore_mem>>, %arg13: memref<!tpu.dma_semaphore, #tpu.memory_space<semaphore_mem>>) attributes {dimension_semantics = [#tpu.dimension_semantics<core_parallel>, #tpu.dimension_semantics<subcore_parallel>], iteration_bounds = array<i64: 2, 16>, scalar_prefetch = 0 : i64, scratch_operands = 7 : i64, tpu.core_type = #tpu.core_type<sc_vector_subcore>, window_params = [{transform_indices = #map}, {transform_indices = #map}, {transform_indices = #map1}, {transform_indices = #map1}, {transform_indices = #map1}]} {
    %mul3A = arith.constant 2 : i32
    %mul3A_0 = arith.muli %arg1, %mul3A : i32
    %add3A = arith.addi %mul3A_0, %arg0 : i32
    %eq3A = arith.constant 0 : i32
    %eq3A_1 = arith.cmpi eq, %arg1, %eq3A : i32
    %convert_element_type3A = arith.extui %eq3A_1 : i1 to i32
    %cond3A = arith.constant 0 : i32
    %cond3A_2 = arith.cmpi ne, %convert_element_type3A, %cond3A : i32
    scf.if %cond3A_2 {
      "tpu.region"() ({
        %run_scoped3A = tpu.sem_alloc : memref<!tpu.dma_semaphore, #tpu.memory_space<semaphore_mem>>
        tpu.enqueue_dma source(%arg5 : memref<400x128xf32, #tpu.memory_space<hbm>>) target(%arg10 : memref<400x128xf32, #tpu.memory_space<vmem_shared>>) target_semaphore(%run_scoped3A : memref<!tpu.dma_semaphore, #tpu.memory_space<semaphore_mem>>)
        tpu.wait_dma2 semaphore(%run_scoped3A : memref<!tpu.dma_semaphore, #tpu.memory_space<semaphore_mem>>) src(%arg5 : memref<400x128xf32, #tpu.memory_space<hbm>>) dst(%arg10 : memref<400x128xf32, #tpu.memory_space<vmem_shared>>)
        tpu.yield
      }) : () -> ()
    } else {
    }
    %barrier3A = arith.constant 0 : index
    tpu.barrier barrier_id(%barrier3A)
    "tpu.region"() ({
      %run_scoped3A = tpu.sem_alloc : memref<!tpu.dma_semaphore, #tpu.memory_space<semaphore_mem>>
      %dma_start3A_106 = arith.constant 0 : i32
      %dma_start3A_107 = arith.constant 0 : i32
      %dma_start3A_108 = tpu.memref_slice %arg2[%add3A, %dma_start3A_106, %dma_start3A_107] : memref<32x10x128xi32, #tpu.memory_space<hbm>> -> memref<1x10x128xi32, #tpu.memory_space<hbm>>
      %dma_start3A_109 = tpu.memref_squeeze %dma_start3A_108 : memref<1x10x128xi32, #tpu.memory_space<hbm>> -> memref<10x128xi32, #tpu.memory_space<hbm>>
      %dma_start3A_110 = arith.constant 0 : i32
      %dma_start3A_111 = arith.constant 0 : i32
      %dma_start3A_112 = tpu.memref_slice %arg2[%add3A, %dma_start3A_110, %dma_start3A_111] : memref<32x10x128xi32, #tpu.memory_space<hbm>> -> memref<1x10x128xi32, #tpu.memory_space<hbm>>
      %dma_start3A_113 = tpu.memref_squeeze %dma_start3A_112 : memref<1x10x128xi32, #tpu.memory_space<hbm>> -> memref<10x128xi32, #tpu.memory_space<hbm>>
      tpu.enqueue_dma source(%dma_start3A_113 : memref<10x128xi32, #tpu.memory_space<hbm>>) target(%arg7 : memref<10x128xi32, #tpu.memory_space<vmem>>) target_semaphore(%run_scoped3A : memref<!tpu.dma_semaphore, #tpu.memory_space<semaphore_mem>>)
      %dma_wait3A_114 = arith.constant 0 : i32
      %dma_wait3A_115 = arith.constant 0 : i32
      %dma_wait3A_116 = tpu.memref_slice %arg2[%add3A, %dma_wait3A_114, %dma_wait3A_115] : memref<32x10x128xi32, #tpu.memory_space<hbm>> -> memref<1x10x128xi32, #tpu.memory_space<hbm>>
      %dma_wait3A_117 = tpu.memref_squeeze %dma_wait3A_116 : memref<1x10x128xi32, #tpu.memory_space<hbm>> -> memref<10x128xi32, #tpu.memory_space<hbm>>
      %dma_wait3A_118 = arith.constant 0 : i32
      %dma_wait3A_119 = arith.constant 0 : i32
      %dma_wait3A_120 = tpu.memref_slice %arg2[%add3A, %dma_wait3A_118, %dma_wait3A_119] : memref<32x10x128xi32, #tpu.memory_space<hbm>> -> memref<1x10x128xi32, #tpu.memory_space<hbm>>
      %dma_wait3A_121 = tpu.memref_squeeze %dma_wait3A_120 : memref<1x10x128xi32, #tpu.memory_space<hbm>> -> memref<10x128xi32, #tpu.memory_space<hbm>>
      tpu.wait_dma2 semaphore(%run_scoped3A : memref<!tpu.dma_semaphore, #tpu.memory_space<semaphore_mem>>) src(%dma_wait3A_121 : memref<10x128xi32, #tpu.memory_space<hbm>>) dst(%arg7 : memref<10x128xi32, #tpu.memory_space<vmem>>)
      tpu.yield
    }) : () -> ()
    "tpu.region"() ({
      %run_scoped3A = tpu.sem_alloc : memref<!tpu.dma_semaphore, #tpu.memory_space<semaphore_mem>>
      %dma_start3A_106 = arith.constant 0 : i32
      %dma_start3A_107 = arith.constant 0 : i32
      %dma_start3A_108 = tpu.memref_slice %arg3[%add3A, %dma_start3A_106, %dma_start3A_107] : memref<32x10x128xi32, #tpu.memory_space<hbm>> -> memref<1x10x128xi32, #tpu.memory_space<hbm>>
      %dma_start3A_109 = tpu.memref_squeeze %dma_start3A_108 : memref<1x10x128xi32, #tpu.memory_space<hbm>> -> memref<10x128xi32, #tpu.memory_space<hbm>>
      %dma_start3A_110 = arith.constant 0 : i32
      %dma_start3A_111 = arith.constant 0 : i32
      %dma_start3A_112 = tpu.memref_slice %arg3[%add3A, %dma_start3A_110, %dma_start3A_111] : memref<32x10x128xi32, #tpu.memory_space<hbm>> -> memref<1x10x128xi32, #tpu.memory_space<hbm>>
      %dma_start3A_113 = tpu.memref_squeeze %dma_start3A_112 : memref<1x10x128xi32, #tpu.memory_space<hbm>> -> memref<10x128xi32, #tpu.memory_space<hbm>>
      tpu.enqueue_dma source(%dma_start3A_113 : memref<10x128xi32, #tpu.memory_space<hbm>>) target(%arg8 : memref<10x128xi32, #tpu.memory_space<vmem>>) target_semaphore(%run_scoped3A : memref<!tpu.dma_semaphore, #tpu.memory_space<semaphore_mem>>)
      %dma_wait3A_114 = arith.constant 0 : i32
      %dma_wait3A_115 = arith.constant 0 : i32
      %dma_wait3A_116 = tpu.memref_slice %arg3[%add3A, %dma_wait3A_114, %dma_wait3A_115] : memref<32x10x128xi32, #tpu.memory_space<hbm>> -> memref<1x10x128xi32, #tpu.memory_space<hbm>>
      %dma_wait3A_117 = tpu.memref_squeeze %dma_wait3A_116 : memref<1x10x128xi32, #tpu.memory_space<hbm>> -> memref<10x128xi32, #tpu.memory_space<hbm>>
      %dma_wait3A_118 = arith.constant 0 : i32
      %dma_wait3A_119 = arith.constant 0 : i32
      %dma_wait3A_120 = tpu.memref_slice %arg3[%add3A, %dma_wait3A_118, %dma_wait3A_119] : memref<32x10x128xi32, #tpu.memory_space<hbm>> -> memref<1x10x128xi32, #tpu.memory_space<hbm>>
      %dma_wait3A_121 = tpu.memref_squeeze %dma_wait3A_120 : memref<1x10x128xi32, #tpu.memory_space<hbm>> -> memref<10x128xi32, #tpu.memory_space<hbm>>
      tpu.wait_dma2 semaphore(%run_scoped3A : memref<!tpu.dma_semaphore, #tpu.memory_space<semaphore_mem>>) src(%dma_wait3A_121 : memref<10x128xi32, #tpu.memory_space<hbm>>) dst(%arg8 : memref<10x128xi32, #tpu.memory_space<vmem>>)
      tpu.yield
    }) : () -> ()
    %rem3A = arith.constant 0 : i32
    %rem3A_3 = arith.constant 4 : i32
    %rem3A_4 = arith.remsi %rem3A, %rem3A_3 : i32
    %mul3A_5 = arith.constant 128 : i32
    %mul3A_6 = arith.muli %rem3A_4, %mul3A_5 : i32
    %dma_start3A = arith.constant 0 : i32
    %dma_start3A_7 = arith.constant 0 : i32
    %dma_start3A_8 = tpu.memref_slice %arg9[%mul3A_6, %dma_start3A_7] : memref<512x128xf32, #tpu.memory_space<vmem>> -> memref<128x128xf32, #tpu.memory_space<vmem>>
    %dma_start3A_9 = arith.constant 0 : i32
    %dma_start3A_10 = tpu.memref_slice %arg7[%dma_start3A, %dma_start3A_9] : memref<10x128xi32, #tpu.memory_space<vmem>> -> memref<1x128xi32, #tpu.memory_space<vmem>>
    %dma_start3A_11 = tpu.memref_squeeze %dma_start3A_10 : memref<1x128xi32, #tpu.memory_space<vmem>> -> memref<128xi32, #tpu.memory_space<vmem>>
    %dma_start3A_12 = arith.constant 0 : i32
    %dma_start3A_13 = arith.constant 0 : i32
    %dma_start3A_14 = tpu.memref_slice %arg4[%dma_start3A_12, %dma_start3A_13] : memref<100000x128xf32, #tpu.memory_space<hbm>> -> memref<100000x128xf32, #tpu.memory_space<hbm>>
    tpu.enqueue_indirect_dma source(%dma_start3A_14 : memref<100000x128xf32, #tpu.memory_space<hbm>>) target(%dma_start3A_8 : memref<128x128xf32, #tpu.memory_space<vmem>>) offsets(%dma_start3A_11 : memref<128xi32, #tpu.memory_space<vmem>>) semaphore(%arg11 : memref<!tpu.dma_semaphore, #tpu.memory_space<semaphore_mem>>)
    %dma_wait3A = arith.constant 0 : i32
    %dma_wait3A_15 = arith.constant 0 : i32
    %dma_wait3A_16 = tpu.memref_slice %arg9[%dma_wait3A, %dma_wait3A_15] : memref<512x128xf32, #tpu.memory_space<vmem>> -> memref<128x128xf32, #tpu.memory_space<vmem>>
    %dma_wait3A_17 = arith.constant 0 : i32
    %dma_wait3A_18 = arith.constant 0 : i32
    %dma_wait3A_19 = tpu.memref_slice %arg6[%dma_wait3A_17, %dma_wait3A_18] : memref<40960x128xf32, #tpu.memory_space<hbm>> -> memref<128x128xf32, #tpu.memory_space<hbm>>
    %dma_wait3A_20 = arith.constant 0 : i32
    %dma_wait3A_21 = arith.constant 0 : i32
    %dma_wait3A_22 = tpu.memref_slice %arg9[%dma_wait3A_20, %dma_wait3A_21] : memref<512x128xf32, #tpu.memory_space<vmem>> -> memref<128x128xf32, #tpu.memory_space<vmem>>
    %dma_wait3A_23 = arith.constant 0 : i32
    %dma_wait3A_24 = arith.constant 0 : i32
    %dma_wait3A_25 = tpu.memref_slice %arg6[%dma_wait3A_23, %dma_wait3A_24] : memref<40960x128xf32, #tpu.memory_space<hbm>> -> memref<128x128xf32, #tpu.memory_space<hbm>>
    tpu.wait_dma2 semaphore(%arg11 : memref<!tpu.dma_semaphore, #tpu.memory_space<semaphore_mem>>) src(%dma_wait3A_25 : memref<128x128xf32, #tpu.memory_space<hbm>>) dst(%dma_wait3A_22 : memref<128x128xf32, #tpu.memory_space<vmem>>)
    %rem3A_26 = arith.constant 0 : i32
    %rem3A_27 = arith.constant 4 : i32
    %rem3A_28 = arith.remsi %rem3A_26, %rem3A_27 : i32
    %mul3A_29 = arith.constant 128 : i32
    %mul3A_30 = arith.muli %rem3A_28, %mul3A_29 : i32
    %dma_start3A_31 = arith.constant 0 : i32
    %dma_start3A_32 = arith.constant 0 : i32
    %dma_start3A_33 = tpu.memref_slice %arg9[%mul3A_30, %dma_start3A_32] : memref<512x128xf32, #tpu.memory_space<vmem>> -> memref<128x128xf32, #tpu.memory_space<vmem>>
    %dma_start3A_34 = arith.constant 0 : i32
    %dma_start3A_35 = tpu.memref_slice %arg8[%dma_start3A_31, %dma_start3A_34] : memref<10x128xi32, #tpu.memory_space<vmem>> -> memref<1x128xi32, #tpu.memory_space<vmem>>
    %dma_start3A_36 = tpu.memref_squeeze %dma_start3A_35 : memref<1x128xi32, #tpu.memory_space<vmem>> -> memref<128xi32, #tpu.memory_space<vmem>>
    %dma_start3A_37 = arith.constant 0 : i32
    %dma_start3A_38 = arith.constant 0 : i32
    %dma_start3A_39 = tpu.memref_slice %arg10[%dma_start3A_37, %dma_start3A_38] : memref<400x128xf32, #tpu.memory_space<vmem_shared>> -> memref<400x128xf32, #tpu.memory_space<vmem_shared>>
    tpu.enqueue_indirect_dma source(%dma_start3A_39 : memref<400x128xf32, #tpu.memory_space<vmem_shared>>) target(%dma_start3A_33 : memref<128x128xf32, #tpu.memory_space<vmem>>) offsets(%dma_start3A_36 : memref<128xi32, #tpu.memory_space<vmem>>) semaphore(%arg12 : memref<!tpu.dma_semaphore, #tpu.memory_space<semaphore_mem>>) {add = true}
    %rem3A_40 = arith.constant 1 : i32
    %rem3A_41 = arith.constant 4 : i32
    %rem3A_42 = arith.remsi %rem3A_40, %rem3A_41 : i32
    %mul3A_43 = arith.constant 128 : i32
    %mul3A_44 = arith.muli %rem3A_42, %mul3A_43 : i32
    %dma_start3A_45 = arith.constant 1 : i32
    %dma_start3A_46 = arith.constant 0 : i32
    %dma_start3A_47 = tpu.memref_slice %arg9[%mul3A_44, %dma_start3A_46] : memref<512x128xf32, #tpu.memory_space<vmem>> -> memref<128x128xf32, #tpu.memory_space<vmem>>
    %dma_start3A_48 = arith.constant 0 : i32
    %dma_start3A_49 = tpu.memref_slice %arg7[%dma_start3A_45, %dma_start3A_48] : memref<10x128xi32, #tpu.memory_space<vmem>> -> memref<1x128xi32, #tpu.memory_space<vmem>>
    %dma_start3A_50 = tpu.memref_squeeze %dma_start3A_49 : memref<1x128xi32, #tpu.memory_space<vmem>> -> memref<128xi32, #tpu.memory_space<vmem>>
    %dma_start3A_51 = arith.constant 0 : i32
    %dma_start3A_52 = arith.constant 0 : i32
    %dma_start3A_53 = tpu.memref_slice %arg4[%dma_start3A_51, %dma_start3A_52] : memref<100000x128xf32, #tpu.memory_space<hbm>> -> memref<100000x128xf32, #tpu.memory_space<hbm>>
    tpu.enqueue_indirect_dma source(%dma_start3A_53 : memref<100000x128xf32, #tpu.memory_space<hbm>>) target(%dma_start3A_47 : memref<128x128xf32, #tpu.memory_space<vmem>>) offsets(%dma_start3A_50 : memref<128xi32, #tpu.memory_space<vmem>>) semaphore(%arg11 : memref<!tpu.dma_semaphore, #tpu.memory_space<semaphore_mem>>)
    %scan3A = arith.constant 0 : i32
    %scan3A_54 = arith.constant 10 : i32
    %scan3A_55 = arith.addi %scan3A, %scan3A_54 : i32
    %scan3A_56 = arith.constant 1 : i32
    scf.for %scan3A_106 = %scan3A to %scan3A_55 step %scan3A_56  : i32 {
      %add3A_107 = arith.constant 2 : i32
      %add3A_108 = arith.addi %scan3A_106, %add3A_107 : i32
      %lt3A = arith.constant 10 : i32
      %lt3A_109 = arith.cmpi slt, %add3A_108, %lt3A : i32
      %ge3A = arith.constant 2 : i32
      %ge3A_110 = arith.cmpi sge, %scan3A_106, %ge3A : i32
      %and3A = arith.andi %lt3A_109, %ge3A_110 : i1
      %convert_element_type3A_111 = arith.extui %and3A : i1 to i32
      %cond3A_112 = arith.constant 0 : i32
      %cond3A_113 = arith.cmpi ne, %convert_element_type3A_111, %cond3A_112 : i32
      scf.if %cond3A_113 {
        %dma_wait3A_157 = arith.constant 0 : i32
        %dma_wait3A_158 = arith.constant 0 : i32
        %dma_wait3A_159 = tpu.memref_slice %arg9[%dma_wait3A_157, %dma_wait3A_158] : memref<512x128xf32, #tpu.memory_space<vmem>> -> memref<128x128xf32, #tpu.memory_space<vmem>>
        %dma_wait3A_160 = arith.constant 0 : i32
        %dma_wait3A_161 = arith.constant 0 : i32
        %dma_wait3A_162 = tpu.memref_slice %arg6[%dma_wait3A_160, %dma_wait3A_161] : memref<40960x128xf32, #tpu.memory_space<hbm>> -> memref<128x128xf32, #tpu.memory_space<hbm>>
        %dma_wait3A_163 = arith.constant 0 : i32
        %dma_wait3A_164 = arith.constant 0 : i32
        %dma_wait3A_165 = tpu.memref_slice %arg9[%dma_wait3A_163, %dma_wait3A_164] : memref<512x128xf32, #tpu.memory_space<vmem>> -> memref<128x128xf32, #tpu.memory_space<vmem>>
        %dma_wait3A_166 = arith.constant 0 : i32
        %dma_wait3A_167 = arith.constant 0 : i32
        %dma_wait3A_168 = tpu.memref_slice %arg6[%dma_wait3A_166, %dma_wait3A_167] : memref<40960x128xf32, #tpu.memory_space<hbm>> -> memref<128x128xf32, #tpu.memory_space<hbm>>
        tpu.wait_dma2 semaphore(%arg13 : memref<!tpu.dma_semaphore, #tpu.memory_space<semaphore_mem>>) src(%dma_wait3A_168 : memref<128x128xf32, #tpu.memory_space<hbm>>) dst(%dma_wait3A_165 : memref<128x128xf32, #tpu.memory_space<vmem>>)
      } else {
      }
      %add3A_114 = arith.constant 2 : i32
      %add3A_115 = arith.addi %scan3A_106, %add3A_114 : i32
      %lt3A_116 = arith.constant 10 : i32
      %lt3A_117 = arith.cmpi slt, %add3A_115, %lt3A_116 : i32
      %convert_element_type3A_118 = arith.extui %lt3A_117 : i1 to i32
      %cond3A_119 = arith.constant 0 : i32
      %cond3A_120 = arith.cmpi ne, %convert_element_type3A_118, %cond3A_119 : i32
      scf.if %cond3A_120 {
        %add3A_157 = arith.constant 2 : i32
        %add3A_158 = arith.addi %scan3A_106, %add3A_157 : i32
        %add3A_159 = arith.constant 2 : i32
        %add3A_160 = arith.addi %scan3A_106, %add3A_159 : i32
        %rem3A_161 = arith.constant 4 : i32
        %rem3A_162 = arith.remsi %add3A_160, %rem3A_161 : i32
        %mul3A_163 = arith.constant 128 : i32
        %mul3A_164 = arith.muli %rem3A_162, %mul3A_163 : i32
        %dma_start3A_165 = arith.constant 0 : i32
        %dma_start3A_166 = tpu.memref_slice %arg9[%mul3A_164, %dma_start3A_165] : memref<512x128xf32, #tpu.memory_space<vmem>> -> memref<128x128xf32, #tpu.memory_space<vmem>>
        %dma_start3A_167 = arith.constant 0 : i32
        %dma_start3A_168 = tpu.memref_slice %arg7[%add3A_158, %dma_start3A_167] : memref<10x128xi32, #tpu.memory_space<vmem>> -> memref<1x128xi32, #tpu.memory_space<vmem>>
        %dma_start3A_169 = tpu.memref_squeeze %dma_start3A_168 : memref<1x128xi32, #tpu.memory_space<vmem>> -> memref<128xi32, #tpu.memory_space<vmem>>
        %dma_start3A_170 = arith.constant 0 : i32
        %dma_start3A_171 = arith.constant 0 : i32
        %dma_start3A_172 = tpu.memref_slice %arg4[%dma_start3A_170, %dma_start3A_171] : memref<100000x128xf32, #tpu.memory_space<hbm>> -> memref<100000x128xf32, #tpu.memory_space<hbm>>
        tpu.enqueue_indirect_dma source(%dma_start3A_172 : memref<100000x128xf32, #tpu.memory_space<hbm>>) target(%dma_start3A_166 : memref<128x128xf32, #tpu.memory_space<vmem>>) offsets(%dma_start3A_169 : memref<128xi32, #tpu.memory_space<vmem>>) semaphore(%arg11 : memref<!tpu.dma_semaphore, #tpu.memory_space<semaphore_mem>>)
      } else {
      }
      %add3A_121 = arith.constant 1 : i32
      %add3A_122 = arith.addi %scan3A_106, %add3A_121 : i32
      %lt3A_123 = arith.constant 10 : i32
      %lt3A_124 = arith.cmpi slt, %add3A_122, %lt3A_123 : i32
      %convert_element_type3A_125 = arith.extui %lt3A_124 : i1 to i32
      %cond3A_126 = arith.constant 0 : i32
      %cond3A_127 = arith.cmpi ne, %convert_element_type3A_125, %cond3A_126 : i32
      scf.if %cond3A_127 {
        %dma_wait3A_157 = arith.constant 0 : i32
        %dma_wait3A_158 = arith.constant 0 : i32
        %dma_wait3A_159 = tpu.memref_slice %arg9[%dma_wait3A_157, %dma_wait3A_158] : memref<512x128xf32, #tpu.memory_space<vmem>> -> memref<128x128xf32, #tpu.memory_space<vmem>>
        %dma_wait3A_160 = arith.constant 0 : i32
        %dma_wait3A_161 = arith.constant 0 : i32
        %dma_wait3A_162 = tpu.memref_slice %arg6[%dma_wait3A_160, %dma_wait3A_161] : memref<40960x128xf32, #tpu.memory_space<hbm>> -> memref<128x128xf32, #tpu.memory_space<hbm>>
        %dma_wait3A_163 = arith.constant 0 : i32
        %dma_wait3A_164 = arith.constant 0 : i32
        %dma_wait3A_165 = tpu.memref_slice %arg9[%dma_wait3A_163, %dma_wait3A_164] : memref<512x128xf32, #tpu.memory_space<vmem>> -> memref<128x128xf32, #tpu.memory_space<vmem>>
        %dma_wait3A_166 = arith.constant 0 : i32
        %dma_wait3A_167 = arith.constant 0 : i32
        %dma_wait3A_168 = tpu.memref_slice %arg6[%dma_wait3A_166, %dma_wait3A_167] : memref<40960x128xf32, #tpu.memory_space<hbm>> -> memref<128x128xf32, #tpu.memory_space<hbm>>
        tpu.wait_dma2 semaphore(%arg11 : memref<!tpu.dma_semaphore, #tpu.memory_space<semaphore_mem>>) src(%dma_wait3A_168 : memref<128x128xf32, #tpu.memory_space<hbm>>) dst(%dma_wait3A_165 : memref<128x128xf32, #tpu.memory_space<vmem>>)
        %add3A_169 = arith.constant 1 : i32
        %add3A_170 = arith.addi %scan3A_106, %add3A_169 : i32
        %add3A_171 = arith.constant 1 : i32
        %add3A_172 = arith.addi %scan3A_106, %add3A_171 : i32
        %rem3A_173 = arith.constant 4 : i32
        %rem3A_174 = arith.remsi %add3A_172, %rem3A_173 : i32
        %mul3A_175 = arith.constant 128 : i32
        %mul3A_176 = arith.muli %rem3A_174, %mul3A_175 : i32
        %dma_start3A_177 = arith.constant 0 : i32
        %dma_start3A_178 = tpu.memref_slice %arg9[%mul3A_176, %dma_start3A_177] : memref<512x128xf32, #tpu.memory_space<vmem>> -> memref<128x128xf32, #tpu.memory_space<vmem>>
        %dma_start3A_179 = arith.constant 0 : i32
        %dma_start3A_180 = tpu.memref_slice %arg8[%add3A_170, %dma_start3A_179] : memref<10x128xi32, #tpu.memory_space<vmem>> -> memref<1x128xi32, #tpu.memory_space<vmem>>
        %dma_start3A_181 = tpu.memref_squeeze %dma_start3A_180 : memref<1x128xi32, #tpu.memory_space<vmem>> -> memref<128xi32, #tpu.memory_space<vmem>>
        %dma_start3A_182 = arith.constant 0 : i32
        %dma_start3A_183 = arith.constant 0 : i32
        %dma_start3A_184 = tpu.memref_slice %arg10[%dma_start3A_182, %dma_start3A_183] : memref<400x128xf32, #tpu.memory_space<vmem_shared>> -> memref<400x128xf32, #tpu.memory_space<vmem_shared>>
        tpu.enqueue_indirect_dma source(%dma_start3A_184 : memref<400x128xf32, #tpu.memory_space<vmem_shared>>) target(%dma_start3A_178 : memref<128x128xf32, #tpu.memory_space<vmem>>) offsets(%dma_start3A_181 : memref<128xi32, #tpu.memory_space<vmem>>) semaphore(%arg12 : memref<!tpu.dma_semaphore, #tpu.memory_space<semaphore_mem>>) {add = true}
      } else {
      }
      %dma_wait3A_128 = arith.constant 0 : i32
      %dma_wait3A_129 = arith.constant 0 : i32
      %dma_wait3A_130 = tpu.memref_slice %arg9[%dma_wait3A_128, %dma_wait3A_129] : memref<512x128xf32, #tpu.memory_space<vmem>> -> memref<128x128xf32, #tpu.memory_space<vmem>>
      %dma_wait3A_131 = arith.constant 0 : i32
      %dma_wait3A_132 = arith.constant 0 : i32
      %dma_wait3A_133 = tpu.memref_slice %arg6[%dma_wait3A_131, %dma_wait3A_132] : memref<40960x128xf32, #tpu.memory_space<hbm>> -> memref<128x128xf32, #tpu.memory_space<hbm>>
      %dma_wait3A_134 = arith.constant 0 : i32
      %dma_wait3A_135 = arith.constant 0 : i32
      %dma_wait3A_136 = tpu.memref_slice %arg9[%dma_wait3A_134, %dma_wait3A_135] : memref<512x128xf32, #tpu.memory_space<vmem>> -> memref<128x128xf32, #tpu.memory_space<vmem>>
      %dma_wait3A_137 = arith.constant 0 : i32
      %dma_wait3A_138 = arith.constant 0 : i32
      %dma_wait3A_139 = tpu.memref_slice %arg6[%dma_wait3A_137, %dma_wait3A_138] : memref<40960x128xf32, #tpu.memory_space<hbm>> -> memref<128x128xf32, #tpu.memory_space<hbm>>
      tpu.wait_dma2 semaphore(%arg12 : memref<!tpu.dma_semaphore, #tpu.memory_space<semaphore_mem>>) src(%dma_wait3A_139 : memref<128x128xf32, #tpu.memory_space<hbm>>) dst(%dma_wait3A_136 : memref<128x128xf32, #tpu.memory_space<vmem>>)
      %mul3A_140 = arith.constant 1280 : i32
      %mul3A_141 = arith.muli %add3A, %mul3A_140 : i32
      %mul3A_142 = arith.constant 128 : i32
      %mul3A_143 = arith.muli %scan3A_106, %mul3A_142 : i32
      %add3A_144 = arith.addi %mul3A_141, %mul3A_143 : i32
      %rem3A_145 = arith.constant 4 : i32
      %rem3A_146 = arith.remsi %scan3A_106, %rem3A_145 : i32
      %mul3A_147 = arith.constant 128 : i32
      %mul3A_148 = arith.muli %rem3A_146, %mul3A_147 : i32
      %dma_start3A_149 = arith.constant 0 : i32
      %dma_start3A_150 = tpu.memref_slice %arg9[%mul3A_148, %dma_start3A_149] : memref<512x128xf32, #tpu.memory_space<vmem>> -> memref<128x128xf32, #tpu.memory_space<vmem>>
      %dma_start3A_151 = arith.constant 0 : i32
      %dma_start3A_152 = tpu.memref_slice %arg6[%add3A_144, %dma_start3A_151] : memref<40960x128xf32, #tpu.memory_space<hbm>> -> memref<128x128xf32, #tpu.memory_space<hbm>>
      %dma_start3A_153 = arith.constant 0 : i32
      %dma_start3A_154 = tpu.memref_slice %arg6[%add3A_144, %dma_start3A_153] : memref<40960x128xf32, #tpu.memory_space<hbm>> -> memref<128x128xf32, #tpu.memory_space<hbm>>
      %dma_start3A_155 = arith.constant 0 : i32
      %dma_start3A_156 = tpu.memref_slice %arg9[%mul3A_148, %dma_start3A_155] : memref<512x128xf32, #tpu.memory_space<vmem>> -> memref<128x128xf32, #tpu.memory_space<vmem>>
      tpu.enqueue_dma source(%dma_start3A_156 : memref<128x128xf32, #tpu.memory_space<vmem>>) target(%dma_start3A_154 : memref<128x128xf32, #tpu.memory_space<hbm>>) target_semaphore(%arg13 : memref<!tpu.dma_semaphore, #tpu.memory_space<semaphore_mem>>)
    }
    %scan3A_57 = arith.constant 10 : i32
    %dma_wait3A_58 = arith.constant 0 : i32
    %dma_wait3A_59 = arith.constant 0 : i32
    %dma_wait3A_60 = tpu.memref_slice %arg9[%dma_wait3A_58, %dma_wait3A_59] : memref<512x128xf32, #tpu.memory_space<vmem>> -> memref<128x128xf32, #tpu.memory_space<vmem>>
    %dma_wait3A_61 = arith.constant 0 : i32
    %dma_wait3A_62 = arith.constant 0 : i32
    %dma_wait3A_63 = tpu.memref_slice %arg6[%dma_wait3A_61, %dma_wait3A_62] : memref<40960x128xf32, #tpu.memory_space<hbm>> -> memref<128x128xf32, #tpu.memory_space<hbm>>
    %dma_wait3A_64 = arith.constant 0 : i32
    %dma_wait3A_65 = arith.constant 0 : i32
    %dma_wait3A_66 = tpu.memref_slice %arg9[%dma_wait3A_64, %dma_wait3A_65] : memref<512x128xf32, #tpu.memory_space<vmem>> -> memref<128x128xf32, #tpu.memory_space<vmem>>
    %dma_wait3A_67 = arith.constant 0 : i32
    %dma_wait3A_68 = arith.constant 0 : i32
    %dma_wait3A_69 = tpu.memref_slice %arg6[%dma_wait3A_67, %dma_wait3A_68] : memref<40960x128xf32, #tpu.memory_space<hbm>> -> memref<128x128xf32, #tpu.memory_space<hbm>>
    tpu.wait_dma2 semaphore(%arg13 : memref<!tpu.dma_semaphore, #tpu.memory_space<semaphore_mem>>) src(%dma_wait3A_69 : memref<128x128xf32, #tpu.memory_space<hbm>>) dst(%dma_wait3A_66 : memref<128x128xf32, #tpu.memory_space<vmem>>)
    %dma_wait3A_70 = arith.constant 0 : i32
    %dma_wait3A_71 = arith.constant 0 : i32
    %dma_wait3A_72 = tpu.memref_slice %arg9[%dma_wait3A_70, %dma_wait3A_71] : memref<512x128xf32, #tpu.memory_space<vmem>> -> memref<128x128xf32, #tpu.memory_space<vmem>>
    %dma_wait3A_73 = arith.constant 0 : i32
    %dma_wait3A_74 = arith.constant 0 : i32
    %dma_wait3A_75 = tpu.memref_slice %arg6[%dma_wait3A_73, %dma_wait3A_74] : memref<40960x128xf32, #tpu.memory_space<hbm>> -> memref<128x128xf32, #tpu.memory_space<hbm>>
    %dma_wait3A_76 = arith.constant 0 : i32
    %dma_wait3A_77 = arith.constant 0 : i32
    %dma_wait3A_78 = tpu.memref_slice %arg9[%dma_wait3A_76, %dma_wait3A_77] : memref<512x128xf32, #tpu.memory_space<vmem>> -> memref<128x128xf32, #tpu.memory_space<vmem>>
    %dma_wait3A_79 = arith.constant 0 : i32
    %dma_wait3A_80 = arith.constant 0 : i32
    %dma_wait3A_81 = tpu.memref_slice %arg6[%dma_wait3A_79, %dma_wait3A_80] : memref<40960x128xf32, #tpu.memory_space<hbm>> -> memref<128x128xf32, #tpu.memory_space<hbm>>
    tpu.wait_dma2 semaphore(%arg13 : memref<!tpu.dma_semaphore, #tpu.memory_space<semaphore_mem>>) src(%dma_wait3A_81 : memref<128x128xf32, #tpu.memory_space<hbm>>) dst(%dma_wait3A_78 : memref<128x128xf32, #tpu.memory_space<vmem>>)
    %dma_wait3A_82 = arith.constant 0 : i32
    %dma_wait3A_83 = arith.constant 0 : i32
    %dma_wait3A_84 = tpu.memref_slice %arg9[%dma_wait3A_82, %dma_wait3A_83] : memref<512x128xf32, #tpu.memory_space<vmem>> -> memref<128x128xf32, #tpu.memory_space<vmem>>
    %dma_wait3A_85 = arith.constant 0 : i32
    %dma_wait3A_86 = arith.constant 0 : i32
    %dma_wait3A_87 = tpu.memref_slice %arg6[%dma_wait3A_85, %dma_wait3A_86] : memref<40960x128xf32, #tpu.memory_space<hbm>> -> memref<128x128xf32, #tpu.memory_space<hbm>>
    %dma_wait3A_88 = arith.constant 0 : i32
    %dma_wait3A_89 = arith.constant 0 : i32
    %dma_wait3A_90 = tpu.memref_slice %arg9[%dma_wait3A_88, %dma_wait3A_89] : memref<512x128xf32, #tpu.memory_space<vmem>> -> memref<128x128xf32, #tpu.memory_space<vmem>>
    %dma_wait3A_91 = arith.constant 0 : i32
    %dma_wait3A_92 = arith.constant 0 : i32
    %dma_wait3A_93 = tpu.memref_slice %arg6[%dma_wait3A_91, %dma_wait3A_92] : memref<40960x128xf32, #tpu.memory_space<hbm>> -> memref<128x128xf32, #tpu.memory_space<hbm>>
    tpu.wait_dma2 semaphore(%arg13 : memref<!tpu.dma_semaphore, #tpu.memory_space<semaphore_mem>>) src(%dma_wait3A_93 : memref<128x128xf32, #tpu.memory_space<hbm>>) dst(%dma_wait3A_90 : memref<128x128xf32, #tpu.memory_space<vmem>>)
    %dma_wait3A_94 = arith.constant 0 : i32
    %dma_wait3A_95 = arith.constant 0 : i32
    %dma_wait3A_96 = tpu.memref_slice %arg9[%dma_wait3A_94, %dma_wait3A_95] : memref<512x128xf32, #tpu.memory_space<vmem>> -> memref<128x128xf32, #tpu.memory_space<vmem>>
    %dma_wait3A_97 = arith.constant 0 : i32
    %dma_wait3A_98 = arith.constant 0 : i32
    %dma_wait3A_99 = tpu.memref_slice %arg6[%dma_wait3A_97, %dma_wait3A_98] : memref<40960x128xf32, #tpu.memory_space<hbm>> -> memref<128x128xf32, #tpu.memory_space<hbm>>
    %dma_wait3A_100 = arith.constant 0 : i32
    %dma_wait3A_101 = arith.constant 0 : i32
    %dma_wait3A_102 = tpu.memref_slice %arg9[%dma_wait3A_100, %dma_wait3A_101] : memref<512x128xf32, #tpu.memory_space<vmem>> -> memref<128x128xf32, #tpu.memory_space<vmem>>
    %dma_wait3A_103 = arith.constant 0 : i32
    %dma_wait3A_104 = arith.constant 0 : i32
    %dma_wait3A_105 = tpu.memref_slice %arg6[%dma_wait3A_103, %dma_wait3A_104] : memref<40960x128xf32, #tpu.memory_space<hbm>> -> memref<128x128xf32, #tpu.memory_space<hbm>>
    tpu.wait_dma2 semaphore(%arg13 : memref<!tpu.dma_semaphore, #tpu.memory_space<semaphore_mem>>) src(%dma_wait3A_105 : memref<128x128xf32, #tpu.memory_space<hbm>>) dst(%dma_wait3A_102 : memref<128x128xf32, #tpu.memory_space<vmem>>)
    return
  }
}

#map = affine_map<(d0, d1) -> (0, 0, 0)>
#map1 = affine_map<(d0, d1) -> (0, 0)>
module attributes {stable_mosaic.version = 14 : i64} {
  func.func @_gather_body(%arg0: i32, %arg1: i32, %arg2: memref<32x10x128xi32, #tpu.memory_space<hbm>>, %arg3: memref<32x10x128xi32, #tpu.memory_space<hbm>>, %arg4: memref<100000x128xf32, #tpu.memory_space<hbm>>, %arg5: memref<400x128xf32, #tpu.memory_space<hbm>>, %arg6: memref<40960x128xf32, #tpu.memory_space<hbm>>, %arg7: memref<10x128xi32, #tpu.memory_space<vmem>>, %arg8: memref<10x128xi32, #tpu.memory_space<vmem>>, %arg9: memref<512x128xf32, #tpu.memory_space<vmem>>, %arg10: memref<400x128xf32, #tpu.memory_space<vmem_shared>>, %arg11: memref<!tpu.dma_semaphore, #tpu.memory_space<semaphore_mem>>, %arg12: memref<!tpu.dma_semaphore, #tpu.memory_space<semaphore_mem>>, %arg13: memref<!tpu.dma_semaphore, #tpu.memory_space<semaphore_mem>>) attributes {dimension_semantics = [#tpu.dimension_semantics<core_parallel>, #tpu.dimension_semantics<subcore_parallel>], iteration_bounds = array<i64: 2, 16>, scalar_prefetch = 0 : i64, scratch_operands = 7 : i64, tpu.core_type = #tpu.core_type<sc_vector_subcore>, window_params = [{transform_indices = #map}, {transform_indices = #map}, {transform_indices = #map1}, {transform_indices = #map1}, {transform_indices = #map1}]} {
    %mul3A = arith.constant 2 : i32
    %mul3A_0 = arith.muli %arg1, %mul3A : i32
    %add3A = arith.addi %mul3A_0, %arg0 : i32
    %eq3A = arith.constant 0 : i32
    %eq3A_1 = arith.cmpi eq, %arg1, %eq3A : i32
    %convert_element_type3A = arith.extui %eq3A_1 : i1 to i32
    %cond3A = arith.constant 0 : i32
    %cond3A_2 = arith.cmpi ne, %convert_element_type3A, %cond3A : i32
    scf.if %cond3A_2 {
      "tpu.region"() ({
        %run_scoped3A = tpu.sem_alloc : memref<!tpu.dma_semaphore, #tpu.memory_space<semaphore_mem>>
        tpu.enqueue_dma source(%arg5 : memref<400x128xf32, #tpu.memory_space<hbm>>) target(%arg10 : memref<400x128xf32, #tpu.memory_space<vmem_shared>>) target_semaphore(%run_scoped3A : memref<!tpu.dma_semaphore, #tpu.memory_space<semaphore_mem>>)
        tpu.wait_dma2 semaphore(%run_scoped3A : memref<!tpu.dma_semaphore, #tpu.memory_space<semaphore_mem>>) src(%arg5 : memref<400x128xf32, #tpu.memory_space<hbm>>) dst(%arg10 : memref<400x128xf32, #tpu.memory_space<vmem_shared>>)
        tpu.yield
      }) : () -> ()
    } else {
    }
    %barrier3A = arith.constant 0 : index
    tpu.barrier barrier_id(%barrier3A)
    "tpu.region"() ({
      %run_scoped3A = tpu.sem_alloc : memref<!tpu.dma_semaphore, #tpu.memory_space<semaphore_mem>>
      %dma_start3A_106 = arith.constant 0 : i32
      %dma_start3A_107 = arith.constant 0 : i32
      %dma_start3A_108 = tpu.memref_slice %arg2[%add3A, %dma_start3A_106, %dma_start3A_107] : memref<32x10x128xi32, #tpu.memory_space<hbm>> -> memref<1x10x128xi32, #tpu.memory_space<hbm>>
      %dma_start3A_109 = tpu.memref_squeeze %dma_start3A_108 : memref<1x10x128xi32, #tpu.memory_space<hbm>> -> memref<10x128xi32, #tpu.memory_space<hbm>>
      %dma_start3A_110 = arith.constant 0 : i32
      %dma_start3A_111 = arith.constant 0 : i32
      %dma_start3A_112 = tpu.memref_slice %arg2[%add3A, %dma_start3A_110, %dma_start3A_111] : memref<32x10x128xi32, #tpu.memory_space<hbm>> -> memref<1x10x128xi32, #tpu.memory_space<hbm>>
      %dma_start3A_113 = tpu.memref_squeeze %dma_start3A_112 : memref<1x10x128xi32, #tpu.memory_space<hbm>> -> memref<10x128xi32, #tpu.memory_space<hbm>>
      tpu.enqueue_dma source(%dma_start3A_113 : memref<10x128xi32, #tpu.memory_space<hbm>>) target(%arg7 : memref<10x128xi32, #tpu.memory_space<vmem>>) target_semaphore(%run_scoped3A : memref<!tpu.dma_semaphore, #tpu.memory_space<semaphore_mem>>)
      %dma_wait3A_114 = arith.constant 0 : i32
      %dma_wait3A_115 = arith.constant 0 : i32
      %dma_wait3A_116 = tpu.memref_slice %arg2[%add3A, %dma_wait3A_114, %dma_wait3A_115] : memref<32x10x128xi32, #tpu.memory_space<hbm>> -> memref<1x10x128xi32, #tpu.memory_space<hbm>>
      %dma_wait3A_117 = tpu.memref_squeeze %dma_wait3A_116 : memref<1x10x128xi32, #tpu.memory_space<hbm>> -> memref<10x128xi32, #tpu.memory_space<hbm>>
      %dma_wait3A_118 = arith.constant 0 : i32
      %dma_wait3A_119 = arith.constant 0 : i32
      %dma_wait3A_120 = tpu.memref_slice %arg2[%add3A, %dma_wait3A_118, %dma_wait3A_119] : memref<32x10x128xi32, #tpu.memory_space<hbm>> -> memref<1x10x128xi32, #tpu.memory_space<hbm>>
      %dma_wait3A_121 = tpu.memref_squeeze %dma_wait3A_120 : memref<1x10x128xi32, #tpu.memory_space<hbm>> -> memref<10x128xi32, #tpu.memory_space<hbm>>
      tpu.wait_dma2 semaphore(%run_scoped3A : memref<!tpu.dma_semaphore, #tpu.memory_space<semaphore_mem>>) src(%dma_wait3A_121 : memref<10x128xi32, #tpu.memory_space<hbm>>) dst(%arg7 : memref<10x128xi32, #tpu.memory_space<vmem>>)
      tpu.yield
    }) : () -> ()
    "tpu.region"() ({
      %run_scoped3A = tpu.sem_alloc : memref<!tpu.dma_semaphore, #tpu.memory_space<semaphore_mem>>
      %dma_start3A_106 = arith.constant 0 : i32
      %dma_start3A_107 = arith.constant 0 : i32
      %dma_start3A_108 = tpu.memref_slice %arg3[%add3A, %dma_start3A_106, %dma_start3A_107] : memref<32x10x128xi32, #tpu.memory_space<hbm>> -> memref<1x10x128xi32, #tpu.memory_space<hbm>>
      %dma_start3A_109 = tpu.memref_squeeze %dma_start3A_108 : memref<1x10x128xi32, #tpu.memory_space<hbm>> -> memref<10x128xi32, #tpu.memory_space<hbm>>
      %dma_start3A_110 = arith.constant 0 : i32
      %dma_start3A_111 = arith.constant 0 : i32
      %dma_start3A_112 = tpu.memref_slice %arg3[%add3A, %dma_start3A_110, %dma_start3A_111] : memref<32x10x128xi32, #tpu.memory_space<hbm>> -> memref<1x10x128xi32, #tpu.memory_space<hbm>>
      %dma_start3A_113 = tpu.memref_squeeze %dma_start3A_112 : memref<1x10x128xi32, #tpu.memory_space<hbm>> -> memref<10x128xi32, #tpu.memory_space<hbm>>
      tpu.enqueue_dma source(%dma_start3A_113 : memref<10x128xi32, #tpu.memory_space<hbm>>) target(%arg8 : memref<10x128xi32, #tpu.memory_space<vmem>>) target_semaphore(%run_scoped3A : memref<!tpu.dma_semaphore, #tpu.memory_space<semaphore_mem>>)
      %dma_wait3A_114 = arith.constant 0 : i32
      %dma_wait3A_115 = arith.constant 0 : i32
      %dma_wait3A_116 = tpu.memref_slice %arg3[%add3A, %dma_wait3A_114, %dma_wait3A_115] : memref<32x10x128xi32, #tpu.memory_space<hbm>> -> memref<1x10x128xi32, #tpu.memory_space<hbm>>
      %dma_wait3A_117 = tpu.memref_squeeze %dma_wait3A_116 : memref<1x10x128xi32, #tpu.memory_space<hbm>> -> memref<10x128xi32, #tpu.memory_space<hbm>>
      %dma_wait3A_118 = arith.constant 0 : i32
      %dma_wait3A_119 = arith.constant 0 : i32
      %dma_wait3A_120 = tpu.memref_slice %arg3[%add3A, %dma_wait3A_118, %dma_wait3A_119] : memref<32x10x128xi32, #tpu.memory_space<hbm>> -> memref<1x10x128xi32, #tpu.memory_space<hbm>>
      %dma_wait3A_121 = tpu.memref_squeeze %dma_wait3A_120 : memref<1x10x128xi32, #tpu.memory_space<hbm>> -> memref<10x128xi32, #tpu.memory_space<hbm>>
      tpu.wait_dma2 semaphore(%run_scoped3A : memref<!tpu.dma_semaphore, #tpu.memory_space<semaphore_mem>>) src(%dma_wait3A_121 : memref<10x128xi32, #tpu.memory_space<hbm>>) dst(%arg8 : memref<10x128xi32, #tpu.memory_space<vmem>>)
      tpu.yield
    }) : () -> ()
    %rem3A = arith.constant 0 : i32
    %rem3A_3 = arith.constant 4 : i32
    %rem3A_4 = arith.remsi %rem3A, %rem3A_3 : i32
    %mul3A_5 = arith.constant 128 : i32
    %mul3A_6 = arith.muli %rem3A_4, %mul3A_5 : i32
    %dma_start3A = arith.constant 0 : i32
    %dma_start3A_7 = arith.constant 0 : i32
    %dma_start3A_8 = tpu.memref_slice %arg9[%mul3A_6, %dma_start3A_7] : memref<512x128xf32, #tpu.memory_space<vmem>> -> memref<128x128xf32, #tpu.memory_space<vmem>>
    %dma_start3A_9 = arith.constant 0 : i32
    %dma_start3A_10 = tpu.memref_slice %arg7[%dma_start3A, %dma_start3A_9] : memref<10x128xi32, #tpu.memory_space<vmem>> -> memref<1x128xi32, #tpu.memory_space<vmem>>
    %dma_start3A_11 = tpu.memref_squeeze %dma_start3A_10 : memref<1x128xi32, #tpu.memory_space<vmem>> -> memref<128xi32, #tpu.memory_space<vmem>>
    %dma_start3A_12 = arith.constant 0 : i32
    %dma_start3A_13 = arith.constant 0 : i32
    %dma_start3A_14 = tpu.memref_slice %arg4[%dma_start3A_12, %dma_start3A_13] : memref<100000x128xf32, #tpu.memory_space<hbm>> -> memref<100000x128xf32, #tpu.memory_space<hbm>>
    tpu.enqueue_indirect_dma source(%dma_start3A_14 : memref<100000x128xf32, #tpu.memory_space<hbm>>) target(%dma_start3A_8 : memref<128x128xf32, #tpu.memory_space<vmem>>) offsets(%dma_start3A_11 : memref<128xi32, #tpu.memory_space<vmem>>) semaphore(%arg11 : memref<!tpu.dma_semaphore, #tpu.memory_space<semaphore_mem>>)
    %dma_wait3A = arith.constant 0 : i32
    %dma_wait3A_15 = arith.constant 0 : i32
    %dma_wait3A_16 = tpu.memref_slice %arg9[%dma_wait3A, %dma_wait3A_15] : memref<512x128xf32, #tpu.memory_space<vmem>> -> memref<128x128xf32, #tpu.memory_space<vmem>>
    %dma_wait3A_17 = arith.constant 0 : i32
    %dma_wait3A_18 = arith.constant 0 : i32
    %dma_wait3A_19 = tpu.memref_slice %arg6[%dma_wait3A_17, %dma_wait3A_18] : memref<40960x128xf32, #tpu.memory_space<hbm>> -> memref<128x128xf32, #tpu.memory_space<hbm>>
    %dma_wait3A_20 = arith.constant 0 : i32
    %dma_wait3A_21 = arith.constant 0 : i32
    %dma_wait3A_22 = tpu.memref_slice %arg9[%dma_wait3A_20, %dma_wait3A_21] : memref<512x128xf32, #tpu.memory_space<vmem>> -> memref<128x128xf32, #tpu.memory_space<vmem>>
    %dma_wait3A_23 = arith.constant 0 : i32
    %dma_wait3A_24 = arith.constant 0 : i32
    %dma_wait3A_25 = tpu.memref_slice %arg6[%dma_wait3A_23, %dma_wait3A_24] : memref<40960x128xf32, #tpu.memory_space<hbm>> -> memref<128x128xf32, #tpu.memory_space<hbm>>
    tpu.wait_dma2 semaphore(%arg11 : memref<!tpu.dma_semaphore, #tpu.memory_space<semaphore_mem>>) src(%dma_wait3A_25 : memref<128x128xf32, #tpu.memory_space<hbm>>) dst(%dma_wait3A_22 : memref<128x128xf32, #tpu.memory_space<vmem>>)
    %rem3A_26 = arith.constant 0 : i32
    %rem3A_27 = arith.constant 4 : i32
    %rem3A_28 = arith.remsi %rem3A_26, %rem3A_27 : i32
    %mul3A_29 = arith.constant 128 : i32
    %mul3A_30 = arith.muli %rem3A_28, %mul3A_29 : i32
    %dma_start3A_31 = arith.constant 0 : i32
    %dma_start3A_32 = arith.constant 0 : i32
    %dma_start3A_33 = tpu.memref_slice %arg9[%mul3A_30, %dma_start3A_32] : memref<512x128xf32, #tpu.memory_space<vmem>> -> memref<128x128xf32, #tpu.memory_space<vmem>>
    %dma_start3A_34 = arith.constant 0 : i32
    %dma_start3A_35 = tpu.memref_slice %arg8[%dma_start3A_31, %dma_start3A_34] : memref<10x128xi32, #tpu.memory_space<vmem>> -> memref<1x128xi32, #tpu.memory_space<vmem>>
    %dma_start3A_36 = tpu.memref_squeeze %dma_start3A_35 : memref<1x128xi32, #tpu.memory_space<vmem>> -> memref<128xi32, #tpu.memory_space<vmem>>
    %dma_start3A_37 = arith.constant 0 : i32
    %dma_start3A_38 = arith.constant 0 : i32
    %dma_start3A_39 = tpu.memref_slice %arg10[%dma_start3A_37, %dma_start3A_38] : memref<400x128xf32, #tpu.memory_space<vmem_shared>> -> memref<400x128xf32, #tpu.memory_space<vmem_shared>>
    tpu.enqueue_indirect_dma source(%dma_start3A_39 : memref<400x128xf32, #tpu.memory_space<vmem_shared>>) target(%dma_start3A_33 : memref<128x128xf32, #tpu.memory_space<vmem>>) offsets(%dma_start3A_36 : memref<128xi32, #tpu.memory_space<vmem>>) semaphore(%arg12 : memref<!tpu.dma_semaphore, #tpu.memory_space<semaphore_mem>>) {add = true}
    %rem3A_40 = arith.constant 1 : i32
    %rem3A_41 = arith.constant 4 : i32
    %rem3A_42 = arith.remsi %rem3A_40, %rem3A_41 : i32
    %mul3A_43 = arith.constant 128 : i32
    %mul3A_44 = arith.muli %rem3A_42, %mul3A_43 : i32
    %dma_start3A_45 = arith.constant 1 : i32
    %dma_start3A_46 = arith.constant 0 : i32
    %dma_start3A_47 = tpu.memref_slice %arg9[%mul3A_44, %dma_start3A_46] : memref<512x128xf32, #tpu.memory_space<vmem>> -> memref<128x128xf32, #tpu.memory_space<vmem>>
    %dma_start3A_48 = arith.constant 0 : i32
    %dma_start3A_49 = tpu.memref_slice %arg7[%dma_start3A_45, %dma_start3A_48] : memref<10x128xi32, #tpu.memory_space<vmem>> -> memref<1x128xi32, #tpu.memory_space<vmem>>
    %dma_start3A_50 = tpu.memref_squeeze %dma_start3A_49 : memref<1x128xi32, #tpu.memory_space<vmem>> -> memref<128xi32, #tpu.memory_space<vmem>>
    %dma_start3A_51 = arith.constant 0 : i32
    %dma_start3A_52 = arith.constant 0 : i32
    %dma_start3A_53 = tpu.memref_slice %arg4[%dma_start3A_51, %dma_start3A_52] : memref<100000x128xf32, #tpu.memory_space<hbm>> -> memref<100000x128xf32, #tpu.memory_space<hbm>>
    tpu.enqueue_indirect_dma source(%dma_start3A_53 : memref<100000x128xf32, #tpu.memory_space<hbm>>) target(%dma_start3A_47 : memref<128x128xf32, #tpu.memory_space<vmem>>) offsets(%dma_start3A_50 : memref<128xi32, #tpu.memory_space<vmem>>) semaphore(%arg11 : memref<!tpu.dma_semaphore, #tpu.memory_space<semaphore_mem>>)
    %scan3A = arith.constant 0 : i32
    %scan3A_54 = arith.constant 10 : i32
    %scan3A_55 = arith.addi %scan3A, %scan3A_54 : i32
    %scan3A_56 = arith.constant 1 : i32
    scf.for %scan3A_106 = %scan3A to %scan3A_55 step %scan3A_56  : i32 {
      %add3A_107 = arith.constant 2 : i32
      %add3A_108 = arith.addi %scan3A_106, %add3A_107 : i32
      %lt3A = arith.constant 10 : i32
      %lt3A_109 = arith.cmpi slt, %add3A_108, %lt3A : i32
      %ge3A = arith.constant 2 : i32
      %ge3A_110 = arith.cmpi sge, %scan3A_106, %ge3A : i32
      %and3A = arith.andi %lt3A_109, %ge3A_110 : i1
      %convert_element_type3A_111 = arith.extui %and3A : i1 to i32
      %cond3A_112 = arith.constant 0 : i32
      %cond3A_113 = arith.cmpi ne, %convert_element_type3A_111, %cond3A_112 : i32
      scf.if %cond3A_113 {
        %dma_wait3A_157 = arith.constant 0 : i32
        %dma_wait3A_158 = arith.constant 0 : i32
        %dma_wait3A_159 = tpu.memref_slice %arg9[%dma_wait3A_157, %dma_wait3A_158] : memref<512x128xf32, #tpu.memory_space<vmem>> -> memref<128x128xf32, #tpu.memory_space<vmem>>
        %dma_wait3A_160 = arith.constant 0 : i32
        %dma_wait3A_161 = arith.constant 0 : i32
        %dma_wait3A_162 = tpu.memref_slice %arg6[%dma_wait3A_160, %dma_wait3A_161] : memref<40960x128xf32, #tpu.memory_space<hbm>> -> memref<128x128xf32, #tpu.memory_space<hbm>>
        %dma_wait3A_163 = arith.constant 0 : i32
        %dma_wait3A_164 = arith.constant 0 : i32
        %dma_wait3A_165 = tpu.memref_slice %arg9[%dma_wait3A_163, %dma_wait3A_164] : memref<512x128xf32, #tpu.memory_space<vmem>> -> memref<128x128xf32, #tpu.memory_space<vmem>>
        %dma_wait3A_166 = arith.constant 0 : i32
        %dma_wait3A_167 = arith.constant 0 : i32
        %dma_wait3A_168 = tpu.memref_slice %arg6[%dma_wait3A_166, %dma_wait3A_167] : memref<40960x128xf32, #tpu.memory_space<hbm>> -> memref<128x128xf32, #tpu.memory_space<hbm>>
        tpu.wait_dma2 semaphore(%arg13 : memref<!tpu.dma_semaphore, #tpu.memory_space<semaphore_mem>>) src(%dma_wait3A_168 : memref<128x128xf32, #tpu.memory_space<hbm>>) dst(%dma_wait3A_165 : memref<128x128xf32, #tpu.memory_space<vmem>>)
      } else {
      }
      %add3A_114 = arith.constant 2 : i32
      %add3A_115 = arith.addi %scan3A_106, %add3A_114 : i32
      %lt3A_116 = arith.constant 10 : i32
      %lt3A_117 = arith.cmpi slt, %add3A_115, %lt3A_116 : i32
      %convert_element_type3A_118 = arith.extui %lt3A_117 : i1 to i32
      %cond3A_119 = arith.constant 0 : i32
      %cond3A_120 = arith.cmpi ne, %convert_element_type3A_118, %cond3A_119 : i32
      scf.if %cond3A_120 {
        %add3A_157 = arith.constant 2 : i32
        %add3A_158 = arith.addi %scan3A_106, %add3A_157 : i32
        %add3A_159 = arith.constant 2 : i32
        %add3A_160 = arith.addi %scan3A_106, %add3A_159 : i32
        %rem3A_161 = arith.constant 4 : i32
        %rem3A_162 = arith.remsi %add3A_160, %rem3A_161 : i32
        %mul3A_163 = arith.constant 128 : i32
        %mul3A_164 = arith.muli %rem3A_162, %mul3A_163 : i32
        %dma_start3A_165 = arith.constant 0 : i32
        %dma_start3A_166 = tpu.memref_slice %arg9[%mul3A_164, %dma_start3A_165] : memref<512x128xf32, #tpu.memory_space<vmem>> -> memref<128x128xf32, #tpu.memory_space<vmem>>
        %dma_start3A_167 = arith.constant 0 : i32
        %dma_start3A_168 = tpu.memref_slice %arg7[%add3A_158, %dma_start3A_167] : memref<10x128xi32, #tpu.memory_space<vmem>> -> memref<1x128xi32, #tpu.memory_space<vmem>>
        %dma_start3A_169 = tpu.memref_squeeze %dma_start3A_168 : memref<1x128xi32, #tpu.memory_space<vmem>> -> memref<128xi32, #tpu.memory_space<vmem>>
        %dma_start3A_170 = arith.constant 0 : i32
        %dma_start3A_171 = arith.constant 0 : i32
        %dma_start3A_172 = tpu.memref_slice %arg4[%dma_start3A_170, %dma_start3A_171] : memref<100000x128xf32, #tpu.memory_space<hbm>> -> memref<100000x128xf32, #tpu.memory_space<hbm>>
        tpu.enqueue_indirect_dma source(%dma_start3A_172 : memref<100000x128xf32, #tpu.memory_space<hbm>>) target(%dma_start3A_166 : memref<128x128xf32, #tpu.memory_space<vmem>>) offsets(%dma_start3A_169 : memref<128xi32, #tpu.memory_space<vmem>>) semaphore(%arg11 : memref<!tpu.dma_semaphore, #tpu.memory_space<semaphore_mem>>)
      } else {
      }
      %add3A_121 = arith.constant 1 : i32
      %add3A_122 = arith.addi %scan3A_106, %add3A_121 : i32
      %lt3A_123 = arith.constant 10 : i32
      %lt3A_124 = arith.cmpi slt, %add3A_122, %lt3A_123 : i32
      %convert_element_type3A_125 = arith.extui %lt3A_124 : i1 to i32
      %cond3A_126 = arith.constant 0 : i32
      %cond3A_127 = arith.cmpi ne, %convert_element_type3A_125, %cond3A_126 : i32
      scf.if %cond3A_127 {
        %dma_wait3A_157 = arith.constant 0 : i32
        %dma_wait3A_158 = arith.constant 0 : i32
        %dma_wait3A_159 = tpu.memref_slice %arg9[%dma_wait3A_157, %dma_wait3A_158] : memref<512x128xf32, #tpu.memory_space<vmem>> -> memref<128x128xf32, #tpu.memory_space<vmem>>
        %dma_wait3A_160 = arith.constant 0 : i32
        %dma_wait3A_161 = arith.constant 0 : i32
        %dma_wait3A_162 = tpu.memref_slice %arg6[%dma_wait3A_160, %dma_wait3A_161] : memref<40960x128xf32, #tpu.memory_space<hbm>> -> memref<128x128xf32, #tpu.memory_space<hbm>>
        %dma_wait3A_163 = arith.constant 0 : i32
        %dma_wait3A_164 = arith.constant 0 : i32
        %dma_wait3A_165 = tpu.memref_slice %arg9[%dma_wait3A_163, %dma_wait3A_164] : memref<512x128xf32, #tpu.memory_space<vmem>> -> memref<128x128xf32, #tpu.memory_space<vmem>>
        %dma_wait3A_166 = arith.constant 0 : i32
        %dma_wait3A_167 = arith.constant 0 : i32
        %dma_wait3A_168 = tpu.memref_slice %arg6[%dma_wait3A_166, %dma_wait3A_167] : memref<40960x128xf32, #tpu.memory_space<hbm>> -> memref<128x128xf32, #tpu.memory_space<hbm>>
        tpu.wait_dma2 semaphore(%arg11 : memref<!tpu.dma_semaphore, #tpu.memory_space<semaphore_mem>>) src(%dma_wait3A_168 : memref<128x128xf32, #tpu.memory_space<hbm>>) dst(%dma_wait3A_165 : memref<128x128xf32, #tpu.memory_space<vmem>>)
        %add3A_169 = arith.constant 1 : i32
        %add3A_170 = arith.addi %scan3A_106, %add3A_169 : i32
        %add3A_171 = arith.constant 1 : i32
        %add3A_172 = arith.addi %scan3A_106, %add3A_171 : i32
        %rem3A_173 = arith.constant 4 : i32
        %rem3A_174 = arith.remsi %add3A_172, %rem3A_173 : i32
        %mul3A_175 = arith.constant 128 : i32
        %mul3A_176 = arith.muli %rem3A_174, %mul3A_175 : i32
        %dma_start3A_177 = arith.constant 0 : i32
        %dma_start3A_178 = tpu.memref_slice %arg9[%mul3A_176, %dma_start3A_177] : memref<512x128xf32, #tpu.memory_space<vmem>> -> memref<128x128xf32, #tpu.memory_space<vmem>>
        %dma_start3A_179 = arith.constant 0 : i32
        %dma_start3A_180 = tpu.memref_slice %arg8[%add3A_170, %dma_start3A_179] : memref<10x128xi32, #tpu.memory_space<vmem>> -> memref<1x128xi32, #tpu.memory_space<vmem>>
        %dma_start3A_181 = tpu.memref_squeeze %dma_start3A_180 : memref<1x128xi32, #tpu.memory_space<vmem>> -> memref<128xi32, #tpu.memory_space<vmem>>
        %dma_start3A_182 = arith.constant 0 : i32
        %dma_start3A_183 = arith.constant 0 : i32
        %dma_start3A_184 = tpu.memref_slice %arg10[%dma_start3A_182, %dma_start3A_183] : memref<400x128xf32, #tpu.memory_space<vmem_shared>> -> memref<400x128xf32, #tpu.memory_space<vmem_shared>>
        tpu.enqueue_indirect_dma source(%dma_start3A_184 : memref<400x128xf32, #tpu.memory_space<vmem_shared>>) target(%dma_start3A_178 : memref<128x128xf32, #tpu.memory_space<vmem>>) offsets(%dma_start3A_181 : memref<128xi32, #tpu.memory_space<vmem>>) semaphore(%arg12 : memref<!tpu.dma_semaphore, #tpu.memory_space<semaphore_mem>>) {add = true}
      } else {
      }
      %dma_wait3A_128 = arith.constant 0 : i32
      %dma_wait3A_129 = arith.constant 0 : i32
      %dma_wait3A_130 = tpu.memref_slice %arg9[%dma_wait3A_128, %dma_wait3A_129] : memref<512x128xf32, #tpu.memory_space<vmem>> -> memref<128x128xf32, #tpu.memory_space<vmem>>
      %dma_wait3A_131 = arith.constant 0 : i32
      %dma_wait3A_132 = arith.constant 0 : i32
      %dma_wait3A_133 = tpu.memref_slice %arg6[%dma_wait3A_131, %dma_wait3A_132] : memref<40960x128xf32, #tpu.memory_space<hbm>> -> memref<128x128xf32, #tpu.memory_space<hbm>>
      %dma_wait3A_134 = arith.constant 0 : i32
      %dma_wait3A_135 = arith.constant 0 : i32
      %dma_wait3A_136 = tpu.memref_slice %arg9[%dma_wait3A_134, %dma_wait3A_135] : memref<512x128xf32, #tpu.memory_space<vmem>> -> memref<128x128xf32, #tpu.memory_space<vmem>>
      %dma_wait3A_137 = arith.constant 0 : i32
      %dma_wait3A_138 = arith.constant 0 : i32
      %dma_wait3A_139 = tpu.memref_slice %arg6[%dma_wait3A_137, %dma_wait3A_138] : memref<40960x128xf32, #tpu.memory_space<hbm>> -> memref<128x128xf32, #tpu.memory_space<hbm>>
      tpu.wait_dma2 semaphore(%arg12 : memref<!tpu.dma_semaphore, #tpu.memory_space<semaphore_mem>>) src(%dma_wait3A_139 : memref<128x128xf32, #tpu.memory_space<hbm>>) dst(%dma_wait3A_136 : memref<128x128xf32, #tpu.memory_space<vmem>>)
      %mul3A_140 = arith.constant 1280 : i32
      %mul3A_141 = arith.muli %add3A, %mul3A_140 : i32
      %mul3A_142 = arith.constant 128 : i32
      %mul3A_143 = arith.muli %scan3A_106, %mul3A_142 : i32
      %add3A_144 = arith.addi %mul3A_141, %mul3A_143 : i32
      %rem3A_145 = arith.constant 4 : i32
      %rem3A_146 = arith.remsi %scan3A_106, %rem3A_145 : i32
      %mul3A_147 = arith.constant 128 : i32
      %mul3A_148 = arith.muli %rem3A_146, %mul3A_147 : i32
      %dma_start3A_149 = arith.constant 0 : i32
      %dma_start3A_150 = tpu.memref_slice %arg9[%mul3A_148, %dma_start3A_149] : memref<512x128xf32, #tpu.memory_space<vmem>> -> memref<128x128xf32, #tpu.memory_space<vmem>>
      %dma_start3A_151 = arith.constant 0 : i32
      %dma_start3A_152 = tpu.memref_slice %arg6[%add3A_144, %dma_start3A_151] : memref<40960x128xf32, #tpu.memory_space<hbm>> -> memref<128x128xf32, #tpu.memory_space<hbm>>
      %dma_start3A_153 = arith.constant 0 : i32
      %dma_start3A_154 = tpu.memref_slice %arg6[%add3A_144, %dma_start3A_153] : memref<40960x128xf32, #tpu.memory_space<hbm>> -> memref<128x128xf32, #tpu.memory_space<hbm>>
      %dma_start3A_155 = arith.constant 0 : i32
      %dma_start3A_156 = tpu.memref_slice %arg9[%mul3A_148, %dma_start3A_155] : memref<512x128xf32, #tpu.memory_space<vmem>> -> memref<128x128xf32, #tpu.memory_space<vmem>>
      tpu.enqueue_dma source(%dma_start3A_156 : memref<128x128xf32, #tpu.memory_space<vmem>>) target(%dma_start3A_154 : memref<128x128xf32, #tpu.memory_space<hbm>>) target_semaphore(%arg13 : memref<!tpu.dma_semaphore, #tpu.memory_space<semaphore_mem>>)
    }
    %scan3A_57 = arith.constant 10 : i32
    %dma_wait3A_58 = arith.constant 0 : i32
    %dma_wait3A_59 = arith.constant 0 : i32
    %dma_wait3A_60 = tpu.memref_slice %arg9[%dma_wait3A_58, %dma_wait3A_59] : memref<512x128xf32, #tpu.memory_space<vmem>> -> memref<128x128xf32, #tpu.memory_space<vmem>>
    %dma_wait3A_61 = arith.constant 0 : i32
    %dma_wait3A_62 = arith.constant 0 : i32
    %dma_wait3A_63 = tpu.memref_slice %arg6[%dma_wait3A_61, %dma_wait3A_62] : memref<40960x128xf32, #tpu.memory_space<hbm>> -> memref<128x128xf32, #tpu.memory_space<hbm>>
    %dma_wait3A_64 = arith.constant 0 : i32
    %dma_wait3A_65 = arith.constant 0 : i32
    %dma_wait3A_66 = tpu.memref_slice %arg9[%dma_wait3A_64, %dma_wait3A_65] : memref<512x128xf32, #tpu.memory_space<vmem>> -> memref<128x128xf32, #tpu.memory_space<vmem>>
    %dma_wait3A_67 = arith.constant 0 : i32
    %dma_wait3A_68 = arith.constant 0 : i32
    %dma_wait3A_69 = tpu.memref_slice %arg6[%dma_wait3A_67, %dma_wait3A_68] : memref<40960x128xf32, #tpu.memory_space<hbm>> -> memref<128x128xf32, #tpu.memory_space<hbm>>
    tpu.wait_dma2 semaphore(%arg13 : memref<!tpu.dma_semaphore, #tpu.memory_space<semaphore_mem>>) src(%dma_wait3A_69 : memref<128x128xf32, #tpu.memory_space<hbm>>) dst(%dma_wait3A_66 : memref<128x128xf32, #tpu.memory_space<vmem>>)
    %dma_wait3A_70 = arith.constant 0 : i32
    %dma_wait3A_71 = arith.constant 0 : i32
    %dma_wait3A_72 = tpu.memref_slice %arg9[%dma_wait3A_70, %dma_wait3A_71] : memref<512x128xf32, #tpu.memory_space<vmem>> -> memref<128x128xf32, #tpu.memory_space<vmem>>
    %dma_wait3A_73 = arith.constant 0 : i32
    %dma_wait3A_74 = arith.constant 0 : i32
    %dma_wait3A_75 = tpu.memref_slice %arg6[%dma_wait3A_73, %dma_wait3A_74] : memref<40960x128xf32, #tpu.memory_space<hbm>> -> memref<128x128xf32, #tpu.memory_space<hbm>>
    %dma_wait3A_76 = arith.constant 0 : i32
    %dma_wait3A_77 = arith.constant 0 : i32
    %dma_wait3A_78 = tpu.memref_slice %arg9[%dma_wait3A_76, %dma_wait3A_77] : memref<512x128xf32, #tpu.memory_space<vmem>> -> memref<128x128xf32, #tpu.memory_space<vmem>>
    %dma_wait3A_79 = arith.constant 0 : i32
    %dma_wait3A_80 = arith.constant 0 : i32
    %dma_wait3A_81 = tpu.memref_slice %arg6[%dma_wait3A_79, %dma_wait3A_80] : memref<40960x128xf32, #tpu.memory_space<hbm>> -> memref<128x128xf32, #tpu.memory_space<hbm>>
    tpu.wait_dma2 semaphore(%arg13 : memref<!tpu.dma_semaphore, #tpu.memory_space<semaphore_mem>>) src(%dma_wait3A_81 : memref<128x128xf32, #tpu.memory_space<hbm>>) dst(%dma_wait3A_78 : memref<128x128xf32, #tpu.memory_space<vmem>>)
    %dma_wait3A_82 = arith.constant 0 : i32
    %dma_wait3A_83 = arith.constant 0 : i32
    %dma_wait3A_84 = tpu.memref_slice %arg9[%dma_wait3A_82, %dma_wait3A_83] : memref<512x128xf32, #tpu.memory_space<vmem>> -> memref<128x128xf32, #tpu.memory_space<vmem>>
    %dma_wait3A_85 = arith.constant 0 : i32
    %dma_wait3A_86 = arith.constant 0 : i32
    %dma_wait3A_87 = tpu.memref_slice %arg6[%dma_wait3A_85, %dma_wait3A_86] : memref<40960x128xf32, #tpu.memory_space<hbm>> -> memref<128x128xf32, #tpu.memory_space<hbm>>
    %dma_wait3A_88 = arith.constant 0 : i32
    %dma_wait3A_89 = arith.constant 0 : i32
    %dma_wait3A_90 = tpu.memref_slice %arg9[%dma_wait3A_88, %dma_wait3A_89] : memref<512x128xf32, #tpu.memory_space<vmem>> -> memref<128x128xf32, #tpu.memory_space<vmem>>
    %dma_wait3A_91 = arith.constant 0 : i32
    %dma_wait3A_92 = arith.constant 0 : i32
    %dma_wait3A_93 = tpu.memref_slice %arg6[%dma_wait3A_91, %dma_wait3A_92] : memref<40960x128xf32, #tpu.memory_space<hbm>> -> memref<128x128xf32, #tpu.memory_space<hbm>>
    tpu.wait_dma2 semaphore(%arg13 : memref<!tpu.dma_semaphore, #tpu.memory_space<semaphore_mem>>) src(%dma_wait3A_93 : memref<128x128xf32, #tpu.memory_space<hbm>>) dst(%dma_wait3A_90 : memref<128x128xf32, #tpu.memory_space<vmem>>)
    %dma_wait3A_94 = arith.constant 0 : i32
    %dma_wait3A_95 = arith.constant 0 : i32
    %dma_wait3A_96 = tpu.memref_slice %arg9[%dma_wait3A_94, %dma_wait3A_95] : memref<512x128xf32, #tpu.memory_space<vmem>> -> memref<128x128xf32, #tpu.memory_space<vmem>>
    %dma_wait3A_97 = arith.constant 0 : i32
    %dma_wait3A_98 = arith.constant 0 : i32
    %dma_wait3A_99 = tpu.memref_slice %arg6[%dma_wait3A_97, %dma_wait3A_98] : memref<40960x128xf32, #tpu.memory_space<hbm>> -> memref<128x128xf32, #tpu.memory_space<hbm>>
    %dma_wait3A_100 = arith.constant 0 : i32
    %dma_wait3A_101 = arith.constant 0 : i32
    %dma_wait3A_102 = tpu.memref_slice %arg9[%dma_wait3A_100, %dma_wait3A_101] : memref<512x128xf32, #tpu.memory_space<vmem>> -> memref<128x128xf32, #tpu.memory_space<vmem>>
    %dma_wait3A_103 = arith.constant 0 : i32
    %dma_wait3A_104 = arith.constant 0 : i32
    %dma_wait3A_105 = tpu.memref_slice %arg6[%dma_wait3A_103, %dma_wait3A_104] : memref<40960x128xf32, #tpu.memory_space<hbm>> -> memref<128x128xf32, #tpu.memory_space<hbm>>
    tpu.wait_dma2 semaphore(%arg13 : memref<!tpu.dma_semaphore, #tpu.memory_space<semaphore_mem>>) src(%dma_wait3A_105 : memref<128x128xf32, #tpu.memory_space<hbm>>) dst(%dma_wait3A_102 : memref<128x128xf32, #tpu.memory_space<vmem>>)
    return
  }
}

#map = affine_map<(d0, d1) -> (0, 0, 0)>
#map1 = affine_map<(d0, d1) -> (0, 0)>
module attributes {stable_mosaic.version = 14 : i64} {
  func.func @_gather_body(%arg0: i32, %arg1: i32, %arg2: memref<32x10x128xi32, #tpu.memory_space<hbm>>, %arg3: memref<32x10x128xi32, #tpu.memory_space<hbm>>, %arg4: memref<100000x128xf32, #tpu.memory_space<hbm>>, %arg5: memref<400x128xf32, #tpu.memory_space<hbm>>, %arg6: memref<40960x128xf32, #tpu.memory_space<hbm>>, %arg7: memref<10x128xi32, #tpu.memory_space<vmem>>, %arg8: memref<10x128xi32, #tpu.memory_space<vmem>>, %arg9: memref<512x128xf32, #tpu.memory_space<vmem>>, %arg10: memref<400x128xf32, #tpu.memory_space<vmem_shared>>, %arg11: memref<!tpu.dma_semaphore, #tpu.memory_space<semaphore_mem>>, %arg12: memref<!tpu.dma_semaphore, #tpu.memory_space<semaphore_mem>>, %arg13: memref<!tpu.dma_semaphore, #tpu.memory_space<semaphore_mem>>) attributes {dimension_semantics = [#tpu.dimension_semantics<core_parallel>, #tpu.dimension_semantics<subcore_parallel>], iteration_bounds = array<i64: 2, 16>, scalar_prefetch = 0 : i64, scratch_operands = 7 : i64, tpu.core_type = #tpu.core_type<sc_vector_subcore>, window_params = [{transform_indices = #map}, {transform_indices = #map}, {transform_indices = #map1}, {transform_indices = #map1}, {transform_indices = #map1}]} {
    %mul3A = arith.constant 2 : i32
    %mul3A_0 = arith.muli %arg1, %mul3A : i32
    %add3A = arith.addi %mul3A_0, %arg0 : i32
    %eq3A = arith.constant 0 : i32
    %eq3A_1 = arith.cmpi eq, %arg1, %eq3A : i32
    %convert_element_type3A = arith.extui %eq3A_1 : i1 to i32
    %cond3A = arith.constant 0 : i32
    %cond3A_2 = arith.cmpi ne, %convert_element_type3A, %cond3A : i32
    scf.if %cond3A_2 {
      "tpu.region"() ({
        %run_scoped3A = tpu.sem_alloc : memref<!tpu.dma_semaphore, #tpu.memory_space<semaphore_mem>>
        tpu.enqueue_dma source(%arg5 : memref<400x128xf32, #tpu.memory_space<hbm>>) target(%arg10 : memref<400x128xf32, #tpu.memory_space<vmem_shared>>) target_semaphore(%run_scoped3A : memref<!tpu.dma_semaphore, #tpu.memory_space<semaphore_mem>>)
        tpu.wait_dma2 semaphore(%run_scoped3A : memref<!tpu.dma_semaphore, #tpu.memory_space<semaphore_mem>>) src(%arg5 : memref<400x128xf32, #tpu.memory_space<hbm>>) dst(%arg10 : memref<400x128xf32, #tpu.memory_space<vmem_shared>>)
        tpu.yield
      }) : () -> ()
    } else {
    }
    %barrier3A = arith.constant 0 : index
    tpu.barrier barrier_id(%barrier3A)
    "tpu.region"() ({
      %run_scoped3A = tpu.sem_alloc : memref<!tpu.dma_semaphore, #tpu.memory_space<semaphore_mem>>
      %dma_start3A_106 = arith.constant 0 : i32
      %dma_start3A_107 = arith.constant 0 : i32
      %dma_start3A_108 = tpu.memref_slice %arg2[%add3A, %dma_start3A_106, %dma_start3A_107] : memref<32x10x128xi32, #tpu.memory_space<hbm>> -> memref<1x10x128xi32, #tpu.memory_space<hbm>>
      %dma_start3A_109 = tpu.memref_squeeze %dma_start3A_108 : memref<1x10x128xi32, #tpu.memory_space<hbm>> -> memref<10x128xi32, #tpu.memory_space<hbm>>
      %dma_start3A_110 = arith.constant 0 : i32
      %dma_start3A_111 = arith.constant 0 : i32
      %dma_start3A_112 = tpu.memref_slice %arg2[%add3A, %dma_start3A_110, %dma_start3A_111] : memref<32x10x128xi32, #tpu.memory_space<hbm>> -> memref<1x10x128xi32, #tpu.memory_space<hbm>>
      %dma_start3A_113 = tpu.memref_squeeze %dma_start3A_112 : memref<1x10x128xi32, #tpu.memory_space<hbm>> -> memref<10x128xi32, #tpu.memory_space<hbm>>
      tpu.enqueue_dma source(%dma_start3A_113 : memref<10x128xi32, #tpu.memory_space<hbm>>) target(%arg7 : memref<10x128xi32, #tpu.memory_space<vmem>>) target_semaphore(%run_scoped3A : memref<!tpu.dma_semaphore, #tpu.memory_space<semaphore_mem>>)
      %dma_wait3A_114 = arith.constant 0 : i32
      %dma_wait3A_115 = arith.constant 0 : i32
      %dma_wait3A_116 = tpu.memref_slice %arg2[%add3A, %dma_wait3A_114, %dma_wait3A_115] : memref<32x10x128xi32, #tpu.memory_space<hbm>> -> memref<1x10x128xi32, #tpu.memory_space<hbm>>
      %dma_wait3A_117 = tpu.memref_squeeze %dma_wait3A_116 : memref<1x10x128xi32, #tpu.memory_space<hbm>> -> memref<10x128xi32, #tpu.memory_space<hbm>>
      %dma_wait3A_118 = arith.constant 0 : i32
      %dma_wait3A_119 = arith.constant 0 : i32
      %dma_wait3A_120 = tpu.memref_slice %arg2[%add3A, %dma_wait3A_118, %dma_wait3A_119] : memref<32x10x128xi32, #tpu.memory_space<hbm>> -> memref<1x10x128xi32, #tpu.memory_space<hbm>>
      %dma_wait3A_121 = tpu.memref_squeeze %dma_wait3A_120 : memref<1x10x128xi32, #tpu.memory_space<hbm>> -> memref<10x128xi32, #tpu.memory_space<hbm>>
      tpu.wait_dma2 semaphore(%run_scoped3A : memref<!tpu.dma_semaphore, #tpu.memory_space<semaphore_mem>>) src(%dma_wait3A_121 : memref<10x128xi32, #tpu.memory_space<hbm>>) dst(%arg7 : memref<10x128xi32, #tpu.memory_space<vmem>>)
      tpu.yield
    }) : () -> ()
    "tpu.region"() ({
      %run_scoped3A = tpu.sem_alloc : memref<!tpu.dma_semaphore, #tpu.memory_space<semaphore_mem>>
      %dma_start3A_106 = arith.constant 0 : i32
      %dma_start3A_107 = arith.constant 0 : i32
      %dma_start3A_108 = tpu.memref_slice %arg3[%add3A, %dma_start3A_106, %dma_start3A_107] : memref<32x10x128xi32, #tpu.memory_space<hbm>> -> memref<1x10x128xi32, #tpu.memory_space<hbm>>
      %dma_start3A_109 = tpu.memref_squeeze %dma_start3A_108 : memref<1x10x128xi32, #tpu.memory_space<hbm>> -> memref<10x128xi32, #tpu.memory_space<hbm>>
      %dma_start3A_110 = arith.constant 0 : i32
      %dma_start3A_111 = arith.constant 0 : i32
      %dma_start3A_112 = tpu.memref_slice %arg3[%add3A, %dma_start3A_110, %dma_start3A_111] : memref<32x10x128xi32, #tpu.memory_space<hbm>> -> memref<1x10x128xi32, #tpu.memory_space<hbm>>
      %dma_start3A_113 = tpu.memref_squeeze %dma_start3A_112 : memref<1x10x128xi32, #tpu.memory_space<hbm>> -> memref<10x128xi32, #tpu.memory_space<hbm>>
      tpu.enqueue_dma source(%dma_start3A_113 : memref<10x128xi32, #tpu.memory_space<hbm>>) target(%arg8 : memref<10x128xi32, #tpu.memory_space<vmem>>) target_semaphore(%run_scoped3A : memref<!tpu.dma_semaphore, #tpu.memory_space<semaphore_mem>>)
      %dma_wait3A_114 = arith.constant 0 : i32
      %dma_wait3A_115 = arith.constant 0 : i32
      %dma_wait3A_116 = tpu.memref_slice %arg3[%add3A, %dma_wait3A_114, %dma_wait3A_115] : memref<32x10x128xi32, #tpu.memory_space<hbm>> -> memref<1x10x128xi32, #tpu.memory_space<hbm>>
      %dma_wait3A_117 = tpu.memref_squeeze %dma_wait3A_116 : memref<1x10x128xi32, #tpu.memory_space<hbm>> -> memref<10x128xi32, #tpu.memory_space<hbm>>
      %dma_wait3A_118 = arith.constant 0 : i32
      %dma_wait3A_119 = arith.constant 0 : i32
      %dma_wait3A_120 = tpu.memref_slice %arg3[%add3A, %dma_wait3A_118, %dma_wait3A_119] : memref<32x10x128xi32, #tpu.memory_space<hbm>> -> memref<1x10x128xi32, #tpu.memory_space<hbm>>
      %dma_wait3A_121 = tpu.memref_squeeze %dma_wait3A_120 : memref<1x10x128xi32, #tpu.memory_space<hbm>> -> memref<10x128xi32, #tpu.memory_space<hbm>>
      tpu.wait_dma2 semaphore(%run_scoped3A : memref<!tpu.dma_semaphore, #tpu.memory_space<semaphore_mem>>) src(%dma_wait3A_121 : memref<10x128xi32, #tpu.memory_space<hbm>>) dst(%arg8 : memref<10x128xi32, #tpu.memory_space<vmem>>)
      tpu.yield
    }) : () -> ()
    %rem3A = arith.constant 0 : i32
    %rem3A_3 = arith.constant 4 : i32
    %rem3A_4 = arith.remsi %rem3A, %rem3A_3 : i32
    %mul3A_5 = arith.constant 128 : i32
    %mul3A_6 = arith.muli %rem3A_4, %mul3A_5 : i32
    %dma_start3A = arith.constant 0 : i32
    %dma_start3A_7 = arith.constant 0 : i32
    %dma_start3A_8 = tpu.memref_slice %arg9[%mul3A_6, %dma_start3A_7] : memref<512x128xf32, #tpu.memory_space<vmem>> -> memref<128x128xf32, #tpu.memory_space<vmem>>
    %dma_start3A_9 = arith.constant 0 : i32
    %dma_start3A_10 = tpu.memref_slice %arg7[%dma_start3A, %dma_start3A_9] : memref<10x128xi32, #tpu.memory_space<vmem>> -> memref<1x128xi32, #tpu.memory_space<vmem>>
    %dma_start3A_11 = tpu.memref_squeeze %dma_start3A_10 : memref<1x128xi32, #tpu.memory_space<vmem>> -> memref<128xi32, #tpu.memory_space<vmem>>
    %dma_start3A_12 = arith.constant 0 : i32
    %dma_start3A_13 = arith.constant 0 : i32
    %dma_start3A_14 = tpu.memref_slice %arg4[%dma_start3A_12, %dma_start3A_13] : memref<100000x128xf32, #tpu.memory_space<hbm>> -> memref<100000x128xf32, #tpu.memory_space<hbm>>
    tpu.enqueue_indirect_dma source(%dma_start3A_14 : memref<100000x128xf32, #tpu.memory_space<hbm>>) target(%dma_start3A_8 : memref<128x128xf32, #tpu.memory_space<vmem>>) offsets(%dma_start3A_11 : memref<128xi32, #tpu.memory_space<vmem>>) semaphore(%arg11 : memref<!tpu.dma_semaphore, #tpu.memory_space<semaphore_mem>>)
    %dma_wait3A = arith.constant 0 : i32
    %dma_wait3A_15 = arith.constant 0 : i32
    %dma_wait3A_16 = tpu.memref_slice %arg9[%dma_wait3A, %dma_wait3A_15] : memref<512x128xf32, #tpu.memory_space<vmem>> -> memref<128x128xf32, #tpu.memory_space<vmem>>
    %dma_wait3A_17 = arith.constant 0 : i32
    %dma_wait3A_18 = arith.constant 0 : i32
    %dma_wait3A_19 = tpu.memref_slice %arg6[%dma_wait3A_17, %dma_wait3A_18] : memref<40960x128xf32, #tpu.memory_space<hbm>> -> memref<128x128xf32, #tpu.memory_space<hbm>>
    %dma_wait3A_20 = arith.constant 0 : i32
    %dma_wait3A_21 = arith.constant 0 : i32
    %dma_wait3A_22 = tpu.memref_slice %arg9[%dma_wait3A_20, %dma_wait3A_21] : memref<512x128xf32, #tpu.memory_space<vmem>> -> memref<128x128xf32, #tpu.memory_space<vmem>>
    %dma_wait3A_23 = arith.constant 0 : i32
    %dma_wait3A_24 = arith.constant 0 : i32
    %dma_wait3A_25 = tpu.memref_slice %arg6[%dma_wait3A_23, %dma_wait3A_24] : memref<40960x128xf32, #tpu.memory_space<hbm>> -> memref<128x128xf32, #tpu.memory_space<hbm>>
    tpu.wait_dma2 semaphore(%arg11 : memref<!tpu.dma_semaphore, #tpu.memory_space<semaphore_mem>>) src(%dma_wait3A_25 : memref<128x128xf32, #tpu.memory_space<hbm>>) dst(%dma_wait3A_22 : memref<128x128xf32, #tpu.memory_space<vmem>>)
    %rem3A_26 = arith.constant 0 : i32
    %rem3A_27 = arith.constant 4 : i32
    %rem3A_28 = arith.remsi %rem3A_26, %rem3A_27 : i32
    %mul3A_29 = arith.constant 128 : i32
    %mul3A_30 = arith.muli %rem3A_28, %mul3A_29 : i32
    %dma_start3A_31 = arith.constant 0 : i32
    %dma_start3A_32 = arith.constant 0 : i32
    %dma_start3A_33 = tpu.memref_slice %arg9[%mul3A_30, %dma_start3A_32] : memref<512x128xf32, #tpu.memory_space<vmem>> -> memref<128x128xf32, #tpu.memory_space<vmem>>
    %dma_start3A_34 = arith.constant 0 : i32
    %dma_start3A_35 = tpu.memref_slice %arg8[%dma_start3A_31, %dma_start3A_34] : memref<10x128xi32, #tpu.memory_space<vmem>> -> memref<1x128xi32, #tpu.memory_space<vmem>>
    %dma_start3A_36 = tpu.memref_squeeze %dma_start3A_35 : memref<1x128xi32, #tpu.memory_space<vmem>> -> memref<128xi32, #tpu.memory_space<vmem>>
    %dma_start3A_37 = arith.constant 0 : i32
    %dma_start3A_38 = arith.constant 0 : i32
    %dma_start3A_39 = tpu.memref_slice %arg10[%dma_start3A_37, %dma_start3A_38] : memref<400x128xf32, #tpu.memory_space<vmem_shared>> -> memref<400x128xf32, #tpu.memory_space<vmem_shared>>
    tpu.enqueue_indirect_dma source(%dma_start3A_39 : memref<400x128xf32, #tpu.memory_space<vmem_shared>>) target(%dma_start3A_33 : memref<128x128xf32, #tpu.memory_space<vmem>>) offsets(%dma_start3A_36 : memref<128xi32, #tpu.memory_space<vmem>>) semaphore(%arg12 : memref<!tpu.dma_semaphore, #tpu.memory_space<semaphore_mem>>) {add = true}
    %rem3A_40 = arith.constant 1 : i32
    %rem3A_41 = arith.constant 4 : i32
    %rem3A_42 = arith.remsi %rem3A_40, %rem3A_41 : i32
    %mul3A_43 = arith.constant 128 : i32
    %mul3A_44 = arith.muli %rem3A_42, %mul3A_43 : i32
    %dma_start3A_45 = arith.constant 1 : i32
    %dma_start3A_46 = arith.constant 0 : i32
    %dma_start3A_47 = tpu.memref_slice %arg9[%mul3A_44, %dma_start3A_46] : memref<512x128xf32, #tpu.memory_space<vmem>> -> memref<128x128xf32, #tpu.memory_space<vmem>>
    %dma_start3A_48 = arith.constant 0 : i32
    %dma_start3A_49 = tpu.memref_slice %arg7[%dma_start3A_45, %dma_start3A_48] : memref<10x128xi32, #tpu.memory_space<vmem>> -> memref<1x128xi32, #tpu.memory_space<vmem>>
    %dma_start3A_50 = tpu.memref_squeeze %dma_start3A_49 : memref<1x128xi32, #tpu.memory_space<vmem>> -> memref<128xi32, #tpu.memory_space<vmem>>
    %dma_start3A_51 = arith.constant 0 : i32
    %dma_start3A_52 = arith.constant 0 : i32
    %dma_start3A_53 = tpu.memref_slice %arg4[%dma_start3A_51, %dma_start3A_52] : memref<100000x128xf32, #tpu.memory_space<hbm>> -> memref<100000x128xf32, #tpu.memory_space<hbm>>
    tpu.enqueue_indirect_dma source(%dma_start3A_53 : memref<100000x128xf32, #tpu.memory_space<hbm>>) target(%dma_start3A_47 : memref<128x128xf32, #tpu.memory_space<vmem>>) offsets(%dma_start3A_50 : memref<128xi32, #tpu.memory_space<vmem>>) semaphore(%arg11 : memref<!tpu.dma_semaphore, #tpu.memory_space<semaphore_mem>>)
    %scan3A = arith.constant 0 : i32
    %scan3A_54 = arith.constant 10 : i32
    %scan3A_55 = arith.addi %scan3A, %scan3A_54 : i32
    %scan3A_56 = arith.constant 1 : i32
    scf.for %scan3A_106 = %scan3A to %scan3A_55 step %scan3A_56  : i32 {
      %add3A_107 = arith.constant 2 : i32
      %add3A_108 = arith.addi %scan3A_106, %add3A_107 : i32
      %lt3A = arith.constant 10 : i32
      %lt3A_109 = arith.cmpi slt, %add3A_108, %lt3A : i32
      %ge3A = arith.constant 2 : i32
      %ge3A_110 = arith.cmpi sge, %scan3A_106, %ge3A : i32
      %and3A = arith.andi %lt3A_109, %ge3A_110 : i1
      %convert_element_type3A_111 = arith.extui %and3A : i1 to i32
      %cond3A_112 = arith.constant 0 : i32
      %cond3A_113 = arith.cmpi ne, %convert_element_type3A_111, %cond3A_112 : i32
      scf.if %cond3A_113 {
        %dma_wait3A_157 = arith.constant 0 : i32
        %dma_wait3A_158 = arith.constant 0 : i32
        %dma_wait3A_159 = tpu.memref_slice %arg9[%dma_wait3A_157, %dma_wait3A_158] : memref<512x128xf32, #tpu.memory_space<vmem>> -> memref<128x128xf32, #tpu.memory_space<vmem>>
        %dma_wait3A_160 = arith.constant 0 : i32
        %dma_wait3A_161 = arith.constant 0 : i32
        %dma_wait3A_162 = tpu.memref_slice %arg6[%dma_wait3A_160, %dma_wait3A_161] : memref<40960x128xf32, #tpu.memory_space<hbm>> -> memref<128x128xf32, #tpu.memory_space<hbm>>
        %dma_wait3A_163 = arith.constant 0 : i32
        %dma_wait3A_164 = arith.constant 0 : i32
        %dma_wait3A_165 = tpu.memref_slice %arg9[%dma_wait3A_163, %dma_wait3A_164] : memref<512x128xf32, #tpu.memory_space<vmem>> -> memref<128x128xf32, #tpu.memory_space<vmem>>
        %dma_wait3A_166 = arith.constant 0 : i32
        %dma_wait3A_167 = arith.constant 0 : i32
        %dma_wait3A_168 = tpu.memref_slice %arg6[%dma_wait3A_166, %dma_wait3A_167] : memref<40960x128xf32, #tpu.memory_space<hbm>> -> memref<128x128xf32, #tpu.memory_space<hbm>>
        tpu.wait_dma2 semaphore(%arg13 : memref<!tpu.dma_semaphore, #tpu.memory_space<semaphore_mem>>) src(%dma_wait3A_168 : memref<128x128xf32, #tpu.memory_space<hbm>>) dst(%dma_wait3A_165 : memref<128x128xf32, #tpu.memory_space<vmem>>)
      } else {
      }
      %add3A_114 = arith.constant 2 : i32
      %add3A_115 = arith.addi %scan3A_106, %add3A_114 : i32
      %lt3A_116 = arith.constant 10 : i32
      %lt3A_117 = arith.cmpi slt, %add3A_115, %lt3A_116 : i32
      %convert_element_type3A_118 = arith.extui %lt3A_117 : i1 to i32
      %cond3A_119 = arith.constant 0 : i32
      %cond3A_120 = arith.cmpi ne, %convert_element_type3A_118, %cond3A_119 : i32
      scf.if %cond3A_120 {
        %add3A_157 = arith.constant 2 : i32
        %add3A_158 = arith.addi %scan3A_106, %add3A_157 : i32
        %add3A_159 = arith.constant 2 : i32
        %add3A_160 = arith.addi %scan3A_106, %add3A_159 : i32
        %rem3A_161 = arith.constant 4 : i32
        %rem3A_162 = arith.remsi %add3A_160, %rem3A_161 : i32
        %mul3A_163 = arith.constant 128 : i32
        %mul3A_164 = arith.muli %rem3A_162, %mul3A_163 : i32
        %dma_start3A_165 = arith.constant 0 : i32
        %dma_start3A_166 = tpu.memref_slice %arg9[%mul3A_164, %dma_start3A_165] : memref<512x128xf32, #tpu.memory_space<vmem>> -> memref<128x128xf32, #tpu.memory_space<vmem>>
        %dma_start3A_167 = arith.constant 0 : i32
        %dma_start3A_168 = tpu.memref_slice %arg7[%add3A_158, %dma_start3A_167] : memref<10x128xi32, #tpu.memory_space<vmem>> -> memref<1x128xi32, #tpu.memory_space<vmem>>
        %dma_start3A_169 = tpu.memref_squeeze %dma_start3A_168 : memref<1x128xi32, #tpu.memory_space<vmem>> -> memref<128xi32, #tpu.memory_space<vmem>>
        %dma_start3A_170 = arith.constant 0 : i32
        %dma_start3A_171 = arith.constant 0 : i32
        %dma_start3A_172 = tpu.memref_slice %arg4[%dma_start3A_170, %dma_start3A_171] : memref<100000x128xf32, #tpu.memory_space<hbm>> -> memref<100000x128xf32, #tpu.memory_space<hbm>>
        tpu.enqueue_indirect_dma source(%dma_start3A_172 : memref<100000x128xf32, #tpu.memory_space<hbm>>) target(%dma_start3A_166 : memref<128x128xf32, #tpu.memory_space<vmem>>) offsets(%dma_start3A_169 : memref<128xi32, #tpu.memory_space<vmem>>) semaphore(%arg11 : memref<!tpu.dma_semaphore, #tpu.memory_space<semaphore_mem>>)
      } else {
      }
      %add3A_121 = arith.constant 1 : i32
      %add3A_122 = arith.addi %scan3A_106, %add3A_121 : i32
      %lt3A_123 = arith.constant 10 : i32
      %lt3A_124 = arith.cmpi slt, %add3A_122, %lt3A_123 : i32
      %convert_element_type3A_125 = arith.extui %lt3A_124 : i1 to i32
      %cond3A_126 = arith.constant 0 : i32
      %cond3A_127 = arith.cmpi ne, %convert_element_type3A_125, %cond3A_126 : i32
      scf.if %cond3A_127 {
        %dma_wait3A_157 = arith.constant 0 : i32
        %dma_wait3A_158 = arith.constant 0 : i32
        %dma_wait3A_159 = tpu.memref_slice %arg9[%dma_wait3A_157, %dma_wait3A_158] : memref<512x128xf32, #tpu.memory_space<vmem>> -> memref<128x128xf32, #tpu.memory_space<vmem>>
        %dma_wait3A_160 = arith.constant 0 : i32
        %dma_wait3A_161 = arith.constant 0 : i32
        %dma_wait3A_162 = tpu.memref_slice %arg6[%dma_wait3A_160, %dma_wait3A_161] : memref<40960x128xf32, #tpu.memory_space<hbm>> -> memref<128x128xf32, #tpu.memory_space<hbm>>
        %dma_wait3A_163 = arith.constant 0 : i32
        %dma_wait3A_164 = arith.constant 0 : i32
        %dma_wait3A_165 = tpu.memref_slice %arg9[%dma_wait3A_163, %dma_wait3A_164] : memref<512x128xf32, #tpu.memory_space<vmem>> -> memref<128x128xf32, #tpu.memory_space<vmem>>
        %dma_wait3A_166 = arith.constant 0 : i32
        %dma_wait3A_167 = arith.constant 0 : i32
        %dma_wait3A_168 = tpu.memref_slice %arg6[%dma_wait3A_166, %dma_wait3A_167] : memref<40960x128xf32, #tpu.memory_space<hbm>> -> memref<128x128xf32, #tpu.memory_space<hbm>>
        tpu.wait_dma2 semaphore(%arg11 : memref<!tpu.dma_semaphore, #tpu.memory_space<semaphore_mem>>) src(%dma_wait3A_168 : memref<128x128xf32, #tpu.memory_space<hbm>>) dst(%dma_wait3A_165 : memref<128x128xf32, #tpu.memory_space<vmem>>)
        %add3A_169 = arith.constant 1 : i32
        %add3A_170 = arith.addi %scan3A_106, %add3A_169 : i32
        %add3A_171 = arith.constant 1 : i32
        %add3A_172 = arith.addi %scan3A_106, %add3A_171 : i32
        %rem3A_173 = arith.constant 4 : i32
        %rem3A_174 = arith.remsi %add3A_172, %rem3A_173 : i32
        %mul3A_175 = arith.constant 128 : i32
        %mul3A_176 = arith.muli %rem3A_174, %mul3A_175 : i32
        %dma_start3A_177 = arith.constant 0 : i32
        %dma_start3A_178 = tpu.memref_slice %arg9[%mul3A_176, %dma_start3A_177] : memref<512x128xf32, #tpu.memory_space<vmem>> -> memref<128x128xf32, #tpu.memory_space<vmem>>
        %dma_start3A_179 = arith.constant 0 : i32
        %dma_start3A_180 = tpu.memref_slice %arg8[%add3A_170, %dma_start3A_179] : memref<10x128xi32, #tpu.memory_space<vmem>> -> memref<1x128xi32, #tpu.memory_space<vmem>>
        %dma_start3A_181 = tpu.memref_squeeze %dma_start3A_180 : memref<1x128xi32, #tpu.memory_space<vmem>> -> memref<128xi32, #tpu.memory_space<vmem>>
        %dma_start3A_182 = arith.constant 0 : i32
        %dma_start3A_183 = arith.constant 0 : i32
        %dma_start3A_184 = tpu.memref_slice %arg10[%dma_start3A_182, %dma_start3A_183] : memref<400x128xf32, #tpu.memory_space<vmem_shared>> -> memref<400x128xf32, #tpu.memory_space<vmem_shared>>
        tpu.enqueue_indirect_dma source(%dma_start3A_184 : memref<400x128xf32, #tpu.memory_space<vmem_shared>>) target(%dma_start3A_178 : memref<128x128xf32, #tpu.memory_space<vmem>>) offsets(%dma_start3A_181 : memref<128xi32, #tpu.memory_space<vmem>>) semaphore(%arg12 : memref<!tpu.dma_semaphore, #tpu.memory_space<semaphore_mem>>) {add = true}
      } else {
      }
      %dma_wait3A_128 = arith.constant 0 : i32
      %dma_wait3A_129 = arith.constant 0 : i32
      %dma_wait3A_130 = tpu.memref_slice %arg9[%dma_wait3A_128, %dma_wait3A_129] : memref<512x128xf32, #tpu.memory_space<vmem>> -> memref<128x128xf32, #tpu.memory_space<vmem>>
      %dma_wait3A_131 = arith.constant 0 : i32
      %dma_wait3A_132 = arith.constant 0 : i32
      %dma_wait3A_133 = tpu.memref_slice %arg6[%dma_wait3A_131, %dma_wait3A_132] : memref<40960x128xf32, #tpu.memory_space<hbm>> -> memref<128x128xf32, #tpu.memory_space<hbm>>
      %dma_wait3A_134 = arith.constant 0 : i32
      %dma_wait3A_135 = arith.constant 0 : i32
      %dma_wait3A_136 = tpu.memref_slice %arg9[%dma_wait3A_134, %dma_wait3A_135] : memref<512x128xf32, #tpu.memory_space<vmem>> -> memref<128x128xf32, #tpu.memory_space<vmem>>
      %dma_wait3A_137 = arith.constant 0 : i32
      %dma_wait3A_138 = arith.constant 0 : i32
      %dma_wait3A_139 = tpu.memref_slice %arg6[%dma_wait3A_137, %dma_wait3A_138] : memref<40960x128xf32, #tpu.memory_space<hbm>> -> memref<128x128xf32, #tpu.memory_space<hbm>>
      tpu.wait_dma2 semaphore(%arg12 : memref<!tpu.dma_semaphore, #tpu.memory_space<semaphore_mem>>) src(%dma_wait3A_139 : memref<128x128xf32, #tpu.memory_space<hbm>>) dst(%dma_wait3A_136 : memref<128x128xf32, #tpu.memory_space<vmem>>)
      %mul3A_140 = arith.constant 1280 : i32
      %mul3A_141 = arith.muli %add3A, %mul3A_140 : i32
      %mul3A_142 = arith.constant 128 : i32
      %mul3A_143 = arith.muli %scan3A_106, %mul3A_142 : i32
      %add3A_144 = arith.addi %mul3A_141, %mul3A_143 : i32
      %rem3A_145 = arith.constant 4 : i32
      %rem3A_146 = arith.remsi %scan3A_106, %rem3A_145 : i32
      %mul3A_147 = arith.constant 128 : i32
      %mul3A_148 = arith.muli %rem3A_146, %mul3A_147 : i32
      %dma_start3A_149 = arith.constant 0 : i32
      %dma_start3A_150 = tpu.memref_slice %arg9[%mul3A_148, %dma_start3A_149] : memref<512x128xf32, #tpu.memory_space<vmem>> -> memref<128x128xf32, #tpu.memory_space<vmem>>
      %dma_start3A_151 = arith.constant 0 : i32
      %dma_start3A_152 = tpu.memref_slice %arg6[%add3A_144, %dma_start3A_151] : memref<40960x128xf32, #tpu.memory_space<hbm>> -> memref<128x128xf32, #tpu.memory_space<hbm>>
      %dma_start3A_153 = arith.constant 0 : i32
      %dma_start3A_154 = tpu.memref_slice %arg6[%add3A_144, %dma_start3A_153] : memref<40960x128xf32, #tpu.memory_space<hbm>> -> memref<128x128xf32, #tpu.memory_space<hbm>>
      %dma_start3A_155 = arith.constant 0 : i32
      %dma_start3A_156 = tpu.memref_slice %arg9[%mul3A_148, %dma_start3A_155] : memref<512x128xf32, #tpu.memory_space<vmem>> -> memref<128x128xf32, #tpu.memory_space<vmem>>
      tpu.enqueue_dma source(%dma_start3A_156 : memref<128x128xf32, #tpu.memory_space<vmem>>) target(%dma_start3A_154 : memref<128x128xf32, #tpu.memory_space<hbm>>) target_semaphore(%arg13 : memref<!tpu.dma_semaphore, #tpu.memory_space<semaphore_mem>>)
    }
    %scan3A_57 = arith.constant 10 : i32
    %dma_wait3A_58 = arith.constant 0 : i32
    %dma_wait3A_59 = arith.constant 0 : i32
    %dma_wait3A_60 = tpu.memref_slice %arg9[%dma_wait3A_58, %dma_wait3A_59] : memref<512x128xf32, #tpu.memory_space<vmem>> -> memref<128x128xf32, #tpu.memory_space<vmem>>
    %dma_wait3A_61 = arith.constant 0 : i32
    %dma_wait3A_62 = arith.constant 0 : i32
    %dma_wait3A_63 = tpu.memref_slice %arg6[%dma_wait3A_61, %dma_wait3A_62] : memref<40960x128xf32, #tpu.memory_space<hbm>> -> memref<128x128xf32, #tpu.memory_space<hbm>>
    %dma_wait3A_64 = arith.constant 0 : i32
    %dma_wait3A_65 = arith.constant 0 : i32
    %dma_wait3A_66 = tpu.memref_slice %arg9[%dma_wait3A_64, %dma_wait3A_65] : memref<512x128xf32, #tpu.memory_space<vmem>> -> memref<128x128xf32, #tpu.memory_space<vmem>>
    %dma_wait3A_67 = arith.constant 0 : i32
    %dma_wait3A_68 = arith.constant 0 : i32
    %dma_wait3A_69 = tpu.memref_slice %arg6[%dma_wait3A_67, %dma_wait3A_68] : memref<40960x128xf32, #tpu.memory_space<hbm>> -> memref<128x128xf32, #tpu.memory_space<hbm>>
    tpu.wait_dma2 semaphore(%arg13 : memref<!tpu.dma_semaphore, #tpu.memory_space<semaphore_mem>>) src(%dma_wait3A_69 : memref<128x128xf32, #tpu.memory_space<hbm>>) dst(%dma_wait3A_66 : memref<128x128xf32, #tpu.memory_space<vmem>>)
    %dma_wait3A_70 = arith.constant 0 : i32
    %dma_wait3A_71 = arith.constant 0 : i32
    %dma_wait3A_72 = tpu.memref_slice %arg9[%dma_wait3A_70, %dma_wait3A_71] : memref<512x128xf32, #tpu.memory_space<vmem>> -> memref<128x128xf32, #tpu.memory_space<vmem>>
    %dma_wait3A_73 = arith.constant 0 : i32
    %dma_wait3A_74 = arith.constant 0 : i32
    %dma_wait3A_75 = tpu.memref_slice %arg6[%dma_wait3A_73, %dma_wait3A_74] : memref<40960x128xf32, #tpu.memory_space<hbm>> -> memref<128x128xf32, #tpu.memory_space<hbm>>
    %dma_wait3A_76 = arith.constant 0 : i32
    %dma_wait3A_77 = arith.constant 0 : i32
    %dma_wait3A_78 = tpu.memref_slice %arg9[%dma_wait3A_76, %dma_wait3A_77] : memref<512x128xf32, #tpu.memory_space<vmem>> -> memref<128x128xf32, #tpu.memory_space<vmem>>
    %dma_wait3A_79 = arith.constant 0 : i32
    %dma_wait3A_80 = arith.constant 0 : i32
    %dma_wait3A_81 = tpu.memref_slice %arg6[%dma_wait3A_79, %dma_wait3A_80] : memref<40960x128xf32, #tpu.memory_space<hbm>> -> memref<128x128xf32, #tpu.memory_space<hbm>>
    tpu.wait_dma2 semaphore(%arg13 : memref<!tpu.dma_semaphore, #tpu.memory_space<semaphore_mem>>) src(%dma_wait3A_81 : memref<128x128xf32, #tpu.memory_space<hbm>>) dst(%dma_wait3A_78 : memref<128x128xf32, #tpu.memory_space<vmem>>)
    %dma_wait3A_82 = arith.constant 0 : i32
    %dma_wait3A_83 = arith.constant 0 : i32
    %dma_wait3A_84 = tpu.memref_slice %arg9[%dma_wait3A_82, %dma_wait3A_83] : memref<512x128xf32, #tpu.memory_space<vmem>> -> memref<128x128xf32, #tpu.memory_space<vmem>>
    %dma_wait3A_85 = arith.constant 0 : i32
    %dma_wait3A_86 = arith.constant 0 : i32
    %dma_wait3A_87 = tpu.memref_slice %arg6[%dma_wait3A_85, %dma_wait3A_86] : memref<40960x128xf32, #tpu.memory_space<hbm>> -> memref<128x128xf32, #tpu.memory_space<hbm>>
    %dma_wait3A_88 = arith.constant 0 : i32
    %dma_wait3A_89 = arith.constant 0 : i32
    %dma_wait3A_90 = tpu.memref_slice %arg9[%dma_wait3A_88, %dma_wait3A_89] : memref<512x128xf32, #tpu.memory_space<vmem>> -> memref<128x128xf32, #tpu.memory_space<vmem>>
    %dma_wait3A_91 = arith.constant 0 : i32
    %dma_wait3A_92 = arith.constant 0 : i32
    %dma_wait3A_93 = tpu.memref_slice %arg6[%dma_wait3A_91, %dma_wait3A_92] : memref<40960x128xf32, #tpu.memory_space<hbm>> -> memref<128x128xf32, #tpu.memory_space<hbm>>
    tpu.wait_dma2 semaphore(%arg13 : memref<!tpu.dma_semaphore, #tpu.memory_space<semaphore_mem>>) src(%dma_wait3A_93 : memref<128x128xf32, #tpu.memory_space<hbm>>) dst(%dma_wait3A_90 : memref<128x128xf32, #tpu.memory_space<vmem>>)
    %dma_wait3A_94 = arith.constant 0 : i32
    %dma_wait3A_95 = arith.constant 0 : i32
    %dma_wait3A_96 = tpu.memref_slice %arg9[%dma_wait3A_94, %dma_wait3A_95] : memref<512x128xf32, #tpu.memory_space<vmem>> -> memref<128x128xf32, #tpu.memory_space<vmem>>
    %dma_wait3A_97 = arith.constant 0 : i32
    %dma_wait3A_98 = arith.constant 0 : i32
    %dma_wait3A_99 = tpu.memref_slice %arg6[%dma_wait3A_97, %dma_wait3A_98] : memref<40960x128xf32, #tpu.memory_space<hbm>> -> memref<128x128xf32, #tpu.memory_space<hbm>>
    %dma_wait3A_100 = arith.constant 0 : i32
    %dma_wait3A_101 = arith.constant 0 : i32
    %dma_wait3A_102 = tpu.memref_slice %arg9[%dma_wait3A_100, %dma_wait3A_101] : memref<512x128xf32, #tpu.memory_space<vmem>> -> memref<128x128xf32, #tpu.memory_space<vmem>>
    %dma_wait3A_103 = arith.constant 0 : i32
    %dma_wait3A_104 = arith.constant 0 : i32
    %dma_wait3A_105 = tpu.memref_slice %arg6[%dma_wait3A_103, %dma_wait3A_104] : memref<40960x128xf32, #tpu.memory_space<hbm>> -> memref<128x128xf32, #tpu.memory_space<hbm>>
    tpu.wait_dma2 semaphore(%arg13 : memref<!tpu.dma_semaphore, #tpu.memory_space<semaphore_mem>>) src(%dma_wait3A_105 : memref<128x128xf32, #tpu.memory_space<hbm>>) dst(%dma_wait3A_102 : memref<128x128xf32, #tpu.memory_space<vmem>>)
    return
  }
}

#map = affine_map<(d0, d1) -> (0, 0, 0)>
#map1 = affine_map<(d0, d1) -> (0, 0)>
module attributes {stable_mosaic.version = 14 : i64} {
  func.func @_gather_body(%arg0: i32, %arg1: i32, %arg2: memref<32x10x128xi32, #tpu.memory_space<hbm>>, %arg3: memref<32x10x128xi32, #tpu.memory_space<hbm>>, %arg4: memref<100000x128xf32, #tpu.memory_space<hbm>>, %arg5: memref<400x128xf32, #tpu.memory_space<hbm>>, %arg6: memref<40960x128xf32, #tpu.memory_space<hbm>>, %arg7: memref<10x128xi32, #tpu.memory_space<vmem>>, %arg8: memref<10x128xi32, #tpu.memory_space<vmem>>, %arg9: memref<512x128xf32, #tpu.memory_space<vmem>>, %arg10: memref<400x128xf32, #tpu.memory_space<vmem_shared>>, %arg11: memref<!tpu.dma_semaphore, #tpu.memory_space<semaphore_mem>>, %arg12: memref<!tpu.dma_semaphore, #tpu.memory_space<semaphore_mem>>, %arg13: memref<!tpu.dma_semaphore, #tpu.memory_space<semaphore_mem>>) attributes {dimension_semantics = [#tpu.dimension_semantics<core_parallel>, #tpu.dimension_semantics<subcore_parallel>], iteration_bounds = array<i64: 2, 16>, scalar_prefetch = 0 : i64, scratch_operands = 7 : i64, tpu.core_type = #tpu.core_type<sc_vector_subcore>, window_params = [{transform_indices = #map}, {transform_indices = #map}, {transform_indices = #map1}, {transform_indices = #map1}, {transform_indices = #map1}]} {
    %mul3A = arith.constant 2 : i32
    %mul3A_0 = arith.muli %arg1, %mul3A : i32
    %add3A = arith.addi %mul3A_0, %arg0 : i32
    %eq3A = arith.constant 0 : i32
    %eq3A_1 = arith.cmpi eq, %arg1, %eq3A : i32
    %convert_element_type3A = arith.extui %eq3A_1 : i1 to i32
    %cond3A = arith.constant 0 : i32
    %cond3A_2 = arith.cmpi ne, %convert_element_type3A, %cond3A : i32
    scf.if %cond3A_2 {
      "tpu.region"() ({
        %run_scoped3A = tpu.sem_alloc : memref<!tpu.dma_semaphore, #tpu.memory_space<semaphore_mem>>
        tpu.enqueue_dma source(%arg5 : memref<400x128xf32, #tpu.memory_space<hbm>>) target(%arg10 : memref<400x128xf32, #tpu.memory_space<vmem_shared>>) target_semaphore(%run_scoped3A : memref<!tpu.dma_semaphore, #tpu.memory_space<semaphore_mem>>)
        tpu.wait_dma2 semaphore(%run_scoped3A : memref<!tpu.dma_semaphore, #tpu.memory_space<semaphore_mem>>) src(%arg5 : memref<400x128xf32, #tpu.memory_space<hbm>>) dst(%arg10 : memref<400x128xf32, #tpu.memory_space<vmem_shared>>)
        tpu.yield
      }) : () -> ()
    } else {
    }
    %barrier3A = arith.constant 0 : index
    tpu.barrier barrier_id(%barrier3A)
    "tpu.region"() ({
      %run_scoped3A = tpu.sem_alloc : memref<!tpu.dma_semaphore, #tpu.memory_space<semaphore_mem>>
      %dma_start3A_106 = arith.constant 0 : i32
      %dma_start3A_107 = arith.constant 0 : i32
      %dma_start3A_108 = tpu.memref_slice %arg2[%add3A, %dma_start3A_106, %dma_start3A_107] : memref<32x10x128xi32, #tpu.memory_space<hbm>> -> memref<1x10x128xi32, #tpu.memory_space<hbm>>
      %dma_start3A_109 = tpu.memref_squeeze %dma_start3A_108 : memref<1x10x128xi32, #tpu.memory_space<hbm>> -> memref<10x128xi32, #tpu.memory_space<hbm>>
      %dma_start3A_110 = arith.constant 0 : i32
      %dma_start3A_111 = arith.constant 0 : i32
      %dma_start3A_112 = tpu.memref_slice %arg2[%add3A, %dma_start3A_110, %dma_start3A_111] : memref<32x10x128xi32, #tpu.memory_space<hbm>> -> memref<1x10x128xi32, #tpu.memory_space<hbm>>
      %dma_start3A_113 = tpu.memref_squeeze %dma_start3A_112 : memref<1x10x128xi32, #tpu.memory_space<hbm>> -> memref<10x128xi32, #tpu.memory_space<hbm>>
      tpu.enqueue_dma source(%dma_start3A_113 : memref<10x128xi32, #tpu.memory_space<hbm>>) target(%arg7 : memref<10x128xi32, #tpu.memory_space<vmem>>) target_semaphore(%run_scoped3A : memref<!tpu.dma_semaphore, #tpu.memory_space<semaphore_mem>>)
      %dma_wait3A_114 = arith.constant 0 : i32
      %dma_wait3A_115 = arith.constant 0 : i32
      %dma_wait3A_116 = tpu.memref_slice %arg2[%add3A, %dma_wait3A_114, %dma_wait3A_115] : memref<32x10x128xi32, #tpu.memory_space<hbm>> -> memref<1x10x128xi32, #tpu.memory_space<hbm>>
      %dma_wait3A_117 = tpu.memref_squeeze %dma_wait3A_116 : memref<1x10x128xi32, #tpu.memory_space<hbm>> -> memref<10x128xi32, #tpu.memory_space<hbm>>
      %dma_wait3A_118 = arith.constant 0 : i32
      %dma_wait3A_119 = arith.constant 0 : i32
      %dma_wait3A_120 = tpu.memref_slice %arg2[%add3A, %dma_wait3A_118, %dma_wait3A_119] : memref<32x10x128xi32, #tpu.memory_space<hbm>> -> memref<1x10x128xi32, #tpu.memory_space<hbm>>
      %dma_wait3A_121 = tpu.memref_squeeze %dma_wait3A_120 : memref<1x10x128xi32, #tpu.memory_space<hbm>> -> memref<10x128xi32, #tpu.memory_space<hbm>>
      tpu.wait_dma2 semaphore(%run_scoped3A : memref<!tpu.dma_semaphore, #tpu.memory_space<semaphore_mem>>) src(%dma_wait3A_121 : memref<10x128xi32, #tpu.memory_space<hbm>>) dst(%arg7 : memref<10x128xi32, #tpu.memory_space<vmem>>)
      tpu.yield
    }) : () -> ()
    "tpu.region"() ({
      %run_scoped3A = tpu.sem_alloc : memref<!tpu.dma_semaphore, #tpu.memory_space<semaphore_mem>>
      %dma_start3A_106 = arith.constant 0 : i32
      %dma_start3A_107 = arith.constant 0 : i32
      %dma_start3A_108 = tpu.memref_slice %arg3[%add3A, %dma_start3A_106, %dma_start3A_107] : memref<32x10x128xi32, #tpu.memory_space<hbm>> -> memref<1x10x128xi32, #tpu.memory_space<hbm>>
      %dma_start3A_109 = tpu.memref_squeeze %dma_start3A_108 : memref<1x10x128xi32, #tpu.memory_space<hbm>> -> memref<10x128xi32, #tpu.memory_space<hbm>>
      %dma_start3A_110 = arith.constant 0 : i32
      %dma_start3A_111 = arith.constant 0 : i32
      %dma_start3A_112 = tpu.memref_slice %arg3[%add3A, %dma_start3A_110, %dma_start3A_111] : memref<32x10x128xi32, #tpu.memory_space<hbm>> -> memref<1x10x128xi32, #tpu.memory_space<hbm>>
      %dma_start3A_113 = tpu.memref_squeeze %dma_start3A_112 : memref<1x10x128xi32, #tpu.memory_space<hbm>> -> memref<10x128xi32, #tpu.memory_space<hbm>>
      tpu.enqueue_dma source(%dma_start3A_113 : memref<10x128xi32, #tpu.memory_space<hbm>>) target(%arg8 : memref<10x128xi32, #tpu.memory_space<vmem>>) target_semaphore(%run_scoped3A : memref<!tpu.dma_semaphore, #tpu.memory_space<semaphore_mem>>)
      %dma_wait3A_114 = arith.constant 0 : i32
      %dma_wait3A_115 = arith.constant 0 : i32
      %dma_wait3A_116 = tpu.memref_slice %arg3[%add3A, %dma_wait3A_114, %dma_wait3A_115] : memref<32x10x128xi32, #tpu.memory_space<hbm>> -> memref<1x10x128xi32, #tpu.memory_space<hbm>>
      %dma_wait3A_117 = tpu.memref_squeeze %dma_wait3A_116 : memref<1x10x128xi32, #tpu.memory_space<hbm>> -> memref<10x128xi32, #tpu.memory_space<hbm>>
      %dma_wait3A_118 = arith.constant 0 : i32
      %dma_wait3A_119 = arith.constant 0 : i32
      %dma_wait3A_120 = tpu.memref_slice %arg3[%add3A, %dma_wait3A_118, %dma_wait3A_119] : memref<32x10x128xi32, #tpu.memory_space<hbm>> -> memref<1x10x128xi32, #tpu.memory_space<hbm>>
      %dma_wait3A_121 = tpu.memref_squeeze %dma_wait3A_120 : memref<1x10x128xi32, #tpu.memory_space<hbm>> -> memref<10x128xi32, #tpu.memory_space<hbm>>
      tpu.wait_dma2 semaphore(%run_scoped3A : memref<!tpu.dma_semaphore, #tpu.memory_space<semaphore_mem>>) src(%dma_wait3A_121 : memref<10x128xi32, #tpu.memory_space<hbm>>) dst(%arg8 : memref<10x128xi32, #tpu.memory_space<vmem>>)
      tpu.yield
    }) : () -> ()
    %rem3A = arith.constant 0 : i32
    %rem3A_3 = arith.constant 4 : i32
    %rem3A_4 = arith.remsi %rem3A, %rem3A_3 : i32
    %mul3A_5 = arith.constant 128 : i32
    %mul3A_6 = arith.muli %rem3A_4, %mul3A_5 : i32
    %dma_start3A = arith.constant 0 : i32
    %dma_start3A_7 = arith.constant 0 : i32
    %dma_start3A_8 = tpu.memref_slice %arg9[%mul3A_6, %dma_start3A_7] : memref<512x128xf32, #tpu.memory_space<vmem>> -> memref<128x128xf32, #tpu.memory_space<vmem>>
    %dma_start3A_9 = arith.constant 0 : i32
    %dma_start3A_10 = tpu.memref_slice %arg7[%dma_start3A, %dma_start3A_9] : memref<10x128xi32, #tpu.memory_space<vmem>> -> memref<1x128xi32, #tpu.memory_space<vmem>>
    %dma_start3A_11 = tpu.memref_squeeze %dma_start3A_10 : memref<1x128xi32, #tpu.memory_space<vmem>> -> memref<128xi32, #tpu.memory_space<vmem>>
    %dma_start3A_12 = arith.constant 0 : i32
    %dma_start3A_13 = arith.constant 0 : i32
    %dma_start3A_14 = tpu.memref_slice %arg4[%dma_start3A_12, %dma_start3A_13] : memref<100000x128xf32, #tpu.memory_space<hbm>> -> memref<100000x128xf32, #tpu.memory_space<hbm>>
    tpu.enqueue_indirect_dma source(%dma_start3A_14 : memref<100000x128xf32, #tpu.memory_space<hbm>>) target(%dma_start3A_8 : memref<128x128xf32, #tpu.memory_space<vmem>>) offsets(%dma_start3A_11 : memref<128xi32, #tpu.memory_space<vmem>>) semaphore(%arg11 : memref<!tpu.dma_semaphore, #tpu.memory_space<semaphore_mem>>)
    %dma_wait3A = arith.constant 0 : i32
    %dma_wait3A_15 = arith.constant 0 : i32
    %dma_wait3A_16 = tpu.memref_slice %arg9[%dma_wait3A, %dma_wait3A_15] : memref<512x128xf32, #tpu.memory_space<vmem>> -> memref<128x128xf32, #tpu.memory_space<vmem>>
    %dma_wait3A_17 = arith.constant 0 : i32
    %dma_wait3A_18 = arith.constant 0 : i32
    %dma_wait3A_19 = tpu.memref_slice %arg6[%dma_wait3A_17, %dma_wait3A_18] : memref<40960x128xf32, #tpu.memory_space<hbm>> -> memref<128x128xf32, #tpu.memory_space<hbm>>
    %dma_wait3A_20 = arith.constant 0 : i32
    %dma_wait3A_21 = arith.constant 0 : i32
    %dma_wait3A_22 = tpu.memref_slice %arg9[%dma_wait3A_20, %dma_wait3A_21] : memref<512x128xf32, #tpu.memory_space<vmem>> -> memref<128x128xf32, #tpu.memory_space<vmem>>
    %dma_wait3A_23 = arith.constant 0 : i32
    %dma_wait3A_24 = arith.constant 0 : i32
    %dma_wait3A_25 = tpu.memref_slice %arg6[%dma_wait3A_23, %dma_wait3A_24] : memref<40960x128xf32, #tpu.memory_space<hbm>> -> memref<128x128xf32, #tpu.memory_space<hbm>>
    tpu.wait_dma2 semaphore(%arg11 : memref<!tpu.dma_semaphore, #tpu.memory_space<semaphore_mem>>) src(%dma_wait3A_25 : memref<128x128xf32, #tpu.memory_space<hbm>>) dst(%dma_wait3A_22 : memref<128x128xf32, #tpu.memory_space<vmem>>)
    %rem3A_26 = arith.constant 0 : i32
    %rem3A_27 = arith.constant 4 : i32
    %rem3A_28 = arith.remsi %rem3A_26, %rem3A_27 : i32
    %mul3A_29 = arith.constant 128 : i32
    %mul3A_30 = arith.muli %rem3A_28, %mul3A_29 : i32
    %dma_start3A_31 = arith.constant 0 : i32
    %dma_start3A_32 = arith.constant 0 : i32
    %dma_start3A_33 = tpu.memref_slice %arg9[%mul3A_30, %dma_start3A_32] : memref<512x128xf32, #tpu.memory_space<vmem>> -> memref<128x128xf32, #tpu.memory_space<vmem>>
    %dma_start3A_34 = arith.constant 0 : i32
    %dma_start3A_35 = tpu.memref_slice %arg8[%dma_start3A_31, %dma_start3A_34] : memref<10x128xi32, #tpu.memory_space<vmem>> -> memref<1x128xi32, #tpu.memory_space<vmem>>
    %dma_start3A_36 = tpu.memref_squeeze %dma_start3A_35 : memref<1x128xi32, #tpu.memory_space<vmem>> -> memref<128xi32, #tpu.memory_space<vmem>>
    %dma_start3A_37 = arith.constant 0 : i32
    %dma_start3A_38 = arith.constant 0 : i32
    %dma_start3A_39 = tpu.memref_slice %arg10[%dma_start3A_37, %dma_start3A_38] : memref<400x128xf32, #tpu.memory_space<vmem_shared>> -> memref<400x128xf32, #tpu.memory_space<vmem_shared>>
    tpu.enqueue_indirect_dma source(%dma_start3A_39 : memref<400x128xf32, #tpu.memory_space<vmem_shared>>) target(%dma_start3A_33 : memref<128x128xf32, #tpu.memory_space<vmem>>) offsets(%dma_start3A_36 : memref<128xi32, #tpu.memory_space<vmem>>) semaphore(%arg12 : memref<!tpu.dma_semaphore, #tpu.memory_space<semaphore_mem>>) {add = true}
    %rem3A_40 = arith.constant 1 : i32
    %rem3A_41 = arith.constant 4 : i32
    %rem3A_42 = arith.remsi %rem3A_40, %rem3A_41 : i32
    %mul3A_43 = arith.constant 128 : i32
    %mul3A_44 = arith.muli %rem3A_42, %mul3A_43 : i32
    %dma_start3A_45 = arith.constant 1 : i32
    %dma_start3A_46 = arith.constant 0 : i32
    %dma_start3A_47 = tpu.memref_slice %arg9[%mul3A_44, %dma_start3A_46] : memref<512x128xf32, #tpu.memory_space<vmem>> -> memref<128x128xf32, #tpu.memory_space<vmem>>
    %dma_start3A_48 = arith.constant 0 : i32
    %dma_start3A_49 = tpu.memref_slice %arg7[%dma_start3A_45, %dma_start3A_48] : memref<10x128xi32, #tpu.memory_space<vmem>> -> memref<1x128xi32, #tpu.memory_space<vmem>>
    %dma_start3A_50 = tpu.memref_squeeze %dma_start3A_49 : memref<1x128xi32, #tpu.memory_space<vmem>> -> memref<128xi32, #tpu.memory_space<vmem>>
    %dma_start3A_51 = arith.constant 0 : i32
    %dma_start3A_52 = arith.constant 0 : i32
    %dma_start3A_53 = tpu.memref_slice %arg4[%dma_start3A_51, %dma_start3A_52] : memref<100000x128xf32, #tpu.memory_space<hbm>> -> memref<100000x128xf32, #tpu.memory_space<hbm>>
    tpu.enqueue_indirect_dma source(%dma_start3A_53 : memref<100000x128xf32, #tpu.memory_space<hbm>>) target(%dma_start3A_47 : memref<128x128xf32, #tpu.memory_space<vmem>>) offsets(%dma_start3A_50 : memref<128xi32, #tpu.memory_space<vmem>>) semaphore(%arg11 : memref<!tpu.dma_semaphore, #tpu.memory_space<semaphore_mem>>)
    %scan3A = arith.constant 0 : i32
    %scan3A_54 = arith.constant 10 : i32
    %scan3A_55 = arith.addi %scan3A, %scan3A_54 : i32
    %scan3A_56 = arith.constant 1 : i32
    scf.for %scan3A_106 = %scan3A to %scan3A_55 step %scan3A_56  : i32 {
      %add3A_107 = arith.constant 2 : i32
      %add3A_108 = arith.addi %scan3A_106, %add3A_107 : i32
      %lt3A = arith.constant 10 : i32
      %lt3A_109 = arith.cmpi slt, %add3A_108, %lt3A : i32
      %ge3A = arith.constant 2 : i32
      %ge3A_110 = arith.cmpi sge, %scan3A_106, %ge3A : i32
      %and3A = arith.andi %lt3A_109, %ge3A_110 : i1
      %convert_element_type3A_111 = arith.extui %and3A : i1 to i32
      %cond3A_112 = arith.constant 0 : i32
      %cond3A_113 = arith.cmpi ne, %convert_element_type3A_111, %cond3A_112 : i32
      scf.if %cond3A_113 {
        %dma_wait3A_157 = arith.constant 0 : i32
        %dma_wait3A_158 = arith.constant 0 : i32
        %dma_wait3A_159 = tpu.memref_slice %arg9[%dma_wait3A_157, %dma_wait3A_158] : memref<512x128xf32, #tpu.memory_space<vmem>> -> memref<128x128xf32, #tpu.memory_space<vmem>>
        %dma_wait3A_160 = arith.constant 0 : i32
        %dma_wait3A_161 = arith.constant 0 : i32
        %dma_wait3A_162 = tpu.memref_slice %arg6[%dma_wait3A_160, %dma_wait3A_161] : memref<40960x128xf32, #tpu.memory_space<hbm>> -> memref<128x128xf32, #tpu.memory_space<hbm>>
        %dma_wait3A_163 = arith.constant 0 : i32
        %dma_wait3A_164 = arith.constant 0 : i32
        %dma_wait3A_165 = tpu.memref_slice %arg9[%dma_wait3A_163, %dma_wait3A_164] : memref<512x128xf32, #tpu.memory_space<vmem>> -> memref<128x128xf32, #tpu.memory_space<vmem>>
        %dma_wait3A_166 = arith.constant 0 : i32
        %dma_wait3A_167 = arith.constant 0 : i32
        %dma_wait3A_168 = tpu.memref_slice %arg6[%dma_wait3A_166, %dma_wait3A_167] : memref<40960x128xf32, #tpu.memory_space<hbm>> -> memref<128x128xf32, #tpu.memory_space<hbm>>
        tpu.wait_dma2 semaphore(%arg13 : memref<!tpu.dma_semaphore, #tpu.memory_space<semaphore_mem>>) src(%dma_wait3A_168 : memref<128x128xf32, #tpu.memory_space<hbm>>) dst(%dma_wait3A_165 : memref<128x128xf32, #tpu.memory_space<vmem>>)
      } else {
      }
      %add3A_114 = arith.constant 2 : i32
      %add3A_115 = arith.addi %scan3A_106, %add3A_114 : i32
      %lt3A_116 = arith.constant 10 : i32
      %lt3A_117 = arith.cmpi slt, %add3A_115, %lt3A_116 : i32
      %convert_element_type3A_118 = arith.extui %lt3A_117 : i1 to i32
      %cond3A_119 = arith.constant 0 : i32
      %cond3A_120 = arith.cmpi ne, %convert_element_type3A_118, %cond3A_119 : i32
      scf.if %cond3A_120 {
        %add3A_157 = arith.constant 2 : i32
        %add3A_158 = arith.addi %scan3A_106, %add3A_157 : i32
        %add3A_159 = arith.constant 2 : i32
        %add3A_160 = arith.addi %scan3A_106, %add3A_159 : i32
        %rem3A_161 = arith.constant 4 : i32
        %rem3A_162 = arith.remsi %add3A_160, %rem3A_161 : i32
        %mul3A_163 = arith.constant 128 : i32
        %mul3A_164 = arith.muli %rem3A_162, %mul3A_163 : i32
        %dma_start3A_165 = arith.constant 0 : i32
        %dma_start3A_166 = tpu.memref_slice %arg9[%mul3A_164, %dma_start3A_165] : memref<512x128xf32, #tpu.memory_space<vmem>> -> memref<128x128xf32, #tpu.memory_space<vmem>>
        %dma_start3A_167 = arith.constant 0 : i32
        %dma_start3A_168 = tpu.memref_slice %arg7[%add3A_158, %dma_start3A_167] : memref<10x128xi32, #tpu.memory_space<vmem>> -> memref<1x128xi32, #tpu.memory_space<vmem>>
        %dma_start3A_169 = tpu.memref_squeeze %dma_start3A_168 : memref<1x128xi32, #tpu.memory_space<vmem>> -> memref<128xi32, #tpu.memory_space<vmem>>
        %dma_start3A_170 = arith.constant 0 : i32
        %dma_start3A_171 = arith.constant 0 : i32
        %dma_start3A_172 = tpu.memref_slice %arg4[%dma_start3A_170, %dma_start3A_171] : memref<100000x128xf32, #tpu.memory_space<hbm>> -> memref<100000x128xf32, #tpu.memory_space<hbm>>
        tpu.enqueue_indirect_dma source(%dma_start3A_172 : memref<100000x128xf32, #tpu.memory_space<hbm>>) target(%dma_start3A_166 : memref<128x128xf32, #tpu.memory_space<vmem>>) offsets(%dma_start3A_169 : memref<128xi32, #tpu.memory_space<vmem>>) semaphore(%arg11 : memref<!tpu.dma_semaphore, #tpu.memory_space<semaphore_mem>>)
      } else {
      }
      %add3A_121 = arith.constant 1 : i32
      %add3A_122 = arith.addi %scan3A_106, %add3A_121 : i32
      %lt3A_123 = arith.constant 10 : i32
      %lt3A_124 = arith.cmpi slt, %add3A_122, %lt3A_123 : i32
      %convert_element_type3A_125 = arith.extui %lt3A_124 : i1 to i32
      %cond3A_126 = arith.constant 0 : i32
      %cond3A_127 = arith.cmpi ne, %convert_element_type3A_125, %cond3A_126 : i32
      scf.if %cond3A_127 {
        %dma_wait3A_157 = arith.constant 0 : i32
        %dma_wait3A_158 = arith.constant 0 : i32
        %dma_wait3A_159 = tpu.memref_slice %arg9[%dma_wait3A_157, %dma_wait3A_158] : memref<512x128xf32, #tpu.memory_space<vmem>> -> memref<128x128xf32, #tpu.memory_space<vmem>>
        %dma_wait3A_160 = arith.constant 0 : i32
        %dma_wait3A_161 = arith.constant 0 : i32
        %dma_wait3A_162 = tpu.memref_slice %arg6[%dma_wait3A_160, %dma_wait3A_161] : memref<40960x128xf32, #tpu.memory_space<hbm>> -> memref<128x128xf32, #tpu.memory_space<hbm>>
        %dma_wait3A_163 = arith.constant 0 : i32
        %dma_wait3A_164 = arith.constant 0 : i32
        %dma_wait3A_165 = tpu.memref_slice %arg9[%dma_wait3A_163, %dma_wait3A_164] : memref<512x128xf32, #tpu.memory_space<vmem>> -> memref<128x128xf32, #tpu.memory_space<vmem>>
        %dma_wait3A_166 = arith.constant 0 : i32
        %dma_wait3A_167 = arith.constant 0 : i32
        %dma_wait3A_168 = tpu.memref_slice %arg6[%dma_wait3A_166, %dma_wait3A_167] : memref<40960x128xf32, #tpu.memory_space<hbm>> -> memref<128x128xf32, #tpu.memory_space<hbm>>
        tpu.wait_dma2 semaphore(%arg11 : memref<!tpu.dma_semaphore, #tpu.memory_space<semaphore_mem>>) src(%dma_wait3A_168 : memref<128x128xf32, #tpu.memory_space<hbm>>) dst(%dma_wait3A_165 : memref<128x128xf32, #tpu.memory_space<vmem>>)
        %add3A_169 = arith.constant 1 : i32
        %add3A_170 = arith.addi %scan3A_106, %add3A_169 : i32
        %add3A_171 = arith.constant 1 : i32
        %add3A_172 = arith.addi %scan3A_106, %add3A_171 : i32
        %rem3A_173 = arith.constant 4 : i32
        %rem3A_174 = arith.remsi %add3A_172, %rem3A_173 : i32
        %mul3A_175 = arith.constant 128 : i32
        %mul3A_176 = arith.muli %rem3A_174, %mul3A_175 : i32
        %dma_start3A_177 = arith.constant 0 : i32
        %dma_start3A_178 = tpu.memref_slice %arg9[%mul3A_176, %dma_start3A_177] : memref<512x128xf32, #tpu.memory_space<vmem>> -> memref<128x128xf32, #tpu.memory_space<vmem>>
        %dma_start3A_179 = arith.constant 0 : i32
        %dma_start3A_180 = tpu.memref_slice %arg8[%add3A_170, %dma_start3A_179] : memref<10x128xi32, #tpu.memory_space<vmem>> -> memref<1x128xi32, #tpu.memory_space<vmem>>
        %dma_start3A_181 = tpu.memref_squeeze %dma_start3A_180 : memref<1x128xi32, #tpu.memory_space<vmem>> -> memref<128xi32, #tpu.memory_space<vmem>>
        %dma_start3A_182 = arith.constant 0 : i32
        %dma_start3A_183 = arith.constant 0 : i32
        %dma_start3A_184 = tpu.memref_slice %arg10[%dma_start3A_182, %dma_start3A_183] : memref<400x128xf32, #tpu.memory_space<vmem_shared>> -> memref<400x128xf32, #tpu.memory_space<vmem_shared>>
        tpu.enqueue_indirect_dma source(%dma_start3A_184 : memref<400x128xf32, #tpu.memory_space<vmem_shared>>) target(%dma_start3A_178 : memref<128x128xf32, #tpu.memory_space<vmem>>) offsets(%dma_start3A_181 : memref<128xi32, #tpu.memory_space<vmem>>) semaphore(%arg12 : memref<!tpu.dma_semaphore, #tpu.memory_space<semaphore_mem>>) {add = true}
      } else {
      }
      %dma_wait3A_128 = arith.constant 0 : i32
      %dma_wait3A_129 = arith.constant 0 : i32
      %dma_wait3A_130 = tpu.memref_slice %arg9[%dma_wait3A_128, %dma_wait3A_129] : memref<512x128xf32, #tpu.memory_space<vmem>> -> memref<128x128xf32, #tpu.memory_space<vmem>>
      %dma_wait3A_131 = arith.constant 0 : i32
      %dma_wait3A_132 = arith.constant 0 : i32
      %dma_wait3A_133 = tpu.memref_slice %arg6[%dma_wait3A_131, %dma_wait3A_132] : memref<40960x128xf32, #tpu.memory_space<hbm>> -> memref<128x128xf32, #tpu.memory_space<hbm>>
      %dma_wait3A_134 = arith.constant 0 : i32
      %dma_wait3A_135 = arith.constant 0 : i32
      %dma_wait3A_136 = tpu.memref_slice %arg9[%dma_wait3A_134, %dma_wait3A_135] : memref<512x128xf32, #tpu.memory_space<vmem>> -> memref<128x128xf32, #tpu.memory_space<vmem>>
      %dma_wait3A_137 = arith.constant 0 : i32
      %dma_wait3A_138 = arith.constant 0 : i32
      %dma_wait3A_139 = tpu.memref_slice %arg6[%dma_wait3A_137, %dma_wait3A_138] : memref<40960x128xf32, #tpu.memory_space<hbm>> -> memref<128x128xf32, #tpu.memory_space<hbm>>
      tpu.wait_dma2 semaphore(%arg12 : memref<!tpu.dma_semaphore, #tpu.memory_space<semaphore_mem>>) src(%dma_wait3A_139 : memref<128x128xf32, #tpu.memory_space<hbm>>) dst(%dma_wait3A_136 : memref<128x128xf32, #tpu.memory_space<vmem>>)
      %mul3A_140 = arith.constant 1280 : i32
      %mul3A_141 = arith.muli %add3A, %mul3A_140 : i32
      %mul3A_142 = arith.constant 128 : i32
      %mul3A_143 = arith.muli %scan3A_106, %mul3A_142 : i32
      %add3A_144 = arith.addi %mul3A_141, %mul3A_143 : i32
      %rem3A_145 = arith.constant 4 : i32
      %rem3A_146 = arith.remsi %scan3A_106, %rem3A_145 : i32
      %mul3A_147 = arith.constant 128 : i32
      %mul3A_148 = arith.muli %rem3A_146, %mul3A_147 : i32
      %dma_start3A_149 = arith.constant 0 : i32
      %dma_start3A_150 = tpu.memref_slice %arg9[%mul3A_148, %dma_start3A_149] : memref<512x128xf32, #tpu.memory_space<vmem>> -> memref<128x128xf32, #tpu.memory_space<vmem>>
      %dma_start3A_151 = arith.constant 0 : i32
      %dma_start3A_152 = tpu.memref_slice %arg6[%add3A_144, %dma_start3A_151] : memref<40960x128xf32, #tpu.memory_space<hbm>> -> memref<128x128xf32, #tpu.memory_space<hbm>>
      %dma_start3A_153 = arith.constant 0 : i32
      %dma_start3A_154 = tpu.memref_slice %arg6[%add3A_144, %dma_start3A_153] : memref<40960x128xf32, #tpu.memory_space<hbm>> -> memref<128x128xf32, #tpu.memory_space<hbm>>
      %dma_start3A_155 = arith.constant 0 : i32
      %dma_start3A_156 = tpu.memref_slice %arg9[%mul3A_148, %dma_start3A_155] : memref<512x128xf32, #tpu.memory_space<vmem>> -> memref<128x128xf32, #tpu.memory_space<vmem>>
      tpu.enqueue_dma source(%dma_start3A_156 : memref<128x128xf32, #tpu.memory_space<vmem>>) target(%dma_start3A_154 : memref<128x128xf32, #tpu.memory_space<hbm>>) target_semaphore(%arg13 : memref<!tpu.dma_semaphore, #tpu.memory_space<semaphore_mem>>)
    }
    %scan3A_57 = arith.constant 10 : i32
    %dma_wait3A_58 = arith.constant 0 : i32
    %dma_wait3A_59 = arith.constant 0 : i32
    %dma_wait3A_60 = tpu.memref_slice %arg9[%dma_wait3A_58, %dma_wait3A_59] : memref<512x128xf32, #tpu.memory_space<vmem>> -> memref<128x128xf32, #tpu.memory_space<vmem>>
    %dma_wait3A_61 = arith.constant 0 : i32
    %dma_wait3A_62 = arith.constant 0 : i32
    %dma_wait3A_63 = tpu.memref_slice %arg6[%dma_wait3A_61, %dma_wait3A_62] : memref<40960x128xf32, #tpu.memory_space<hbm>> -> memref<128x128xf32, #tpu.memory_space<hbm>>
    %dma_wait3A_64 = arith.constant 0 : i32
    %dma_wait3A_65 = arith.constant 0 : i32
    %dma_wait3A_66 = tpu.memref_slice %arg9[%dma_wait3A_64, %dma_wait3A_65] : memref<512x128xf32, #tpu.memory_space<vmem>> -> memref<128x128xf32, #tpu.memory_space<vmem>>
    %dma_wait3A_67 = arith.constant 0 : i32
    %dma_wait3A_68 = arith.constant 0 : i32
    %dma_wait3A_69 = tpu.memref_slice %arg6[%dma_wait3A_67, %dma_wait3A_68] : memref<40960x128xf32, #tpu.memory_space<hbm>> -> memref<128x128xf32, #tpu.memory_space<hbm>>
    tpu.wait_dma2 semaphore(%arg13 : memref<!tpu.dma_semaphore, #tpu.memory_space<semaphore_mem>>) src(%dma_wait3A_69 : memref<128x128xf32, #tpu.memory_space<hbm>>) dst(%dma_wait3A_66 : memref<128x128xf32, #tpu.memory_space<vmem>>)
    %dma_wait3A_70 = arith.constant 0 : i32
    %dma_wait3A_71 = arith.constant 0 : i32
    %dma_wait3A_72 = tpu.memref_slice %arg9[%dma_wait3A_70, %dma_wait3A_71] : memref<512x128xf32, #tpu.memory_space<vmem>> -> memref<128x128xf32, #tpu.memory_space<vmem>>
    %dma_wait3A_73 = arith.constant 0 : i32
    %dma_wait3A_74 = arith.constant 0 : i32
    %dma_wait3A_75 = tpu.memref_slice %arg6[%dma_wait3A_73, %dma_wait3A_74] : memref<40960x128xf32, #tpu.memory_space<hbm>> -> memref<128x128xf32, #tpu.memory_space<hbm>>
    %dma_wait3A_76 = arith.constant 0 : i32
    %dma_wait3A_77 = arith.constant 0 : i32
    %dma_wait3A_78 = tpu.memref_slice %arg9[%dma_wait3A_76, %dma_wait3A_77] : memref<512x128xf32, #tpu.memory_space<vmem>> -> memref<128x128xf32, #tpu.memory_space<vmem>>
    %dma_wait3A_79 = arith.constant 0 : i32
    %dma_wait3A_80 = arith.constant 0 : i32
    %dma_wait3A_81 = tpu.memref_slice %arg6[%dma_wait3A_79, %dma_wait3A_80] : memref<40960x128xf32, #tpu.memory_space<hbm>> -> memref<128x128xf32, #tpu.memory_space<hbm>>
    tpu.wait_dma2 semaphore(%arg13 : memref<!tpu.dma_semaphore, #tpu.memory_space<semaphore_mem>>) src(%dma_wait3A_81 : memref<128x128xf32, #tpu.memory_space<hbm>>) dst(%dma_wait3A_78 : memref<128x128xf32, #tpu.memory_space<vmem>>)
    %dma_wait3A_82 = arith.constant 0 : i32
    %dma_wait3A_83 = arith.constant 0 : i32
    %dma_wait3A_84 = tpu.memref_slice %arg9[%dma_wait3A_82, %dma_wait3A_83] : memref<512x128xf32, #tpu.memory_space<vmem>> -> memref<128x128xf32, #tpu.memory_space<vmem>>
    %dma_wait3A_85 = arith.constant 0 : i32
    %dma_wait3A_86 = arith.constant 0 : i32
    %dma_wait3A_87 = tpu.memref_slice %arg6[%dma_wait3A_85, %dma_wait3A_86] : memref<40960x128xf32, #tpu.memory_space<hbm>> -> memref<128x128xf32, #tpu.memory_space<hbm>>
    %dma_wait3A_88 = arith.constant 0 : i32
    %dma_wait3A_89 = arith.constant 0 : i32
    %dma_wait3A_90 = tpu.memref_slice %arg9[%dma_wait3A_88, %dma_wait3A_89] : memref<512x128xf32, #tpu.memory_space<vmem>> -> memref<128x128xf32, #tpu.memory_space<vmem>>
    %dma_wait3A_91 = arith.constant 0 : i32
    %dma_wait3A_92 = arith.constant 0 : i32
    %dma_wait3A_93 = tpu.memref_slice %arg6[%dma_wait3A_91, %dma_wait3A_92] : memref<40960x128xf32, #tpu.memory_space<hbm>> -> memref<128x128xf32, #tpu.memory_space<hbm>>
    tpu.wait_dma2 semaphore(%arg13 : memref<!tpu.dma_semaphore, #tpu.memory_space<semaphore_mem>>) src(%dma_wait3A_93 : memref<128x128xf32, #tpu.memory_space<hbm>>) dst(%dma_wait3A_90 : memref<128x128xf32, #tpu.memory_space<vmem>>)
    %dma_wait3A_94 = arith.constant 0 : i32
    %dma_wait3A_95 = arith.constant 0 : i32
    %dma_wait3A_96 = tpu.memref_slice %arg9[%dma_wait3A_94, %dma_wait3A_95] : memref<512x128xf32, #tpu.memory_space<vmem>> -> memref<128x128xf32, #tpu.memory_space<vmem>>
    %dma_wait3A_97 = arith.constant 0 : i32
    %dma_wait3A_98 = arith.constant 0 : i32
    %dma_wait3A_99 = tpu.memref_slice %arg6[%dma_wait3A_97, %dma_wait3A_98] : memref<40960x128xf32, #tpu.memory_space<hbm>> -> memref<128x128xf32, #tpu.memory_space<hbm>>
    %dma_wait3A_100 = arith.constant 0 : i32
    %dma_wait3A_101 = arith.constant 0 : i32
    %dma_wait3A_102 = tpu.memref_slice %arg9[%dma_wait3A_100, %dma_wait3A_101] : memref<512x128xf32, #tpu.memory_space<vmem>> -> memref<128x128xf32, #tpu.memory_space<vmem>>
    %dma_wait3A_103 = arith.constant 0 : i32
    %dma_wait3A_104 = arith.constant 0 : i32
    %dma_wait3A_105 = tpu.memref_slice %arg6[%dma_wait3A_103, %dma_wait3A_104] : memref<40960x128xf32, #tpu.memory_space<hbm>> -> memref<128x128xf32, #tpu.memory_space<hbm>>
    tpu.wait_dma2 semaphore(%arg13 : memref<!tpu.dma_semaphore, #tpu.memory_space<semaphore_mem>>) src(%dma_wait3A_105 : memref<128x128xf32, #tpu.memory_space<hbm>>) dst(%dma_wait3A_102 : memref<128x128xf32, #tpu.memory_space<vmem>>)
    return
  }
}

module attributes {stable_mosaic.version = 14 : i64} {
  func.func @_lambda_(%arg0: i32, %arg1: memref<204800x128xf32, #tpu.memory_space<any>>, %arg2: memref<8192x128xf32, #tpu.memory_space<vmem>>, %arg3: memref<2x128xf32, #tpu.memory_space<vmem>>, %arg4: memref<8192x128xf32, #tpu.memory_space<vmem>>) attributes {dimension_semantics = [#tpu.dimension_semantics<arbitrary>], iteration_bounds = array<i64: 5>, scalar_prefetch = 0 : i64, scratch_operands = 0 : i64, tpu.core_type = #tpu.core_type<tc>, window_params = [{}, {transform_indices = @transform_1, window_bounds = array<i64: 8192, 128>}, {pipeline_mode = #tpu.pipeline_mode<synchronous>, transform_indices = @transform_2, window_bounds = array<i64: 2, 128>}, {transform_indices = @transform_3, window_bounds = array<i64: 8192, 128>}]} {
    %get3A = arith.constant 0 : index
    %get3A_0 = arith.constant 0 : index
    %get3A_1 = vector.load %arg2[%get3A, %get3A_0] : memref<8192x128xf32, #tpu.memory_space<vmem>>, vector<8192x128xf32>
    %broadcast_in_dim3A = arith.constant 1.000000e+00 : f32
    %broadcast_in_dim3A_2 = vector.broadcast %broadcast_in_dim3A : f32 to vector<128x128xf32>
    %dot_general3A = arith.constant dense<0.000000e+00> : vector<8192x128xf32>
    %dot_general3A_3 = tpu.matmul %get3A_1, %broadcast_in_dim3A_2, %dot_general3A {dimension_numbers = #tpu.dot_dimension_numbers<[1], [0], [0], [1], [0, 0, 1, 1], [], []>, transpose_lhs_hint = false} : vector<8192x128xf32>, vector<128x128xf32>, vector<8192x128xf32> -> vector<8192x128xf32>
    %mul3A = arith.constant 7.812500e-03 : f32
    %mul3A_4 = vector.broadcast %mul3A : f32 to vector<8192x128xf32>
    %mul3A_5 = arith.mulf %dot_general3A_3, %mul3A_4 : vector<8192x128xf32>
    %sub3A = arith.subf %get3A_1, %mul3A_5 : vector<8192x128xf32>
    %mul3A_6 = arith.mulf %sub3A, %sub3A : vector<8192x128xf32>
    %dot_general3A_7 = arith.constant dense<0.000000e+00> : vector<8192x128xf32>
    %dot_general3A_8 = tpu.matmul %mul3A_6, %broadcast_in_dim3A_2, %dot_general3A_7 {dimension_numbers = #tpu.dot_dimension_numbers<[1], [0], [0], [1], [0, 0, 1, 1], [], []>, transpose_lhs_hint = false} : vector<8192x128xf32>, vector<128x128xf32>, vector<8192x128xf32> -> vector<8192x128xf32>
    %mul3A_9 = arith.constant 7.812500e-03 : f32
    %mul3A_10 = vector.broadcast %mul3A_9 : f32 to vector<8192x128xf32>
    %mul3A_11 = arith.mulf %dot_general3A_8, %mul3A_10 : vector<8192x128xf32>
    %add3A = arith.constant 1.000000e-03 : f32
    %add3A_12 = vector.broadcast %add3A : f32 to vector<8192x128xf32>
    %add3A_13 = arith.addf %mul3A_11, %add3A_12 : vector<8192x128xf32>
    %rsqrt3A = math.rsqrt %add3A_13 : vector<8192x128xf32>
    %mul3A_14 = arith.mulf %sub3A, %rsqrt3A : vector<8192x128xf32>
    %get3A_15 = arith.constant 0 : index
    %get3A_16 = arith.constant 0 : index
    %get3A_17 = vector.load %arg3[%get3A_15, %get3A_16] : memref<2x128xf32, #tpu.memory_space<vmem>>, vector<1x128xf32>
    %mul3A_18 = vector.broadcast %get3A_17 : vector<1x128xf32> to vector<8192x128xf32>
    %mul3A_19 = arith.mulf %mul3A_14, %mul3A_18 : vector<8192x128xf32>
    %get3A_20 = arith.constant 1 : index
    %get3A_21 = arith.constant 0 : index
    %get3A_22 = vector.load %arg3[%get3A_20, %get3A_21] : memref<2x128xf32, #tpu.memory_space<vmem>>, vector<1x128xf32>
    %add3A_23 = vector.broadcast %get3A_22 : vector<1x128xf32> to vector<8192x128xf32>
    %add3A_24 = arith.addf %mul3A_19, %add3A_23 : vector<8192x128xf32>
    %swap3A = arith.constant 0 : index
    %swap3A_25 = arith.constant 0 : index
    %swap3A_26 = vector.load %arg4[%swap3A, %swap3A_25] : memref<8192x128xf32, #tpu.memory_space<vmem>>, vector<8192x128xf32>
    tpu.vector_store %arg4[%swap3A, %swap3A_25], %add3A_24 {strides = array<i32>} : memref<8192x128xf32, #tpu.memory_space<vmem>>, vector<8192x128xf32>,
    return
  }
  func.func @transform_1(%arg0: i32) -> (i32, i32) {
    %c0_i32 = arith.constant 0 : i32
    %c0_i32_0 = arith.constant 0 : i32
    return %arg0, %c0_i32 : i32, i32
  }
  func.func @transform_2(%arg0: i32) -> (i32, i32) {
    %c0_i32 = arith.constant 0 : i32
    %c0_i32_0 = arith.constant 0 : i32
    %c0_i32_1 = arith.constant 0 : i32
    return %c0_i32, %c0_i32_0 : i32, i32
  }
  func.func @transform_3(%arg0: i32) -> (i32, i32) {
    %add3A = arith.constant 5 : i32
    %add3A_0 = arith.addi %arg0, %add3A : i32
    %c0_i32 = arith.constant 0 : i32
    %c0_i32_1 = arith.constant 0 : i32
    return %add3A_0, %c0_i32 : i32, i32
  }
}

module attributes {stable_mosaic.version = 14 : i64} {
  func.func @_ln_body(%arg0: i32, %arg1: memref<8192x128xf32, #tpu.memory_space<vmem>>, %arg2: memref<2x128xf32, #tpu.memory_space<vmem>>, %arg3: memref<8192x128xf32, #tpu.memory_space<vmem>>) attributes {dimension_semantics = [#tpu.dimension_semantics<arbitrary>], iteration_bounds = array<i64: 5>, scalar_prefetch = 0 : i64, scratch_operands = 0 : i64, tpu.core_type = #tpu.core_type<tc>, window_params = [{transform_indices = @transform_0, window_bounds = array<i64: 8192, 128>}, {pipeline_mode = #tpu.pipeline_mode<synchronous>, transform_indices = @transform_1, window_bounds = array<i64: 2, 128>}, {transform_indices = @transform_2, window_bounds = array<i64: 8192, 128>}]} {
    %get3A = arith.constant 0 : index
    %get3A_0 = arith.constant 0 : index
    %get3A_1 = vector.load %arg1[%get3A, %get3A_0] : memref<8192x128xf32, #tpu.memory_space<vmem>>, vector<8192x128xf32>
    %broadcast_in_dim3A = arith.constant 1.000000e+00 : f32
    %broadcast_in_dim3A_2 = vector.broadcast %broadcast_in_dim3A : f32 to vector<128x128xf32>
    %dot_general3A = arith.constant dense<0.000000e+00> : vector<8192x128xf32>
    %dot_general3A_3 = tpu.matmul %get3A_1, %broadcast_in_dim3A_2, %dot_general3A {dimension_numbers = #tpu.dot_dimension_numbers<[1], [0], [0], [1], [0, 0, 1, 1], [], []>, transpose_lhs_hint = false} : vector<8192x128xf32>, vector<128x128xf32>, vector<8192x128xf32> -> vector<8192x128xf32>
    %mul3A = arith.constant 7.812500e-03 : f32
    %mul3A_4 = vector.broadcast %mul3A : f32 to vector<8192x128xf32>
    %mul3A_5 = arith.mulf %dot_general3A_3, %mul3A_4 : vector<8192x128xf32>
    %sub3A = arith.subf %get3A_1, %mul3A_5 : vector<8192x128xf32>
    %mul3A_6 = arith.mulf %sub3A, %sub3A : vector<8192x128xf32>
    %dot_general3A_7 = arith.constant dense<0.000000e+00> : vector<8192x128xf32>
    %dot_general3A_8 = tpu.matmul %mul3A_6, %broadcast_in_dim3A_2, %dot_general3A_7 {dimension_numbers = #tpu.dot_dimension_numbers<[1], [0], [0], [1], [0, 0, 1, 1], [], []>, transpose_lhs_hint = false} : vector<8192x128xf32>, vector<128x128xf32>, vector<8192x128xf32> -> vector<8192x128xf32>
    %mul3A_9 = arith.constant 7.812500e-03 : f32
    %mul3A_10 = vector.broadcast %mul3A_9 : f32 to vector<8192x128xf32>
    %mul3A_11 = arith.mulf %dot_general3A_8, %mul3A_10 : vector<8192x128xf32>
    %add3A = arith.constant 1.000000e-03 : f32
    %add3A_12 = vector.broadcast %add3A : f32 to vector<8192x128xf32>
    %add3A_13 = arith.addf %mul3A_11, %add3A_12 : vector<8192x128xf32>
    %rsqrt3A = math.rsqrt %add3A_13 : vector<8192x128xf32>
    %mul3A_14 = arith.mulf %sub3A, %rsqrt3A : vector<8192x128xf32>
    %get3A_15 = arith.constant 0 : index
    %get3A_16 = arith.constant 0 : index
    %get3A_17 = vector.load %arg2[%get3A_15, %get3A_16] : memref<2x128xf32, #tpu.memory_space<vmem>>, vector<1x128xf32>
    %mul3A_18 = vector.broadcast %get3A_17 : vector<1x128xf32> to vector<8192x128xf32>
    %mul3A_19 = arith.mulf %mul3A_14, %mul3A_18 : vector<8192x128xf32>
    %get3A_20 = arith.constant 1 : index
    %get3A_21 = arith.constant 0 : index
    %get3A_22 = vector.load %arg2[%get3A_20, %get3A_21] : memref<2x128xf32, #tpu.memory_space<vmem>>, vector<1x128xf32>
    %add3A_23 = vector.broadcast %get3A_22 : vector<1x128xf32> to vector<8192x128xf32>
    %add3A_24 = arith.addf %mul3A_19, %add3A_23 : vector<8192x128xf32>
    %swap3A = arith.constant 0 : index
    %swap3A_25 = arith.constant 0 : index
    %swap3A_26 = vector.load %arg3[%swap3A, %swap3A_25] : memref<8192x128xf32, #tpu.memory_space<vmem>>, vector<8192x128xf32>
    tpu.vector_store %arg3[%swap3A, %swap3A_25], %add3A_24 {strides = array<i32>} : memref<8192x128xf32, #tpu.memory_space<vmem>>, vector<8192x128xf32>,
    return
  }
  func.func @transform_0(%arg0: i32) -> (i32, i32) {
    %c0_i32 = arith.constant 0 : i32
    %c0_i32_0 = arith.constant 0 : i32
    return %arg0, %c0_i32 : i32, i32
  }
  func.func @transform_1(%arg0: i32) -> (i32, i32) {
    %c0_i32 = arith.constant 0 : i32
    %c0_i32_0 = arith.constant 0 : i32
    %c0_i32_1 = arith.constant 0 : i32
    return %c0_i32, %c0_i32_0 : i32, i32
  }
  func.func @transform_2(%arg0: i32) -> (i32, i32) {
    %add3A = arith.constant 0 : i32
    %add3A_0 = arith.addi %arg0, %add3A : i32
    %c0_i32 = arith.constant 0 : i32
    %c0_i32_1 = arith.constant 0 : i32
    return %add3A_0, %c0_i32 : i32, i32
  }
}

module attributes {stable_mosaic.version = 14 : i64} {
  func.func @_lambda_(%arg0: i32, %arg1: memref<204800x128xf32, #tpu.memory_space<any>>, %arg2: memref<8192x128xf32, #tpu.memory_space<vmem>>, %arg3: memref<2x128xf32, #tpu.memory_space<vmem>>, %arg4: memref<8192x128xf32, #tpu.memory_space<vmem>>) attributes {dimension_semantics = [#tpu.dimension_semantics<arbitrary>], iteration_bounds = array<i64: 5>, scalar_prefetch = 0 : i64, scratch_operands = 0 : i64, tpu.core_type = #tpu.core_type<tc>, window_params = [{}, {transform_indices = @transform_1, window_bounds = array<i64: 8192, 128>}, {pipeline_mode = #tpu.pipeline_mode<synchronous>, transform_indices = @transform_2, window_bounds = array<i64: 2, 128>}, {transform_indices = @transform_3, window_bounds = array<i64: 8192, 128>}]} {
    %get3A = arith.constant 0 : index
    %get3A_0 = arith.constant 0 : index
    %get3A_1 = vector.load %arg2[%get3A, %get3A_0] : memref<8192x128xf32, #tpu.memory_space<vmem>>, vector<8192x128xf32>
    %broadcast_in_dim3A = arith.constant 1.000000e+00 : f32
    %broadcast_in_dim3A_2 = vector.broadcast %broadcast_in_dim3A : f32 to vector<128x128xf32>
    %dot_general3A = arith.constant dense<0.000000e+00> : vector<8192x128xf32>
    %dot_general3A_3 = tpu.matmul %get3A_1, %broadcast_in_dim3A_2, %dot_general3A {dimension_numbers = #tpu.dot_dimension_numbers<[1], [0], [0], [1], [0, 0, 1, 1], [], []>, transpose_lhs_hint = false} : vector<8192x128xf32>, vector<128x128xf32>, vector<8192x128xf32> -> vector<8192x128xf32>
    %mul3A = arith.constant 7.812500e-03 : f32
    %mul3A_4 = vector.broadcast %mul3A : f32 to vector<8192x128xf32>
    %mul3A_5 = arith.mulf %dot_general3A_3, %mul3A_4 : vector<8192x128xf32>
    %sub3A = arith.subf %get3A_1, %mul3A_5 : vector<8192x128xf32>
    %mul3A_6 = arith.mulf %sub3A, %sub3A : vector<8192x128xf32>
    %dot_general3A_7 = arith.constant dense<0.000000e+00> : vector<8192x128xf32>
    %dot_general3A_8 = tpu.matmul %mul3A_6, %broadcast_in_dim3A_2, %dot_general3A_7 {dimension_numbers = #tpu.dot_dimension_numbers<[1], [0], [0], [1], [0, 0, 1, 1], [], []>, transpose_lhs_hint = false} : vector<8192x128xf32>, vector<128x128xf32>, vector<8192x128xf32> -> vector<8192x128xf32>
    %mul3A_9 = arith.constant 7.812500e-03 : f32
    %mul3A_10 = vector.broadcast %mul3A_9 : f32 to vector<8192x128xf32>
    %mul3A_11 = arith.mulf %dot_general3A_8, %mul3A_10 : vector<8192x128xf32>
    %add3A = arith.constant 1.000000e-03 : f32
    %add3A_12 = vector.broadcast %add3A : f32 to vector<8192x128xf32>
    %add3A_13 = arith.addf %mul3A_11, %add3A_12 : vector<8192x128xf32>
    %rsqrt3A = math.rsqrt %add3A_13 : vector<8192x128xf32>
    %mul3A_14 = arith.mulf %sub3A, %rsqrt3A : vector<8192x128xf32>
    %get3A_15 = arith.constant 0 : index
    %get3A_16 = arith.constant 0 : index
    %get3A_17 = vector.load %arg3[%get3A_15, %get3A_16] : memref<2x128xf32, #tpu.memory_space<vmem>>, vector<1x128xf32>
    %mul3A_18 = vector.broadcast %get3A_17 : vector<1x128xf32> to vector<8192x128xf32>
    %mul3A_19 = arith.mulf %mul3A_14, %mul3A_18 : vector<8192x128xf32>
    %get3A_20 = arith.constant 1 : index
    %get3A_21 = arith.constant 0 : index
    %get3A_22 = vector.load %arg3[%get3A_20, %get3A_21] : memref<2x128xf32, #tpu.memory_space<vmem>>, vector<1x128xf32>
    %add3A_23 = vector.broadcast %get3A_22 : vector<1x128xf32> to vector<8192x128xf32>
    %add3A_24 = arith.addf %mul3A_19, %add3A_23 : vector<8192x128xf32>
    %swap3A = arith.constant 0 : index
    %swap3A_25 = arith.constant 0 : index
    %swap3A_26 = vector.load %arg4[%swap3A, %swap3A_25] : memref<8192x128xf32, #tpu.memory_space<vmem>>, vector<8192x128xf32>
    tpu.vector_store %arg4[%swap3A, %swap3A_25], %add3A_24 {strides = array<i32>} : memref<8192x128xf32, #tpu.memory_space<vmem>>, vector<8192x128xf32>,
    return
  }
  func.func @transform_1(%arg0: i32) -> (i32, i32) {
    %c0_i32 = arith.constant 0 : i32
    %c0_i32_0 = arith.constant 0 : i32
    return %arg0, %c0_i32 : i32, i32
  }
  func.func @transform_2(%arg0: i32) -> (i32, i32) {
    %c0_i32 = arith.constant 0 : i32
    %c0_i32_0 = arith.constant 0 : i32
    %c0_i32_1 = arith.constant 0 : i32
    return %c0_i32, %c0_i32_0 : i32, i32
  }
  func.func @transform_3(%arg0: i32) -> (i32, i32) {
    %add3A = arith.constant 15 : i32
    %add3A_0 = arith.addi %arg0, %add3A : i32
    %c0_i32 = arith.constant 0 : i32
    %c0_i32_1 = arith.constant 0 : i32
    return %add3A_0, %c0_i32 : i32, i32
  }
}

module attributes {stable_mosaic.version = 14 : i64} {
  func.func @_lambda_(%arg0: i32, %arg1: memref<204800x128xf32, #tpu.memory_space<any>>, %arg2: memref<8192x128xf32, #tpu.memory_space<vmem>>, %arg3: memref<2x128xf32, #tpu.memory_space<vmem>>, %arg4: memref<8192x128xf32, #tpu.memory_space<vmem>>) attributes {dimension_semantics = [#tpu.dimension_semantics<arbitrary>], iteration_bounds = array<i64: 5>, scalar_prefetch = 0 : i64, scratch_operands = 0 : i64, tpu.core_type = #tpu.core_type<tc>, window_params = [{}, {transform_indices = @transform_1, window_bounds = array<i64: 8192, 128>}, {pipeline_mode = #tpu.pipeline_mode<synchronous>, transform_indices = @transform_2, window_bounds = array<i64: 2, 128>}, {transform_indices = @transform_3, window_bounds = array<i64: 8192, 128>}]} {
    %get3A = arith.constant 0 : index
    %get3A_0 = arith.constant 0 : index
    %get3A_1 = vector.load %arg2[%get3A, %get3A_0] : memref<8192x128xf32, #tpu.memory_space<vmem>>, vector<8192x128xf32>
    %broadcast_in_dim3A = arith.constant 1.000000e+00 : f32
    %broadcast_in_dim3A_2 = vector.broadcast %broadcast_in_dim3A : f32 to vector<128x128xf32>
    %dot_general3A = arith.constant dense<0.000000e+00> : vector<8192x128xf32>
    %dot_general3A_3 = tpu.matmul %get3A_1, %broadcast_in_dim3A_2, %dot_general3A {dimension_numbers = #tpu.dot_dimension_numbers<[1], [0], [0], [1], [0, 0, 1, 1], [], []>, transpose_lhs_hint = false} : vector<8192x128xf32>, vector<128x128xf32>, vector<8192x128xf32> -> vector<8192x128xf32>
    %mul3A = arith.constant 7.812500e-03 : f32
    %mul3A_4 = vector.broadcast %mul3A : f32 to vector<8192x128xf32>
    %mul3A_5 = arith.mulf %dot_general3A_3, %mul3A_4 : vector<8192x128xf32>
    %sub3A = arith.subf %get3A_1, %mul3A_5 : vector<8192x128xf32>
    %mul3A_6 = arith.mulf %sub3A, %sub3A : vector<8192x128xf32>
    %dot_general3A_7 = arith.constant dense<0.000000e+00> : vector<8192x128xf32>
    %dot_general3A_8 = tpu.matmul %mul3A_6, %broadcast_in_dim3A_2, %dot_general3A_7 {dimension_numbers = #tpu.dot_dimension_numbers<[1], [0], [0], [1], [0, 0, 1, 1], [], []>, transpose_lhs_hint = false} : vector<8192x128xf32>, vector<128x128xf32>, vector<8192x128xf32> -> vector<8192x128xf32>
    %mul3A_9 = arith.constant 7.812500e-03 : f32
    %mul3A_10 = vector.broadcast %mul3A_9 : f32 to vector<8192x128xf32>
    %mul3A_11 = arith.mulf %dot_general3A_8, %mul3A_10 : vector<8192x128xf32>
    %add3A = arith.constant 1.000000e-03 : f32
    %add3A_12 = vector.broadcast %add3A : f32 to vector<8192x128xf32>
    %add3A_13 = arith.addf %mul3A_11, %add3A_12 : vector<8192x128xf32>
    %rsqrt3A = math.rsqrt %add3A_13 : vector<8192x128xf32>
    %mul3A_14 = arith.mulf %sub3A, %rsqrt3A : vector<8192x128xf32>
    %get3A_15 = arith.constant 0 : index
    %get3A_16 = arith.constant 0 : index
    %get3A_17 = vector.load %arg3[%get3A_15, %get3A_16] : memref<2x128xf32, #tpu.memory_space<vmem>>, vector<1x128xf32>
    %mul3A_18 = vector.broadcast %get3A_17 : vector<1x128xf32> to vector<8192x128xf32>
    %mul3A_19 = arith.mulf %mul3A_14, %mul3A_18 : vector<8192x128xf32>
    %get3A_20 = arith.constant 1 : index
    %get3A_21 = arith.constant 0 : index
    %get3A_22 = vector.load %arg3[%get3A_20, %get3A_21] : memref<2x128xf32, #tpu.memory_space<vmem>>, vector<1x128xf32>
    %add3A_23 = vector.broadcast %get3A_22 : vector<1x128xf32> to vector<8192x128xf32>
    %add3A_24 = arith.addf %mul3A_19, %add3A_23 : vector<8192x128xf32>
    %swap3A = arith.constant 0 : index
    %swap3A_25 = arith.constant 0 : index
    %swap3A_26 = vector.load %arg4[%swap3A, %swap3A_25] : memref<8192x128xf32, #tpu.memory_space<vmem>>, vector<8192x128xf32>
    tpu.vector_store %arg4[%swap3A, %swap3A_25], %add3A_24 {strides = array<i32>} : memref<8192x128xf32, #tpu.memory_space<vmem>>, vector<8192x128xf32>,
    return
  }
  func.func @transform_1(%arg0: i32) -> (i32, i32) {
    %c0_i32 = arith.constant 0 : i32
    %c0_i32_0 = arith.constant 0 : i32
    return %arg0, %c0_i32 : i32, i32
  }
  func.func @transform_2(%arg0: i32) -> (i32, i32) {
    %c0_i32 = arith.constant 0 : i32
    %c0_i32_0 = arith.constant 0 : i32
    %c0_i32_1 = arith.constant 0 : i32
    return %c0_i32, %c0_i32_0 : i32, i32
  }
  func.func @transform_3(%arg0: i32) -> (i32, i32) {
    %add3A = arith.constant 10 : i32
    %add3A_0 = arith.addi %arg0, %add3A : i32
    %c0_i32 = arith.constant 0 : i32
    %c0_i32_1 = arith.constant 0 : i32
    return %add3A_0, %c0_i32 : i32, i32
  }
}

module attributes {stable_mosaic.version = 14 : i64} {
  func.func @_lambda_(%arg0: i32, %arg1: memref<204800x128xf32, #tpu.memory_space<any>>, %arg2: memref<8192x128xf32, #tpu.memory_space<vmem>>, %arg3: memref<2x128xf32, #tpu.memory_space<vmem>>, %arg4: memref<8192x128xf32, #tpu.memory_space<vmem>>) attributes {dimension_semantics = [#tpu.dimension_semantics<arbitrary>], iteration_bounds = array<i64: 5>, scalar_prefetch = 0 : i64, scratch_operands = 0 : i64, tpu.core_type = #tpu.core_type<tc>, window_params = [{}, {transform_indices = @transform_1, window_bounds = array<i64: 8192, 128>}, {pipeline_mode = #tpu.pipeline_mode<synchronous>, transform_indices = @transform_2, window_bounds = array<i64: 2, 128>}, {transform_indices = @transform_3, window_bounds = array<i64: 8192, 128>}]} {
    %get3A = arith.constant 0 : index
    %get3A_0 = arith.constant 0 : index
    %get3A_1 = vector.load %arg2[%get3A, %get3A_0] : memref<8192x128xf32, #tpu.memory_space<vmem>>, vector<8192x128xf32>
    %broadcast_in_dim3A = arith.constant 1.000000e+00 : f32
    %broadcast_in_dim3A_2 = vector.broadcast %broadcast_in_dim3A : f32 to vector<128x128xf32>
    %dot_general3A = arith.constant dense<0.000000e+00> : vector<8192x128xf32>
    %dot_general3A_3 = tpu.matmul %get3A_1, %broadcast_in_dim3A_2, %dot_general3A {dimension_numbers = #tpu.dot_dimension_numbers<[1], [0], [0], [1], [0, 0, 1, 1], [], []>, transpose_lhs_hint = false} : vector<8192x128xf32>, vector<128x128xf32>, vector<8192x128xf32> -> vector<8192x128xf32>
    %mul3A = arith.constant 7.812500e-03 : f32
    %mul3A_4 = vector.broadcast %mul3A : f32 to vector<8192x128xf32>
    %mul3A_5 = arith.mulf %dot_general3A_3, %mul3A_4 : vector<8192x128xf32>
    %sub3A = arith.subf %get3A_1, %mul3A_5 : vector<8192x128xf32>
    %mul3A_6 = arith.mulf %sub3A, %sub3A : vector<8192x128xf32>
    %dot_general3A_7 = arith.constant dense<0.000000e+00> : vector<8192x128xf32>
    %dot_general3A_8 = tpu.matmul %mul3A_6, %broadcast_in_dim3A_2, %dot_general3A_7 {dimension_numbers = #tpu.dot_dimension_numbers<[1], [0], [0], [1], [0, 0, 1, 1], [], []>, transpose_lhs_hint = false} : vector<8192x128xf32>, vector<128x128xf32>, vector<8192x128xf32> -> vector<8192x128xf32>
    %mul3A_9 = arith.constant 7.812500e-03 : f32
    %mul3A_10 = vector.broadcast %mul3A_9 : f32 to vector<8192x128xf32>
    %mul3A_11 = arith.mulf %dot_general3A_8, %mul3A_10 : vector<8192x128xf32>
    %add3A = arith.constant 1.000000e-03 : f32
    %add3A_12 = vector.broadcast %add3A : f32 to vector<8192x128xf32>
    %add3A_13 = arith.addf %mul3A_11, %add3A_12 : vector<8192x128xf32>
    %rsqrt3A = math.rsqrt %add3A_13 : vector<8192x128xf32>
    %mul3A_14 = arith.mulf %sub3A, %rsqrt3A : vector<8192x128xf32>
    %get3A_15 = arith.constant 0 : index
    %get3A_16 = arith.constant 0 : index
    %get3A_17 = vector.load %arg3[%get3A_15, %get3A_16] : memref<2x128xf32, #tpu.memory_space<vmem>>, vector<1x128xf32>
    %mul3A_18 = vector.broadcast %get3A_17 : vector<1x128xf32> to vector<8192x128xf32>
    %mul3A_19 = arith.mulf %mul3A_14, %mul3A_18 : vector<8192x128xf32>
    %get3A_20 = arith.constant 1 : index
    %get3A_21 = arith.constant 0 : index
    %get3A_22 = vector.load %arg3[%get3A_20, %get3A_21] : memref<2x128xf32, #tpu.memory_space<vmem>>, vector<1x128xf32>
    %add3A_23 = vector.broadcast %get3A_22 : vector<1x128xf32> to vector<8192x128xf32>
    %add3A_24 = arith.addf %mul3A_19, %add3A_23 : vector<8192x128xf32>
    %swap3A = arith.constant 0 : index
    %swap3A_25 = arith.constant 0 : index
    %swap3A_26 = vector.load %arg4[%swap3A, %swap3A_25] : memref<8192x128xf32, #tpu.memory_space<vmem>>, vector<8192x128xf32>
    tpu.vector_store %arg4[%swap3A, %swap3A_25], %add3A_24 {strides = array<i32>} : memref<8192x128xf32, #tpu.memory_space<vmem>>, vector<8192x128xf32>,
    return
  }
  func.func @transform_1(%arg0: i32) -> (i32, i32) {
    %c0_i32 = arith.constant 0 : i32
    %c0_i32_0 = arith.constant 0 : i32
    return %arg0, %c0_i32 : i32, i32
  }
  func.func @transform_2(%arg0: i32) -> (i32, i32) {
    %c0_i32 = arith.constant 0 : i32
    %c0_i32_0 = arith.constant 0 : i32
    %c0_i32_1 = arith.constant 0 : i32
    return %c0_i32, %c0_i32_0 : i32, i32
  }
  func.func @transform_3(%arg0: i32) -> (i32, i32) {
    %add3A = arith.constant 20 : i32
    %add3A_0 = arith.addi %arg0, %add3A : i32
    %c0_i32 = arith.constant 0 : i32
    %c0_i32_1 = arith.constant 0 : i32
    return %add3A_0, %c0_i32 : i32, i32
  }
}

</mosaic_0001>

<sc_bundles>
// kernel: _run.12.cloned.1.call-start
scs
__scs_entry_jumppad:
0x0: {  	(pc) =	sbr.rel $0x88, $3  }
0x1: {  	(tag) =	ssettag $0x0;
	lr =	simm.s32 $0x1  }
0x2: {  	[smem:$0x3F9C] =	sst lr;
	_ =	strace $0xD0000000  }
0x3: {  	_ = 	snop  }
0x4: {  	_ = 	snop  }
0x5: {  	_ = 	snop  }
0x6: {  	_ = 	snop  }
0x7: {  	_ = 	snop  }
__scs_overlays_trampoline_lowered:
0x8: {  	[smem:$0x3FAB] =	sst s0  }
0x9: {  	[smem:$0x3FAC] =	sst s1  }
0xa: {  	[smem:$0x3FAD] =	sst s2  }
0xb: {  	[smem:$0x3FAE] =	sst s3  }
0xc: {  	[smem:$0x3FAF] =	sst s4  }
0xd: {  	[smem:$0x3FB0] =	sst s5  }
0xe: {  	[smem:$0x3FB1] =	sst s6  }
0xf: {  	[smem:$0x3FB2] =	sst s7  }
0x10: {  	[smem:$0x3FB3] =	sst s8  }
0x11: {  	[smem:$0x3FB4] =	sst s9;
	s0 =	simm.s32 @!p0 $0x0  }
0x12: {  	s1 =	sld [smem:$0x3F9A];
	s0 =	simm.s32 @p0 $0x1  }
0x13: {  	[smem:$0x3FB5] =	sst s0;
	s0 =	simm.s32 @!p1 $0x0  }
0x14: {  	s2 =	sld [smem:$0x3F99];
	s0 =	simm.s32 @p1 $0x1  }
0x15: {  	[smem:$0x3FB6] =	sst s0;
	s0 =	simm.s32 @!p2 $0x0  }
0x16: {  	s3 =	sld [smem:$0x3FDB];
	s0 =	simm.s32 @p2 $0x1  }
0x17: {  	s4 =	simm.s32 $0x1BF5;
	[smem:$0x3FB8] =	sst s0  }
0x18: {  	s0 =	sld [smem:$0x3F9B];
	_ =	swait.ge [sflag:s4], $0x0  }
0x19: {  	s7 =	sld [smem:$0x3F9C]  }
0x1a: {  	s8 =	sadd.s32 $0xFFFFE003, lr  }
0x1b: {  	s9 =	sadd.s32 $0xFFFFFEF7, lr;
	s5 =	simm.s32 $0xFFFFFFFF;
	p2 =	slt.u32 s8, $0xFFFFF086  }
0x1c: {  	p1 =	slt.u32 s9, $0xF7A;
	s5 =	simm.s32 @!p2 $0x0  }
0x1d: {  	s5 =	simm.s32 @p1 $0x1;
	p0 =	seq.s32 s7, s2  }
0x1e: {  	s7 =	smul.u32 @!p0 $0xF7A, s2;
	p2 =	seq.s32 @!p0 s5, $0x0  }
0x1f: {  	s9 =	smul.u32 $0xF7A, s1;
	s8 =	simm.s32 @!p0 $0x1BF5;
	p2 =	por !p2, p0  }
0x20: {  	[sflag:s8] =	ssyncset.s32 @!p0 $0xFFFFF086;
	s6 =	sadd.s32 @!p0 s3, s7;
	s7 =	simm.s32 @!p0 $0x108  }
0x21: {  	s3 =	sadd.s32 s3, s9;
	s6 =	sadd.s32 @!p0 $0x88, s6;
	s7 =	simm.s32 @p2 $0x1082  }
0x22: {  	[simem:s7], [sflag:s8] =	dma.local @!p0 [hbm:s6], $0xF7A  }
0x23: {  	s9 =	sor.u32 $0xD0000000, s2;
	s6 =	simm.s32 $0x108;
	_ =	swait.ge @!p0 [sflag:s8], $0x0  }
0x24: {  	s3 =	sadd.s32 $0x88, s3;
	s6 =	simm.s32 @!p1 $0x1082;
	[sflag:s4] =	ssyncset.s32 $0xFFFFF086  }
0x25: {  	[simem:s6], [sflag:s4] =	dma.local [hbm:s3], $0xF7A  }
0x26: {  	[smem:$0x3F9C] =	sst s1;
	(tag) =	ssettag s2;
	_ =	strace s9  }
0x27: {  	s1 =	sld [smem:$0x3FAC]  }
0x28: {  	s2 =	sld [smem:$0x3FAD]  }
0x29: {  	s4 =	sld [smem:$0x3FAF]  }
0x2a: {  	p0 =	seq.s32 s5, $0x0;
	s5 =	sld [smem:$0x3FB0]  }
0x2b: {  	s6 =	sld [smem:$0x3FB1]  }
0x2c: {  	s7 =	sld [smem:$0x3FB2]  }
0x2d: {  	s3 =	simm.s32 $0x108;
	s8 =	sld [smem:$0x3FB3]  }
0x2e: {  	s3 =	simm.s32 @!p0 $0x1082;
	s9 =	sld [smem:$0x3FB4]  }
0x2f: {  	lr =	sadd.s32 s0, s3;
	s0 =	sld [smem:$0x3FAB]  }
0x30: {  	s3 =	sld [smem:$0x3FAE]  }
0x31: {  	[smem:$0x3FB7] =	sst s10  }
0x32: {  	s10 =	sld [smem:$0x3FB5];
	_ =	sdelay $0x3  }
0x33: {  	p0 =	seq.s32 s10, $0x1;
	s10 =	sld [smem:$0x3FB7];
	_ =	sdelay $0x3  }
0x34: {  	[smem:$0x3FB7] =	sst s10  }
0x35: {  	s10 =	sld [smem:$0x3FB6];
	_ =	sdelay $0x3  }
0x36: {  	p1 =	seq.s32 s10, $0x1;
	s10 =	sld [smem:$0x3FB7];
	_ =	sdelay $0x3  }
0x37: {  	[smem:$0x3FB7] =	sst s10  }
0x38: {  	s10 =	sld [smem:$0x3FB8]  }
0x39: {  	_ = 	snop;
	(pc) =	sbr.ind lr, $3  }
0x3a: {  	_ = 	snop  }
0x3b: {  	_ = 	snop  }
0x3c: {  	p2 =	seq.s32 s10, $0x1;
	s10 =	sld [smem:$0x3FB7]  }
0x3d: {  	_ =	shalt  }
0x3e: {  	_ =	shalt  }
0x3f: {  	_ =	shalt  }
0x40: {  	_ =	shalt  }
0x41: {  	_ =	shalt  }
0x42: {  	_ =	shalt  }
0x43: {  	_ =	shalt  }
0x44: {  	_ =	shalt  }
0x45: {  	_ =	shalt  }
0x46: {  	_ =	shalt  }
0x47: {  	_ =	shalt  }
0x48: {  	_ =	shalt  }
0x49: {  	_ =	shalt  }
0x4a: {  	_ =	shalt  }
0x4b: {  	_ =	shalt  }
0x4c: {  	_ =	shalt  }
0x4d: {  	_ =	shalt  }
0x4e: {  	_ =	shalt  }
0x4f: {  	_ =	shalt  }
0x50: {  	_ =	shalt  }
0x51: {  	_ =	shalt  }
0x52: {  	_ =	shalt  }
0x53: {  	_ =	shalt  }
0x54: {  	_ =	shalt  }
0x55: {  	_ =	shalt  }
0x56: {  	_ =	shalt  }
0x57: {  	_ =	shalt  }
0x58: {  	_ =	shalt  }
0x59: {  	_ =	shalt  }
0x5a: {  	_ =	shalt  }
0x5b: {  	_ =	shalt  }
0x5c: {  	_ =	shalt  }
0x5d: {  	_ =	shalt  }
0x5e: {  	_ =	shalt  }
0x5f: {  	_ =	shalt  }
0x60: {  	_ =	shalt  }
0x61: {  	_ =	shalt  }
0x62: {  	_ =	shalt  }
0x63: {  	_ =	shalt  }
0x64: {  	_ =	shalt  }
0x65: {  	_ =	shalt  }
0x66: {  	_ =	shalt  }
0x67: {  	_ =	shalt  }
0x68: {  	_ =	shalt  }
0x69: {  	_ =	shalt  }
0x6a: {  	_ =	shalt  }
0x6b: {  	_ =	shalt  }
0x6c: {  	_ =	shalt  }
0x6d: {  	_ =	shalt  }
0x6e: {  	_ =	shalt  }
0x6f: {  	_ =	shalt  }
0x70: {  	_ =	shalt  }
0x71: {  	_ =	shalt  }
0x72: {  	_ =	shalt  }
0x73: {  	_ =	shalt  }
0x74: {  	_ =	shalt  }
0x75: {  	_ =	shalt  }
0x76: {  	_ =	shalt  }
0x77: {  	_ =	shalt  }
0x78: {  	_ =	shalt  }
0x79: {  	_ =	shalt  }
0x7a: {  	_ =	shalt  }
0x7b: {  	_ =	shalt  }
0x7c: {  	_ =	shalt  }
0x7d: {  	_ =	shalt  }
0x7e: {  	_ =	shalt  }
0x7f: {  	_ =	shalt  }
0x80: {  	_ =	shalt  }
0x81: {  	_ =	shalt  }
0x82: {  	_ =	shalt  }
0x83: {  	_ =	shalt  }
0x84: {  	_ =	shalt  }
0x85: {  	_ =	shalt  }
0x86: {  	_ =	shalt  }
0x87: {  	_ =	shalt  }
.Lfunc_end0:
.L_simem_size_0:
called_computation_lowered:
.L_overlay_start_0:
0x88: {  	s2 =	sld [smem:$0x3FD9]  }
0x89: {  	s3 =	sld [smem:$0x3FFE];
	_ =	sdelay $0x1  }
0x8a: {  	s1 =	srdreg.scid  }
0x8b: {  	s0 =	sand.u32 $0x1, s1  }
0x8c: {  	s17 =	sshll.u32 s0, $0xA;
	s2 =	sadd.s32 s3, s2  }
0x8d: {  	s2 =	sadd.s32 s2, s17  }
0x8e: {  	[smem:$0x3FC3] =	sst s2  }
0x8f: {  	_ = 	snop  }
0x90: {  	s2 =	sld [smem:$0x3FC7]  }
0x91: {  	s18 =	sld [smem:$0x3FC6]  }
0x92: {  	s4 =	sld [smem:$0x3FD0];
	(tm) =	ssettm $0x1  }
0x93: {  	s5 =	sld [smem:$0x3FFB];
	_ =	sdelay $0x3  }
0x94: {  	_ =	strace s5  }
0x95: {  	s5 =	sld [smem:$0x3FFC];
	_ =	sdelay $0x3  }
0x96: {  	_ =	strace s5  }
0x97: {  	s5 =	sld [smem:$0x3FFD];
	_ =	sdelay $0x3  }
0x98: {  	_ =	strace s5  }
0x99: {  	_ =	strace $0x8FFFFFFF  }
0x9a: {  	s19 =	sld [smem:$0x3FDB];
	_ =	sdelay $0x1  }
0x9b: {  	s6 =	simm.s32 $_scs_section_size  }
0x9c: {  	s7 =	simm.s32 $_size__tile_overlayer_lowered;
	s8 =	simm.s32 $_tile_overlayer_lowered  }
0x9d: {  	s22 =	simm.s32 $0x1BFF;
	s21 =	sshll.u32 s8, $0x1;
	s5 =	sadd.s32 s6, s19  }
0x9e: {  	s9 =	simm.s32 $0x0;
	s20 =	sshll.u32 s7, $0x1;
	s7 =	sadd.s32 s21, s5  }
0x9f: {  	[timem:s9], [sflag:s22] =	dma.local [hbm:s7], s20  }
0xa0: {  	_ =	swait.ge [sflag:s22], s20  }
0xa1: {  	s6 =	ssub.s32 $0x0, s20;
	[sflag:s22] =	ssyncset.done $0x0  }
0xa2: {  	[sflag:s22] =	ssyncadd.s32 s6;
	_ =	sdelay $0x1  }
0xa3: {  	s23 =	simm.s32 $0x1B8B  }
0xa4: {  	_ =	swait.ge [sflag:s23], $0x1  }
0xa5: {  	[sflag:s23] =	ssyncset.done $0x0  }
0xa6: {  	s25 =	simm.s32 $0x1B8E;
	s24 =	sld [smem:$0x3FFE];
	[sflag:s23] =	ssyncadd.s32 $0xFFFFFFFF  }
0xa7: {  	s26 =	simm.s32 $execute0_lowered;
	[smem:$0x3FD2] =	sst s25  }
0xa8: {  	s7 =	sshll.u32 s26, $0x1;
	_ =	strace $0x80000046;
	[dreg:$0x1] =	wrdreg $0xFFFFFFFF  }
0xa9: {  	s28 =	simm.s32 $_size_execute0_lowered;
	s5 =	sadd.s32 s5, s7;
	[dreg:$0x0] =	wrdreg $0x0  }
0xaa: {  	s7 =	sshll.u32 s28, $0x1;
	[dreg:$0x2] =	wrdreg s5  }
0xab: {  	[dreg:$0x3] =	wrdreg s7  }
0xac: {  	[dreg:$0x4] =	wrdreg $0xC0  }
0xad: {  	_ =	task [dreg:s9], $0x5FFFF  }
0xae: {  	[dreg:$0x1] =	wrdreg $0xFFFFFFFF  }
0xaf: {  	[dreg:$0x0] =	wrdreg $0x60  }
0xb0: {  	[dreg:$0x2] =	wrdreg s24  }
0xb1: {  	[dreg:$0x3] =	wrdreg s2  }
0xb2: {  	[dreg:$0x4] =	wrdreg s18  }
0xb3: {  	[dreg:$0x5] =	wrdreg s4  }
0xb4: {  	[dreg:$0x6] =	wrdreg $0x110000  }
0xb5: {  	[dreg:$0x7] =	wrdreg $0x9  }
0xb6: {  	_ =	task.clear_ibuf [dreg:s9], $0x8FFFF;
	_ =	strace $0x90000046  }
0xb7: {  	s29 =	simm.s32 $0x9;
	_ =	strace $0x80000048  }
0xb8: {  	_ =	swait.ge [sflag:s29], $0x1  }
0xb9: {  	[sflag:s29] =	ssyncadd.s32 $0xFFFFFFFF  }
0xba: {  	_ =	strace $0x90000048  }
0xbb: {  	_ =	sfence  }
0xbc: {  	s30 =	sld [smem:$0x0];
	_ =	sdelay $0x2  }
0xbd: {  	s31 =	sshll.u32 s1, $0xD;
	s1 =	sshrl.u32 s1, $0x2  }
0xbe: {  	s3 =	sand.u32 $0x4000, s31;
	s1 =	sadd.s32 s1, s30  }
0xbf: {  	s0 =	sor.u32 s3, s0;
	s1 =	sshll.u32 s1, $0x11  }
0xc0: {  	s0 =	sor.u32 s1, s0  }
0xc1: {  	s0 =	sadd.s32 $0x8F2B, s0  }
0xc2: {  	[sflag:s0] =	ssyncadd.remote.s32 $0x1  }
0xc3: {  	_ =	sfence.sel $0xFFFF  }
0xc4: {  	[dreg:$0x0] =	wrdreg $0xFFFFFFFF;
	(pc) =	sbr.abs _section_cstart, $3  }
0xc5: {  	[dreg:$0x1] =	wrdreg $0xFFFFFFFF  }
0xc6: {  	_ =	task.clear_ibuf [dreg:s9], $0x2FFFF;
	_ =	strace $0x9FFFFFFF  }
0xc7: {  	(tm) =	ssettm $0x7FFFFFFF  }
tec
execute0_lowered:
.L_overlay_start_1:
0x0: {  	(tag) =	ssettag $0x1  }
0x1: {  	s6 =	rddreg [dreg:$0x0]  }
0x2: {  	s0 =	rddreg [dreg:$0x1]  }
0x3: {  	s2 =	rddreg [dreg:$0x2]  }
0x4: {  	s3 =	rddreg [dreg:$0x3]  }
0x5: {  	s4 =	rddreg [dreg:$0x4];
	s5 =	srdreg.scid  }
0x6: {  	s8 =	stileid.u32;
	s1 =	rddreg [dreg:$0x5]  }
0x7: {  	s12 =	simm.s32 $0x800;
	s13 =	simm.s32 $0x80;
	s14 =	simm.s32 $0x1000  }
0x8: {  	s15 =	simm.s32 $0x1;
	s16 =	simm.s32 $0x5000;
	s17 =	simm.s32 $0x3  }
0x9: {  	s18 =	simm.s32 $0x2;
	s19 =	simm.s32 $0x0;
	s7 =	sand.u32 $0x1, s5  }
0xa: {  	s9 =	sshll.u32 s8, $0x1;
	s5 =	simm.s32 $0x0;
	p0 =	sne.s32 s8, $0x0  }
.Ltmp0:
0xb: {  	s9 =	sor.u32 s7, s9;
	s7 =	ssub.s32 $0x2, s7;
	(pc) =	sbr.rel .LBB2_1-.Ltmp0, $4  }
0xc: {  	[smem:$0x7FF] =	sst s5;
	s10 =	sshll.u32 s9, $0x8;
	s11 =	sshrl.u32 s7, $0x1  }
0xd: {  	_ =	strace $0x80000047;
	s8 =	smul.u32 $0x28000, s9;
	s10 =	sadd.s32 s10, s6  }
0xe: {  	s11 =	ssub.s32 s7, s11;
	s6 =	sadd.s32 $0xA600, s10;
	s7 =	sadd.s32 $0x8600, s10  }
0xf: {  	s9 =	smax.u32 s11, $0x1;
	s10 =	sshrl.u32 @!p0 s4, $0x3;
	s11 =	simm.s32 $0x4  }
.LBB2_9:
0x10: {  	_ =	swait.ge [sflag:s17], $0x4000  }
0x11: {  	[sflag:s17] =	ssyncset.done $0x0  }
0x12: {  	[sflag:s17] =	ssyncadd.s32 $0xFFFFC000  }
0x13: {  	_ =	swait.ge [sflag:s17], $0x4000  }
0x14: {  	[sflag:s17] =	ssyncset.done $0x0  }
0x15: {  	s19 =	sadd.s32 $0x1, s19;
	[sflag:s17] =	ssyncadd.s32 $0xFFFFC000  }
0x16: {  	p1 =	sne.s32 s19, s9;
	_ =	swait.ge [sflag:s17], $0x4000  }
.Ltmp1:
0x17: {  	[sflag:s17] =	ssyncset.done $0x0;
	(pc) =	sbr.rel @!p1 .LBB2_10-.Ltmp1, $4  }
0x18: {  	[sflag:s17] =	ssyncadd.s32 $0xFFFFC000  }
0x19: {  	_ =	swait.ge [sflag:s17], $0x4000  }
0x1a: {  	[sflag:s17] =	ssyncset.done $0x0  }
0x1b: {  	[sflag:s17] =	ssyncadd.s32 $0xFFFFC000  }
.LBB2_1:
0x1c: {  	s20 =	simm.s32 @!p0 $0x1C04  }
0x1d: {  	[spmem:s10], [sflag:s20] =	dma.local @!p0 [hbm:s2], $0x1900  }
0x1e: {  	s20 =	simm.s32 @!p0 $0x4  }
0x1f: {  	_ =	swait.ge @!p0 [sflag:s20], $0x1900  }
0x20: {  	[sflag:s20] =	ssyncset.done @!p0 $0x0  }
0x21: {  	[sflag:s20] =	ssyncadd.s32 @!p0 $0xFFFFE700  }
0x22: {  	[bflag:$0x0] =	sbarrier.arrive $0xFFFF  }
0x23: {  	[tilespmem:s5], [sflag:$0x4] =	stream.linear.gather [hbm4b:s6+s5], $0x500, $0x38;
	[tilespmem:$0x11C80] =	vst v63  }
0x24: {  	_ =	swait.ge [sflag:s11], $0x500  }
0x25: {  	[sflag:s11] =	ssyncset.done $0x0  }
0x26: {  	[sflag:s11] =	ssyncadd.s32 $0xFFFFFB00  }
0x27: {  	[tilespmem:s12], [sflag:$0x4] =	stream.linear.gather [hbm4b:s7+s5], $0x500, $0x38;
	[tilespmem:$0x11C80] =	vst v63  }
0x28: {  	_ =	swait.ge [sflag:s11], $0x500  }
0x29: {  	[sflag:s11] =	ssyncset.done $0x0  }
0x2a: {  	[sflag:s11] =	ssyncadd.s32 $0xFFFFFB00  }
0x2b: {  	[tilespmem:s14], [sflag:$0x1] =	stream.indirect.gather [hbm4b:s0+s13], $0x80, s5, s13, $0xb8;
	[tilespmem:$0x11C80] =	vst v63  }
0x2c: {  	_ =	swait.ge [sflag:s15], $0x4000  }
.Ltmp2:
0x2d: {  	[sflag:s15] =	ssyncset.done $0x0;
	(pc) =	sbr.rel .LBB2_2-.Ltmp2, $4  }
0x2e: {  	[sflag:s15] =	ssyncadd.s32 $0xFFFFC000  }
0x2f: {  	[tilespmem:s14], [sflag:$0x2] =	stream.indirect.gather.add.f32 [spmem:s4], $0x80, s12, s13, $0xb8;
	[tilespmem:$0x11C80] =	vst v63  }
0x30: {  	s20 =	simm.s32 $0x0  }
0x31: {  	[tilespmem:s16], [sflag:$0x1] =	stream.indirect.gather [hbm4b:s0+s13], $0x80, s13, s13, $0xb8;
	[tilespmem:$0x11C80] =	vst v63  }
.LBB2_3:
0x32: {  	_ =	swait.ge [sflag:s17], $0x4000  }
0x33: {  	[sflag:s17] =	ssyncset.done $0x0  }
0x34: {  	[sflag:s17] =	ssyncadd.s32 $0xFFFFC000  }
.LBB2_5:
0x35: {  	s21 =	sadd.s32 $0x2, s20  }
0x36: {  	s22 =	sshll.u32 s21, $0xE  }
0x37: {  	s21 =	sshll.u32 s21, $0x7;
	s22 =	sand.u32 $0xC000, s22  }
0x38: {  	s21 =	sand.u32 $0x3FFFFF80, s21;
	s22 =	sor.u32 $0x1000, s22  }
0x39: {  	[tilespmem:s22], [sflag:$0x1] =	stream.indirect.gather [hbm4b:s0+s13], $0x80, s21, s13, $0xb8;
	[tilespmem:$0x11C80] =	vst v63  }
.LBB2_7:
0x3a: {  	s21 =	sadd.s32 $0x1, s20  }
0x3b: {  	_ =	swait.ge [sflag:s15], $0x4000;
	s22 =	sshll.u32 s21, $0xE;
	s23 =	sshll.u32 s21, $0x7  }
0x3c: {  	[sflag:s15] =	ssyncset.done $0x0;
	s22 =	sand.u32 $0xC000, s22;
	s23 =	sand.u32 $0x3FFFFF80, s23  }
0x3d: {  	[sflag:s15] =	ssyncadd.s32 $0xFFFFC000;
	s22 =	sor.u32 $0x1000, s22;
	s23 =	sadd.s32 $0x800, s23  }
0x3e: {  	[tilespmem:s22], [sflag:$0x2] =	stream.indirect.gather.add.f32 [spmem:s4], $0x80, s23, s13, $0xb8;
	[tilespmem:$0x11C80] =	vst v63  }
.LBB2_8:
0x3f: {  	s20 =	sshll.u32 s20, $0xE;
	p1 =	slt.u32 s21, $0xA  }
.Ltmp3:
0x40: {  	_ =	swait.ge [sflag:s18], $0x4000;
	s22 =	sadd.s32 s8, s20;
	(pc) =	sbr.rel @!p1 .LBB2_9-.Ltmp3, $4  }
0x41: {  	[sflag:s18] =	ssyncset.done $0x0;
	s20 =	sand.u32 $0xC000, s20;
	s22 =	sshrl.u32 s22, $0x3  }
0x42: {  	[sflag:s18] =	ssyncadd.s32 $0xFFFFC000;
	s20 =	sor.u32 $0x1000, s20;
	s22 =	sadd.s32 s3, s22  }
0x43: {  	[hbm4b:s22+s5] =	stream.linear.scatter [tilespmem:s20], [sflag:$0x3], $0x4000, $0x38;
	[tilespmem:$0x11C80] =	vst v63  }
0x44: {  	s20 =	smov.u32 s21  }
.LBB2_2:
0x45: {  	s21 =	sadd.s32 $0xFFFFFFFE, s20  }
0x46: {  	p1 =	sgt.u32 s21, $0x5  }
.Ltmp4:
0x47: {  	_ = 	snop;
	(pc) =	sbr.rel @!p1 .LBB2_3-.Ltmp4, $1  }
0x48: {  	_ =	sdelay $0x3  }
0x49: {  	p1 =	sgt.u32 s20, $0x7  }
.Ltmp5:
0x4a: {  	_ = 	snop;
	(pc) =	sbr.rel @!p1 .LBB2_5-.Ltmp5, $1  }
0x4b: {  	_ =	sdelay $0x3  }
0x4c: {  	p1 =	seq.s32 s20, $0x9  }
.Ltmp6:
0x4d: {  	_ = 	snop;
	(pc) =	sbr.rel @p1 .LBB2_8-.Ltmp6, $4  }
.Ltmp7:
0x4e: {  	_ = 	snop;
	(pc) =	sbr.rel @!p1 .LBB2_7-.Ltmp7, $4  }
0x4f: {  	_ = 	snop  }
0x50: {  	_ = 	snop  }
0x51: {  	s21 =	simm.s32 $0xA  }
0x52: {  	_ = 	snop  }
.LBB2_10:
0x53: {  	_ =	sfence.sel $0x180000  }
0x54: {  	[bflag:$0x0] =	sbarrier.arrive $0xFFFF  }
0x55: {  	_ =	strace $0x90000047  }
0x56: {  	s0 =	sadd.s32 @!p0 $0x100000, s1;
	[bflag:$0x2] =	sbarrier.arrive $0xFFFF  }
0x57: {  	[sflag:s0] =	ssyncadd.tile.s32 @!p0 $0x1;
	_ =	shalt  }
.Lfunc_end2:
_tile_overlayer_lowered:
.L_overlay_start_2:
0x58: {  	(tag) =	ssettag $0x2  }
0x59: {  	s0 =	rddreg [dreg:$0x0];
	s2 =	stileid.u32  }
0x5a: {  	s1 =	rddreg [dreg:$0x1];
	p0 =	sne.s32 s2, $0x0  }
0x5b: {  	s3 =	rddreg [dreg:$0x2];
	[bflag:$0x3] =	sbarrier.arrive $0xFFFF;
	s2 =	simm.s32 @!p0 $0x1C04  }
0x5c: {  	[timem:s3], [sflag:s2] =	dma.local @!p0 [hbm:s0], s1  }
0x5d: {  	s0 =	simm.s32 @!p0 $0x4  }
0x5e: {  	_ =	swait.ge @!p0 [sflag:s0], s1  }
0x5f: {  	s1 =	ssub.s32 @!p0 $0x0, s1;
	[sflag:s0] =	ssyncset.done @!p0 $0x0  }
0x60: {  	[sflag:s0] =	ssyncadd.s32 @!p0 s1  }
0x61: {  	[bflag:$0x3] =	sbarrier.arrive $0xFFFF  }
0x62: {  	_ =	shalt  }

// kernel: _run.15.cloned.1.call-start
scs
__scs_entry_jumppad:
0x0: {  	(pc) =	sbr.rel $0x88, $3  }
0x1: {  	(tag) =	ssettag $0x0;
	lr =	simm.s32 $0x1  }
0x2: {  	[smem:$0x3F9C] =	sst lr;
	_ =	strace $0xD0000000  }
0x3: {  	_ = 	snop  }
0x4: {  	_ = 	snop  }
0x5: {  	_ = 	snop  }
0x6: {  	_ = 	snop  }
0x7: {  	_ = 	snop  }
__scs_overlays_trampoline_lowered:
0x8: {  	[smem:$0x3FAB] =	sst s0  }
0x9: {  	[smem:$0x3FAC] =	sst s1  }
0xa: {  	[smem:$0x3FAD] =	sst s2  }
0xb: {  	[smem:$0x3FAE] =	sst s3  }
0xc: {  	[smem:$0x3FAF] =	sst s4  }
0xd: {  	[smem:$0x3FB0] =	sst s5  }
0xe: {  	[smem:$0x3FB1] =	sst s6  }
0xf: {  	[smem:$0x3FB2] =	sst s7  }
0x10: {  	[smem:$0x3FB3] =	sst s8  }
0x11: {  	[smem:$0x3FB4] =	sst s9;
	s0 =	simm.s32 @!p0 $0x0  }
0x12: {  	s1 =	sld [smem:$0x3F9A];
	s0 =	simm.s32 @p0 $0x1  }
0x13: {  	[smem:$0x3FB5] =	sst s0;
	s0 =	simm.s32 @!p1 $0x0  }
0x14: {  	s2 =	sld [smem:$0x3F99];
	s0 =	simm.s32 @p1 $0x1  }
0x15: {  	[smem:$0x3FB6] =	sst s0;
	s0 =	simm.s32 @!p2 $0x0  }
0x16: {  	s3 =	sld [smem:$0x3FDB];
	s0 =	simm.s32 @p2 $0x1  }
0x17: {  	s4 =	simm.s32 $0x1BF5;
	[smem:$0x3FB8] =	sst s0  }
0x18: {  	s0 =	sld [smem:$0x3F9B];
	_ =	swait.ge [sflag:s4], $0x0  }
0x19: {  	s7 =	sld [smem:$0x3F9C]  }
0x1a: {  	s8 =	sadd.s32 $0xFFFFE003, lr  }
0x1b: {  	s9 =	sadd.s32 $0xFFFFFEF7, lr;
	s5 =	simm.s32 $0xFFFFFFFF;
	p2 =	slt.u32 s8, $0xFFFFF086  }
0x1c: {  	p1 =	slt.u32 s9, $0xF7A;
	s5 =	simm.s32 @!p2 $0x0  }
0x1d: {  	s5 =	simm.s32 @p1 $0x1;
	p0 =	seq.s32 s7, s2  }
0x1e: {  	s7 =	smul.u32 @!p0 $0xF7A, s2;
	p2 =	seq.s32 @!p0 s5, $0x0  }
0x1f: {  	s9 =	smul.u32 $0xF7A, s1;
	s8 =	simm.s32 @!p0 $0x1BF5;
	p2 =	por !p2, p0  }
0x20: {  	[sflag:s8] =	ssyncset.s32 @!p0 $0xFFFFF086;
	s6 =	sadd.s32 @!p0 s3, s7;
	s7 =	simm.s32 @!p0 $0x108  }
0x21: {  	s3 =	sadd.s32 s3, s9;
	s6 =	sadd.s32 @!p0 $0x88, s6;
	s7 =	simm.s32 @p2 $0x1082  }
0x22: {  	[simem:s7], [sflag:s8] =	dma.local @!p0 [hbm:s6], $0xF7A  }
0x23: {  	s9 =	sor.u32 $0xD0000000, s2;
	s6 =	simm.s32 $0x108;
	_ =	swait.ge @!p0 [sflag:s8], $0x0  }
0x24: {  	s3 =	sadd.s32 $0x88, s3;
	s6 =	simm.s32 @!p1 $0x1082;
	[sflag:s4] =	ssyncset.s32 $0xFFFFF086  }
0x25: {  	[simem:s6], [sflag:s4] =	dma.local [hbm:s3], $0xF7A  }
0x26: {  	[smem:$0x3F9C] =	sst s1;
	(tag) =	ssettag s2;
	_ =	strace s9  }
0x27: {  	s1 =	sld [smem:$0x3FAC]  }
0x28: {  	s2 =	sld [smem:$0x3FAD]  }
0x29: {  	s4 =	sld [smem:$0x3FAF]  }
0x2a: {  	p0 =	seq.s32 s5, $0x0;
	s5 =	sld [smem:$0x3FB0]  }
0x2b: {  	s6 =	sld [smem:$0x3FB1]  }
0x2c: {  	s7 =	sld [smem:$0x3FB2]  }
0x2d: {  	s3 =	simm.s32 $0x108;
	s8 =	sld [smem:$0x3FB3]  }
0x2e: {  	s3 =	simm.s32 @!p0 $0x1082;
	s9 =	sld [smem:$0x3FB4]  }
0x2f: {  	lr =	sadd.s32 s0, s3;
	s0 =	sld [smem:$0x3FAB]  }
0x30: {  	s3 =	sld [smem:$0x3FAE]  }
0x31: {  	[smem:$0x3FB7] =	sst s10  }
0x32: {  	s10 =	sld [smem:$0x3FB5];
	_ =	sdelay $0x3  }
0x33: {  	p0 =	seq.s32 s10, $0x1;
	s10 =	sld [smem:$0x3FB7];
	_ =	sdelay $0x3  }
0x34: {  	[smem:$0x3FB7] =	sst s10  }
0x35: {  	s10 =	sld [smem:$0x3FB6];
	_ =	sdelay $0x3  }
0x36: {  	p1 =	seq.s32 s10, $0x1;
	s10 =	sld [smem:$0x3FB7];
	_ =	sdelay $0x3  }
0x37: {  	[smem:$0x3FB7] =	sst s10  }
0x38: {  	s10 =	sld [smem:$0x3FB8]  }
0x39: {  	_ = 	snop;
	(pc) =	sbr.ind lr, $3  }
0x3a: {  	_ = 	snop  }
0x3b: {  	_ = 	snop  }
0x3c: {  	p2 =	seq.s32 s10, $0x1;
	s10 =	sld [smem:$0x3FB7]  }
0x3d: {  	_ =	shalt  }
0x3e: {  	_ =	shalt  }
0x3f: {  	_ =	shalt  }
0x40: {  	_ =	shalt  }
0x41: {  	_ =	shalt  }
0x42: {  	_ =	shalt  }
0x43: {  	_ =	shalt  }
0x44: {  	_ =	shalt  }
0x45: {  	_ =	shalt  }
0x46: {  	_ =	shalt  }
0x47: {  	_ =	shalt  }
0x48: {  	_ =	shalt  }
0x49: {  	_ =	shalt  }
0x4a: {  	_ =	shalt  }
0x4b: {  	_ =	shalt  }
0x4c: {  	_ =	shalt  }
0x4d: {  	_ =	shalt  }
0x4e: {  	_ =	shalt  }
0x4f: {  	_ =	shalt  }
0x50: {  	_ =	shalt  }
0x51: {  	_ =	shalt  }
0x52: {  	_ =	shalt  }
0x53: {  	_ =	shalt  }
0x54: {  	_ =	shalt  }
0x55: {  	_ =	shalt  }
0x56: {  	_ =	shalt  }
0x57: {  	_ =	shalt  }
0x58: {  	_ =	shalt  }
0x59: {  	_ =	shalt  }
0x5a: {  	_ =	shalt  }
0x5b: {  	_ =	shalt  }
0x5c: {  	_ =	shalt  }
0x5d: {  	_ =	shalt  }
0x5e: {  	_ =	shalt  }
0x5f: {  	_ =	shalt  }
0x60: {  	_ =	shalt  }
0x61: {  	_ =	shalt  }
0x62: {  	_ =	shalt  }
0x63: {  	_ =	shalt  }
0x64: {  	_ =	shalt  }
0x65: {  	_ =	shalt  }
0x66: {  	_ =	shalt  }
0x67: {  	_ =	shalt  }
0x68: {  	_ =	shalt  }
0x69: {  	_ =	shalt  }
0x6a: {  	_ =	shalt  }
0x6b: {  	_ =	shalt  }
0x6c: {  	_ =	shalt  }
0x6d: {  	_ =	shalt  }
0x6e: {  	_ =	shalt  }
0x6f: {  	_ =	shalt  }
0x70: {  	_ =	shalt  }
0x71: {  	_ =	shalt  }
0x72: {  	_ =	shalt  }
0x73: {  	_ =	shalt  }
0x74: {  	_ =	shalt  }
0x75: {  	_ =	shalt  }
0x76: {  	_ =	shalt  }
0x77: {  	_ =	shalt  }
0x78: {  	_ =	shalt  }
0x79: {  	_ =	shalt  }
0x7a: {  	_ =	shalt  }
0x7b: {  	_ =	shalt  }
0x7c: {  	_ =	shalt  }
0x7d: {  	_ =	shalt  }
0x7e: {  	_ =	shalt  }
0x7f: {  	_ =	shalt  }
0x80: {  	_ =	shalt  }
0x81: {  	_ =	shalt  }
0x82: {  	_ =	shalt  }
0x83: {  	_ =	shalt  }
0x84: {  	_ =	shalt  }
0x85: {  	_ =	shalt  }
0x86: {  	_ =	shalt  }
0x87: {  	_ =	shalt  }
.Lfunc_end0:
.L_simem_size_0:
called_computation.1_lowered:
.L_overlay_start_0:
0x88: {  	s2 =	sld [smem:$0x3FD9]  }
0x89: {  	s3 =	sld [smem:$0x3FFE];
	_ =	sdelay $0x1  }
0x8a: {  	s1 =	srdreg.scid  }
0x8b: {  	s0 =	sand.u32 $0x1, s1  }
0x8c: {  	s17 =	sshll.u32 s0, $0xA;
	s2 =	sadd.s32 s3, s2  }
0x8d: {  	s2 =	sadd.s32 s2, s17  }
0x8e: {  	[smem:$0x3FC3] =	sst s2  }
0x8f: {  	_ = 	snop  }
0x90: {  	s18 =	sld [smem:$0x3FC7]  }
0x91: {  	s4 =	sld [smem:$0x3FC6];
	(tm) =	ssettm $0x1  }
0x92: {  	s19 =	sld [smem:$0x3FFB];
	_ =	sdelay $0x3  }
0x93: {  	_ =	strace s19  }
0x94: {  	s2 =	sld [smem:$0x3FFC];
	_ =	sdelay $0x3  }
0x95: {  	_ =	strace s2  }
0x96: {  	s2 =	sld [smem:$0x3FFD];
	_ =	sdelay $0x3  }
0x97: {  	_ =	strace s2  }
0x98: {  	_ =	strace $0x8FFFFFFF  }
0x99: {  	s20 =	sld [smem:$0x3FDB];
	_ =	sdelay $0x1  }
0x9a: {  	s5 =	simm.s32 $_scs_section_size  }
0x9b: {  	s6 =	simm.s32 $_size__tile_overlayer_lowered;
	s7 =	simm.s32 $_tile_overlayer_lowered  }
0x9c: {  	s8 =	simm.s32 $0x1BFF;
	s21 =	sshll.u32 s7, $0x1;
	s5 =	sadd.s32 s5, s20  }
0x9d: {  	s22 =	simm.s32 $0x0;
	s6 =	sshll.u32 s6, $0x1;
	s7 =	sadd.s32 s21, s5  }
0x9e: {  	[timem:s22], [sflag:s8] =	dma.local [hbm:s7], s6  }
0x9f: {  	_ =	swait.ge [sflag:s8], s6  }
0xa0: {  	s6 =	ssub.s32 $0x0, s6;
	[sflag:s8] =	ssyncset.done $0x0  }
0xa1: {  	[sflag:s8] =	ssyncadd.s32 s6;
	_ =	sdelay $0x1  }
0xa2: {  	s23 =	simm.s32 $0x1B8B  }
0xa3: {  	_ =	swait.ge [sflag:s23], $0x1  }
0xa4: {  	[sflag:s23] =	ssyncset.done $0x0  }
0xa5: {  	[sflag:s23] =	ssyncadd.s32 $0xFFFFFFFF  }
0xa6: {  	s6 =	sld [smem:$0x0]  }
0xa7: {  	s7 =	sand.u32 $0xFFFFFFFE, s1  }
0xa8: {  	p0 =	sne.s32 s1, s7  }
0xa9: {  	s7 =	sshll.u32 @p0 s7, $0xE  }
0xaa: {  	s7 =	sadd.s32 @p0 $0x11B8D, s7;
	s8 =	sshll.u32 @p0 s6, $0x11  }
0xab: {  	s7 =	sor.u32 @p0 s8, s7  }
0xac: {  	[sflag:s7] =	ssyncadd.remote.s32 @p0 $0x1;
	_ =	sdelay $0x1  }
0xad: {  	s7 =	simm.s32 @p0 $0x1B8D  }
0xae: {  	_ =	swait.eq @p0 [sflag:s7], $0x1  }
0xaf: {  	[sflag:s7] =	ssyncadd.s32 @p0 $0xFFFFFFFF  }
0xb0: {  	s8 =	sshll.u32 @!p0 s1, $0xE  }
0xb1: {  	s8 =	sor.u32 @!p0 $0x4000, s8;
	s7 =	simm.s32 @!p0 $0x1B8D  }
0xb2: {  	s6 =	sshll.u32 @!p0 s6, $0x11;
	s8 =	sadd.s32 @!p0 $0x11B8D, s8;
	_ =	swait.eq @!p0 [sflag:s7], $0x1  }
0xb3: {  	s6 =	sor.u32 @!p0 s6, s8;
	[sflag:s7] =	ssyncadd.s32 @!p0 $0xFFFFFFFF  }
0xb4: {  	s25 =	simm.s32 $0x1B8E;
	s24 =	sld [smem:$0x3FFE];
	[sflag:s6] =	ssyncadd.remote.s32 @!p0 $0x1  }
0xb5: {  	s26 =	simm.s32 $execute0_lowered;
	[smem:$0x3FD2] =	sst s25  }
0xb6: {  	s7 =	sshll.u32 s26, $0x1;
	_ =	strace $0x80000049;
	[dreg:$0x1] =	wrdreg $0xFFFFFFFF  }
0xb7: {  	s28 =	simm.s32 $_size_execute0_lowered;
	s5 =	sadd.s32 s5, s7;
	[dreg:$0x0] =	wrdreg $0x0  }
0xb8: {  	s7 =	sshll.u32 s28, $0x1;
	[dreg:$0x2] =	wrdreg s5  }
0xb9: {  	[dreg:$0x3] =	wrdreg s7  }
0xba: {  	[dreg:$0x4] =	wrdreg $0xC0  }
0xbb: {  	_ =	task [dreg:s22], $0x5FFFF  }
0xbc: {  	[dreg:$0x1] =	wrdreg $0xFFFFFFFF  }
0xbd: {  	[dreg:$0x0] =	wrdreg $0x60  }
0xbe: {  	[dreg:$0x2] =	wrdreg s24  }
0xbf: {  	[dreg:$0x3] =	wrdreg s18  }
0xc0: {  	[dreg:$0x4] =	wrdreg s4  }
0xc1: {  	[dreg:$0x5] =	wrdreg $0x110000  }
0xc2: {  	[dreg:$0x6] =	wrdreg $0xA  }
0xc3: {  	_ =	task.clear_ibuf [dreg:s22], $0x7FFFF;
	_ =	strace $0x90000049  }
0xc4: {  	s29 =	simm.s32 $0xA;
	_ =	strace $0x8000004B  }
0xc5: {  	_ =	swait.ge [sflag:s29], $0x1  }
0xc6: {  	[sflag:s29] =	ssyncadd.s32 $0xFFFFFFFF  }
0xc7: {  	_ =	strace $0x9000004B  }
0xc8: {  	_ =	sfence  }
0xc9: {  	s30 =	sld [smem:$0x0];
	_ =	sdelay $0x2  }
0xca: {  	s31 =	sshll.u32 s1, $0xD;
	s1 =	sshrl.u32 s1, $0x2  }
0xcb: {  	s4 =	sand.u32 $0x4000, s31;
	s1 =	sadd.s32 s1, s30  }
0xcc: {  	s0 =	sor.u32 s4, s0;
	s1 =	sshll.u32 s1, $0x11  }
0xcd: {  	s0 =	sor.u32 s1, s0  }
0xce: {  	s0 =	sadd.s32 $0x8F2B, s0  }
0xcf: {  	[sflag:s0] =	ssyncadd.remote.s32 $0x1  }
0xd0: {  	_ =	sfence.sel $0xFFFF  }
0xd1: {  	[dreg:$0x0] =	wrdreg $0xFFFFFFFF;
	(pc) =	sbr.abs _section_cstart, $3  }
0xd2: {  	[dreg:$0x1] =	wrdreg $0xFFFFFFFF  }
0xd3: {  	_ =	task.clear_ibuf [dreg:s22], $0x2FFFF;
	_ =	strace $0x9FFFFFFF  }
0xd4: {  	(tm) =	ssettm $0x7FFFFFFF  }
0xd5: {  	_ =	shalt  }
tec
execute0_lowered:
.L_overlay_start_1:
0x0: {  	(tag) =	ssettag $0x1  }
0x1: {  	s5 =	rddreg [dreg:$0x0]  }
0x2: {  	s1 =	rddreg [dreg:$0x1]  }
0x3: {  	s2 =	rddreg [dreg:$0x2]  }
0x4: {  	s3 =	rddreg [dreg:$0x3]  }
0x5: {  	s0 =	rddreg [dreg:$0x4]  }
0x6: {  	s6 =	srdreg.scid;
	s8 =	stileid.u32;
	s4 =	simm.s32 $0x0  }
0x7: {  	s11 =	simm.s32 $0x4;
	s12 =	simm.s32 $0x800;
	s13 =	simm.s32 $0x80  }
0x8: {  	s14 =	simm.s32 $0x1000;
	s15 =	simm.s32 $0x1;
	s16 =	simm.s32 $0x5000  }
0x9: {  	s17 =	simm.s32 $0x3;
	s18 =	simm.s32 $0x2;
	s19 =	simm.s32 $0x0  }
0xa: {  	s6 =	sand.u32 $0x1, s6;
	s7 =	sshll.u32 s8, $0x1;
	[smem:$0x7FF] =	sst s4  }
.Ltmp0:
0xb: {  	p0 =	sne.s32 s8, $0x0;
	s9 =	sor.u32 s6, s7;
	(pc) =	sbr.rel .LBB2_1-.Ltmp0, $4  }
0xc: {  	s6 =	ssub.s32 $0x2, s6;
	_ =	strace $0x8000004A;
	s7 =	sshll.u32 s9, $0x8  }
0xd: {  	s10 =	sshrl.u32 s6, $0x1;
	s8 =	smul.u32 $0x28000, s9;
	s7 =	sadd.s32 s7, s5  }
0xe: {  	s5 =	sadd.s32 $0x14600, s5;
	s10 =	ssub.s32 s6, s10;
	s6 =	sadd.s32 $0xC600, s7  }
0xf: {  	s7 =	sadd.s32 $0x10600, s7;
	s9 =	smax.u32 s10, $0x1;
	s10 =	sshrl.u32 @!p0 s3, $0x3  }
.LBB2_9:
0x10: {  	_ =	swait.ge [sflag:s17], $0x4000  }
0x11: {  	[sflag:s17] =	ssyncset.done $0x0  }
0x12: {  	[sflag:s17] =	ssyncadd.s32 $0xFFFFC000  }
0x13: {  	_ =	swait.ge [sflag:s17], $0x4000  }
0x14: {  	[sflag:s17] =	ssyncset.done $0x0  }
0x15: {  	s19 =	sadd.s32 $0x1, s19;
	[sflag:s17] =	ssyncadd.s32 $0xFFFFC000  }
0x16: {  	p1 =	sne.s32 s19, s9;
	_ =	swait.ge [sflag:s17], $0x4000  }
.Ltmp1:
0x17: {  	[sflag:s17] =	ssyncset.done $0x0;
	(pc) =	sbr.rel @!p1 .LBB2_10-.Ltmp1, $4  }
0x18: {  	[sflag:s17] =	ssyncadd.s32 $0xFFFFC000  }
0x19: {  	_ =	swait.ge [sflag:s17], $0x4000  }
0x1a: {  	[sflag:s17] =	ssyncset.done $0x0  }
0x1b: {  	[sflag:s17] =	ssyncadd.s32 $0xFFFFC000  }
.LBB2_1:
0x1c: {  	s20 =	simm.s32 @!p0 $0x1C04  }
0x1d: {  	[spmem:s10], [sflag:s20] =	dma.local @!p0 [hbm:s2], $0x1900  }
0x1e: {  	s20 =	simm.s32 @!p0 $0x4  }
0x1f: {  	_ =	swait.ge @!p0 [sflag:s20], $0x1900  }
0x20: {  	[sflag:s20] =	ssyncset.done @!p0 $0x0  }
0x21: {  	[sflag:s20] =	ssyncadd.s32 @!p0 $0xFFFFE700  }
0x22: {  	[bflag:$0x0] =	sbarrier.arrive $0xFFFF  }
0x23: {  	[tilespmem:s4], [sflag:$0x4] =	stream.linear.gather [hbm4b:s6+s4], $0x500, $0x38;
	[tilespmem:$0x11C80] =	vst v63  }
0x24: {  	_ =	swait.ge [sflag:s11], $0x500  }
0x25: {  	[sflag:s11] =	ssyncset.done $0x0  }
0x26: {  	[sflag:s11] =	ssyncadd.s32 $0xFFFFFB00  }
0x27: {  	[tilespmem:s12], [sflag:$0x4] =	stream.linear.gather [hbm4b:s7+s4], $0x500, $0x38;
	[tilespmem:$0x11C80] =	vst v63  }
0x28: {  	_ =	swait.ge [sflag:s11], $0x500  }
0x29: {  	[sflag:s11] =	ssyncset.done $0x0  }
0x2a: {  	[sflag:s11] =	ssyncadd.s32 $0xFFFFFB00  }
0x2b: {  	[tilespmem:s14], [sflag:$0x1] =	stream.indirect.gather [hbm4b:s1+s13], $0x80, s4, s13, $0xb8;
	[tilespmem:$0x11C80] =	vst v63  }
0x2c: {  	_ =	swait.ge [sflag:s15], $0x4000  }
.Ltmp2:
0x2d: {  	[sflag:s15] =	ssyncset.done $0x0;
	(pc) =	sbr.rel .LBB2_2-.Ltmp2, $4  }
0x2e: {  	[sflag:s15] =	ssyncadd.s32 $0xFFFFC000  }
0x2f: {  	[tilespmem:s14], [sflag:$0x2] =	stream.indirect.gather.add.f32 [spmem:s3], $0x80, s12, s13, $0xb8;
	[tilespmem:$0x11C80] =	vst v63  }
0x30: {  	s20 =	simm.s32 $0x0  }
0x31: {  	[tilespmem:s16], [sflag:$0x1] =	stream.indirect.gather [hbm4b:s1+s13], $0x80, s13, s13, $0xb8;
	[tilespmem:$0x11C80] =	vst v63  }
.LBB2_3:
0x32: {  	_ =	swait.ge [sflag:s17], $0x4000  }
0x33: {  	[sflag:s17] =	ssyncset.done $0x0  }
0x34: {  	[sflag:s17] =	ssyncadd.s32 $0xFFFFC000  }
.LBB2_5:
0x35: {  	s21 =	sadd.s32 $0x2, s20  }
0x36: {  	s22 =	sshll.u32 s21, $0xE  }
0x37: {  	s21 =	sshll.u32 s21, $0x7;
	s22 =	sand.u32 $0xC000, s22  }
0x38: {  	s21 =	sand.u32 $0x3FFFFF80, s21;
	s22 =	sor.u32 $0x1000, s22  }
0x39: {  	[tilespmem:s22], [sflag:$0x1] =	stream.indirect.gather [hbm4b:s1+s13], $0x80, s21, s13, $0xb8;
	[tilespmem:$0x11C80] =	vst v63  }
.LBB2_7:
0x3a: {  	s21 =	sadd.s32 $0x1, s20  }
0x3b: {  	_ =	swait.ge [sflag:s15], $0x4000;
	s22 =	sshll.u32 s21, $0xE;
	s23 =	sshll.u32 s21, $0x7  }
0x3c: {  	[sflag:s15] =	ssyncset.done $0x0;
	s22 =	sand.u32 $0xC000, s22;
	s23 =	sand.u32 $0x3FFFFF80, s23  }
0x3d: {  	[sflag:s15] =	ssyncadd.s32 $0xFFFFC000;
	s22 =	sor.u32 $0x1000, s22;
	s23 =	sadd.s32 $0x800, s23  }
0x3e: {  	[tilespmem:s22], [sflag:$0x2] =	stream.indirect.gather.add.f32 [spmem:s3], $0x80, s23, s13, $0xb8;
	[tilespmem:$0x11C80] =	vst v63  }
.LBB2_8:
0x3f: {  	s20 =	sshll.u32 s20, $0xE;
	p1 =	slt.u32 s21, $0xA  }
.Ltmp3:
0x40: {  	_ =	swait.ge [sflag:s18], $0x4000;
	s22 =	sadd.s32 s8, s20;
	(pc) =	sbr.rel @!p1 .LBB2_9-.Ltmp3, $4  }
0x41: {  	[sflag:s18] =	ssyncset.done $0x0;
	s20 =	sand.u32 $0xC000, s20;
	s22 =	sshrl.u32 s22, $0x3  }
0x42: {  	[sflag:s18] =	ssyncadd.s32 $0xFFFFC000;
	s20 =	sor.u32 $0x1000, s20;
	s22 =	sadd.s32 s5, s22  }
0x43: {  	[hbm4b:s22+s4] =	stream.linear.scatter [tilespmem:s20], [sflag:$0x3], $0x4000, $0x38;
	[tilespmem:$0x11C80] =	vst v63  }
0x44: {  	s20 =	smov.u32 s21  }
.LBB2_2:
0x45: {  	s21 =	sadd.s32 $0xFFFFFFFE, s20  }
0x46: {  	p1 =	sgt.u32 s21, $0x5  }
.Ltmp4:
0x47: {  	_ = 	snop;
	(pc) =	sbr.rel @!p1 .LBB2_3-.Ltmp4, $1  }
0x48: {  	_ =	sdelay $0x3  }
0x49: {  	p1 =	sgt.u32 s20, $0x7  }
.Ltmp5:
0x4a: {  	_ = 	snop;
	(pc) =	sbr.rel @!p1 .LBB2_5-.Ltmp5, $1  }
0x4b: {  	_ =	sdelay $0x3  }
0x4c: {  	p1 =	seq.s32 s20, $0x9  }
.Ltmp6:
0x4d: {  	_ = 	snop;
	(pc) =	sbr.rel @p1 .LBB2_8-.Ltmp6, $4  }
.Ltmp7:
0x4e: {  	_ = 	snop;
	(pc) =	sbr.rel @!p1 .LBB2_7-.Ltmp7, $4  }
0x4f: {  	_ = 	snop  }
0x50: {  	_ = 	snop  }
0x51: {  	s21 =	simm.s32 $0xA  }
0x52: {  	_ = 	snop  }
.LBB2_10:
0x53: {  	_ =	sfence.sel $0x180000  }
0x54: {  	[bflag:$0x0] =	sbarrier.arrive $0xFFFF  }
0x55: {  	_ =	strace $0x9000004A  }
0x56: {  	s0 =	sadd.s32 @!p0 $0x100000, s0;
	[bflag:$0x2] =	sbarrier.arrive $0xFFFF  }
0x57: {  	[sflag:s0] =	ssyncadd.tile.s32 @!p0 $0x1;
	_ =	shalt  }
.Lfunc_end2:
_tile_overlayer_lowered:
.L_overlay_start_2:
0x58: {  	(tag) =	ssettag $0x2  }
0x59: {  	s0 =	rddreg [dreg:$0x0];
	s2 =	stileid.u32  }
0x5a: {  	s1 =	rddreg [dreg:$0x1];
	p0 =	sne.s32 s2, $0x0  }
0x5b: {  	s3 =	rddreg [dreg:$0x2];
	[bflag:$0x3] =	sbarrier.arrive $0xFFFF;
	s2 =	simm.s32 @!p0 $0x1C04  }
0x5c: {  	[timem:s3], [sflag:s2] =	dma.local @!p0 [hbm:s0], s1  }
0x5d: {  	s0 =	simm.s32 @!p0 $0x4  }
0x5e: {  	_ =	swait.ge @!p0 [sflag:s0], s1  }
0x5f: {  	s1 =	ssub.s32 @!p0 $0x0, s1;
	[sflag:s0] =	ssyncset.done @!p0 $0x0  }
0x60: {  	[sflag:s0] =	ssyncadd.s32 @!p0 s1  }
0x61: {  	[bflag:$0x3] =	sbarrier.arrive $0xFFFF  }
0x62: {  	_ =	shalt  }

// kernel: _run.18.cloned.1.call-start
scs
__scs_entry_jumppad:
0x0: {  	(pc) =	sbr.rel $0x88, $3  }
0x1: {  	(tag) =	ssettag $0x0;
	lr =	simm.s32 $0x1  }
0x2: {  	[smem:$0x3F9C] =	sst lr;
	_ =	strace $0xD0000000  }
0x3: {  	_ = 	snop  }
0x4: {  	_ = 	snop  }
0x5: {  	_ = 	snop  }
0x6: {  	_ = 	snop  }
0x7: {  	_ = 	snop  }
__scs_overlays_trampoline_lowered:
0x8: {  	[smem:$0x3FAB] =	sst s0  }
0x9: {  	[smem:$0x3FAC] =	sst s1  }
0xa: {  	[smem:$0x3FAD] =	sst s2  }
0xb: {  	[smem:$0x3FAE] =	sst s3  }
0xc: {  	[smem:$0x3FAF] =	sst s4  }
0xd: {  	[smem:$0x3FB0] =	sst s5  }
0xe: {  	[smem:$0x3FB1] =	sst s6  }
0xf: {  	[smem:$0x3FB2] =	sst s7  }
0x10: {  	[smem:$0x3FB3] =	sst s8  }
0x11: {  	[smem:$0x3FB4] =	sst s9;
	s0 =	simm.s32 @!p0 $0x0  }
0x12: {  	s1 =	sld [smem:$0x3F9A];
	s0 =	simm.s32 @p0 $0x1  }
0x13: {  	[smem:$0x3FB5] =	sst s0;
	s0 =	simm.s32 @!p1 $0x0  }
0x14: {  	s2 =	sld [smem:$0x3F99];
	s0 =	simm.s32 @p1 $0x1  }
0x15: {  	[smem:$0x3FB6] =	sst s0;
	s0 =	simm.s32 @!p2 $0x0  }
0x16: {  	s3 =	sld [smem:$0x3FDB];
	s0 =	simm.s32 @p2 $0x1  }
0x17: {  	s4 =	simm.s32 $0x1BF5;
	[smem:$0x3FB8] =	sst s0  }
0x18: {  	s0 =	sld [smem:$0x3F9B];
	_ =	swait.ge [sflag:s4], $0x0  }
0x19: {  	s7 =	sld [smem:$0x3F9C]  }
0x1a: {  	s8 =	sadd.s32 $0xFFFFE003, lr  }
0x1b: {  	s9 =	sadd.s32 $0xFFFFFEF7, lr;
	s5 =	simm.s32 $0xFFFFFFFF;
	p2 =	slt.u32 s8, $0xFFFFF086  }
0x1c: {  	p1 =	slt.u32 s9, $0xF7A;
	s5 =	simm.s32 @!p2 $0x0  }
0x1d: {  	s5 =	simm.s32 @p1 $0x1;
	p0 =	seq.s32 s7, s2  }
0x1e: {  	s7 =	smul.u32 @!p0 $0xF7A, s2;
	p2 =	seq.s32 @!p0 s5, $0x0  }
0x1f: {  	s9 =	smul.u32 $0xF7A, s1;
	s8 =	simm.s32 @!p0 $0x1BF5;
	p2 =	por !p2, p0  }
0x20: {  	[sflag:s8] =	ssyncset.s32 @!p0 $0xFFFFF086;
	s6 =	sadd.s32 @!p0 s3, s7;
	s7 =	simm.s32 @!p0 $0x108  }
0x21: {  	s3 =	sadd.s32 s3, s9;
	s6 =	sadd.s32 @!p0 $0x88, s6;
	s7 =	simm.s32 @p2 $0x1082  }
0x22: {  	[simem:s7], [sflag:s8] =	dma.local @!p0 [hbm:s6], $0xF7A  }
0x23: {  	s9 =	sor.u32 $0xD0000000, s2;
	s6 =	simm.s32 $0x108;
	_ =	swait.ge @!p0 [sflag:s8], $0x0  }
0x24: {  	s3 =	sadd.s32 $0x88, s3;
	s6 =	simm.s32 @!p1 $0x1082;
	[sflag:s4] =	ssyncset.s32 $0xFFFFF086  }
0x25: {  	[simem:s6], [sflag:s4] =	dma.local [hbm:s3], $0xF7A  }
0x26: {  	[smem:$0x3F9C] =	sst s1;
	(tag) =	ssettag s2;
	_ =	strace s9  }
0x27: {  	s1 =	sld [smem:$0x3FAC]  }
0x28: {  	s2 =	sld [smem:$0x3FAD]  }
0x29: {  	s4 =	sld [smem:$0x3FAF]  }
0x2a: {  	p0 =	seq.s32 s5, $0x0;
	s5 =	sld [smem:$0x3FB0]  }
0x2b: {  	s6 =	sld [smem:$0x3FB1]  }
0x2c: {  	s7 =	sld [smem:$0x3FB2]  }
0x2d: {  	s3 =	simm.s32 $0x108;
	s8 =	sld [smem:$0x3FB3]  }
0x2e: {  	s3 =	simm.s32 @!p0 $0x1082;
	s9 =	sld [smem:$0x3FB4]  }
0x2f: {  	lr =	sadd.s32 s0, s3;
	s0 =	sld [smem:$0x3FAB]  }
0x30: {  	s3 =	sld [smem:$0x3FAE]  }
0x31: {  	[smem:$0x3FB7] =	sst s10  }
0x32: {  	s10 =	sld [smem:$0x3FB5];
	_ =	sdelay $0x3  }
0x33: {  	p0 =	seq.s32 s10, $0x1;
	s10 =	sld [smem:$0x3FB7];
	_ =	sdelay $0x3  }
0x34: {  	[smem:$0x3FB7] =	sst s10  }
0x35: {  	s10 =	sld [smem:$0x3FB6];
	_ =	sdelay $0x3  }
0x36: {  	p1 =	seq.s32 s10, $0x1;
	s10 =	sld [smem:$0x3FB7];
	_ =	sdelay $0x3  }
0x37: {  	[smem:$0x3FB7] =	sst s10  }
0x38: {  	s10 =	sld [smem:$0x3FB8]  }
0x39: {  	_ = 	snop;
	(pc) =	sbr.ind lr, $3  }
0x3a: {  	_ = 	snop  }
0x3b: {  	_ = 	snop  }
0x3c: {  	p2 =	seq.s32 s10, $0x1;
	s10 =	sld [smem:$0x3FB7]  }
0x3d: {  	_ =	shalt  }
0x3e: {  	_ =	shalt  }
0x3f: {  	_ =	shalt  }
0x40: {  	_ =	shalt  }
0x41: {  	_ =	shalt  }
0x42: {  	_ =	shalt  }
0x43: {  	_ =	shalt  }
0x44: {  	_ =	shalt  }
0x45: {  	_ =	shalt  }
0x46: {  	_ =	shalt  }
0x47: {  	_ =	shalt  }
0x48: {  	_ =	shalt  }
0x49: {  	_ =	shalt  }
0x4a: {  	_ =	shalt  }
0x4b: {  	_ =	shalt  }
0x4c: {  	_ =	shalt  }
0x4d: {  	_ =	shalt  }
0x4e: {  	_ =	shalt  }
0x4f: {  	_ =	shalt  }
0x50: {  	_ =	shalt  }
0x51: {  	_ =	shalt  }
0x52: {  	_ =	shalt  }
0x53: {  	_ =	shalt  }
0x54: {  	_ =	shalt  }
0x55: {  	_ =	shalt  }
0x56: {  	_ =	shalt  }
0x57: {  	_ =	shalt  }
0x58: {  	_ =	shalt  }
0x59: {  	_ =	shalt  }
0x5a: {  	_ =	shalt  }
0x5b: {  	_ =	shalt  }
0x5c: {  	_ =	shalt  }
0x5d: {  	_ =	shalt  }
0x5e: {  	_ =	shalt  }
0x5f: {  	_ =	shalt  }
0x60: {  	_ =	shalt  }
0x61: {  	_ =	shalt  }
0x62: {  	_ =	shalt  }
0x63: {  	_ =	shalt  }
0x64: {  	_ =	shalt  }
0x65: {  	_ =	shalt  }
0x66: {  	_ =	shalt  }
0x67: {  	_ =	shalt  }
0x68: {  	_ =	shalt  }
0x69: {  	_ =	shalt  }
0x6a: {  	_ =	shalt  }
0x6b: {  	_ =	shalt  }
0x6c: {  	_ =	shalt  }
0x6d: {  	_ =	shalt  }
0x6e: {  	_ =	shalt  }
0x6f: {  	_ =	shalt  }
0x70: {  	_ =	shalt  }
0x71: {  	_ =	shalt  }
0x72: {  	_ =	shalt  }
0x73: {  	_ =	shalt  }
0x74: {  	_ =	shalt  }
0x75: {  	_ =	shalt  }
0x76: {  	_ =	shalt  }
0x77: {  	_ =	shalt  }
0x78: {  	_ =	shalt  }
0x79: {  	_ =	shalt  }
0x7a: {  	_ =	shalt  }
0x7b: {  	_ =	shalt  }
0x7c: {  	_ =	shalt  }
0x7d: {  	_ =	shalt  }
0x7e: {  	_ =	shalt  }
0x7f: {  	_ =	shalt  }
0x80: {  	_ =	shalt  }
0x81: {  	_ =	shalt  }
0x82: {  	_ =	shalt  }
0x83: {  	_ =	shalt  }
0x84: {  	_ =	shalt  }
0x85: {  	_ =	shalt  }
0x86: {  	_ =	shalt  }
0x87: {  	_ =	shalt  }
.Lfunc_end0:
.L_simem_size_0:
called_computation.2_lowered:
.L_overlay_start_0:
0x88: {  	s2 =	sld [smem:$0x3FD9]  }
0x89: {  	s3 =	sld [smem:$0x3FFE];
	_ =	sdelay $0x1  }
0x8a: {  	s1 =	srdreg.scid  }
0x8b: {  	s0 =	sand.u32 $0x1, s1  }
0x8c: {  	s17 =	sshll.u32 s0, $0xA;
	s2 =	sadd.s32 s3, s2  }
0x8d: {  	s2 =	sadd.s32 s2, s17  }
0x8e: {  	[smem:$0x3FC3] =	sst s2  }
0x8f: {  	_ = 	snop  }
0x90: {  	s18 =	sld [smem:$0x3FC7]  }
0x91: {  	s4 =	sld [smem:$0x3FC6];
	(tm) =	ssettm $0x1  }
0x92: {  	s19 =	sld [smem:$0x3FFB];
	_ =	sdelay $0x3  }
0x93: {  	_ =	strace s19  }
0x94: {  	s2 =	sld [smem:$0x3FFC];
	_ =	sdelay $0x3  }
0x95: {  	_ =	strace s2  }
0x96: {  	s2 =	sld [smem:$0x3FFD];
	_ =	sdelay $0x3  }
0x97: {  	_ =	strace s2  }
0x98: {  	_ =	strace $0x8FFFFFFF  }
0x99: {  	s20 =	sld [smem:$0x3FDB];
	_ =	sdelay $0x1  }
0x9a: {  	s5 =	simm.s32 $_scs_section_size  }
0x9b: {  	s6 =	simm.s32 $_size__tile_overlayer_lowered;
	s7 =	simm.s32 $_tile_overlayer_lowered  }
0x9c: {  	s8 =	simm.s32 $0x1BFF;
	s21 =	sshll.u32 s7, $0x1;
	s5 =	sadd.s32 s5, s20  }
0x9d: {  	s22 =	simm.s32 $0x0;
	s6 =	sshll.u32 s6, $0x1;
	s7 =	sadd.s32 s21, s5  }
0x9e: {  	[timem:s22], [sflag:s8] =	dma.local [hbm:s7], s6  }
0x9f: {  	_ =	swait.ge [sflag:s8], s6  }
0xa0: {  	s6 =	ssub.s32 $0x0, s6;
	[sflag:s8] =	ssyncset.done $0x0  }
0xa1: {  	[sflag:s8] =	ssyncadd.s32 s6;
	_ =	sdelay $0x1  }
0xa2: {  	s23 =	simm.s32 $0x1B8B  }
0xa3: {  	_ =	swait.ge [sflag:s23], $0x1  }
0xa4: {  	[sflag:s23] =	ssyncset.done $0x0  }
0xa5: {  	[sflag:s23] =	ssyncadd.s32 $0xFFFFFFFF  }
0xa6: {  	s6 =	sld [smem:$0x0]  }
0xa7: {  	s7 =	sand.u32 $0xFFFFFFFE, s1  }
0xa8: {  	p0 =	sne.s32 s1, s7  }
0xa9: {  	s7 =	sshll.u32 @p0 s7, $0xE  }
0xaa: {  	s7 =	sadd.s32 @p0 $0x11B8D, s7;
	s8 =	sshll.u32 @p0 s6, $0x11  }
0xab: {  	s7 =	sor.u32 @p0 s8, s7  }
0xac: {  	[sflag:s7] =	ssyncadd.remote.s32 @p0 $0x1;
	_ =	sdelay $0x1  }
0xad: {  	s7 =	simm.s32 @p0 $0x1B8D  }
0xae: {  	_ =	swait.eq @p0 [sflag:s7], $0x1  }
0xaf: {  	[sflag:s7] =	ssyncadd.s32 @p0 $0xFFFFFFFF  }
0xb0: {  	s8 =	sshll.u32 @!p0 s1, $0xE  }
0xb1: {  	s8 =	sor.u32 @!p0 $0x4000, s8;
	s7 =	simm.s32 @!p0 $0x1B8D  }
0xb2: {  	s6 =	sshll.u32 @!p0 s6, $0x11;
	s8 =	sadd.s32 @!p0 $0x11B8D, s8;
	_ =	swait.eq @!p0 [sflag:s7], $0x1  }
0xb3: {  	s6 =	sor.u32 @!p0 s6, s8;
	[sflag:s7] =	ssyncadd.s32 @!p0 $0xFFFFFFFF  }
0xb4: {  	s25 =	simm.s32 $0x1B8E;
	s24 =	sld [smem:$0x3FFE];
	[sflag:s6] =	ssyncadd.remote.s32 @!p0 $0x1  }
0xb5: {  	s26 =	simm.s32 $execute0_lowered;
	[smem:$0x3FD2] =	sst s25  }
0xb6: {  	s7 =	sshll.u32 s26, $0x1;
	_ =	strace $0x8000004C;
	[dreg:$0x1] =	wrdreg $0xFFFFFFFF  }
0xb7: {  	s28 =	simm.s32 $_size_execute0_lowered;
	s5 =	sadd.s32 s5, s7;
	[dreg:$0x0] =	wrdreg $0x0  }
0xb8: {  	s7 =	sshll.u32 s28, $0x1;
	[dreg:$0x2] =	wrdreg s5  }
0xb9: {  	[dreg:$0x3] =	wrdreg s7  }
0xba: {  	[dreg:$0x4] =	wrdreg $0xC0  }
0xbb: {  	_ =	task [dreg:s22], $0x5FFFF  }
0xbc: {  	[dreg:$0x1] =	wrdreg $0xFFFFFFFF  }
0xbd: {  	[dreg:$0x0] =	wrdreg $0x60  }
0xbe: {  	[dreg:$0x2] =	wrdreg s24  }
0xbf: {  	[dreg:$0x3] =	wrdreg s18  }
0xc0: {  	[dreg:$0x4] =	wrdreg s4  }
0xc1: {  	[dreg:$0x5] =	wrdreg $0x110000  }
0xc2: {  	[dreg:$0x6] =	wrdreg $0xB  }
0xc3: {  	_ =	task.clear_ibuf [dreg:s22], $0x7FFFF;
	_ =	strace $0x9000004C  }
0xc4: {  	s29 =	simm.s32 $0xB;
	_ =	strace $0x8000004E  }
0xc5: {  	_ =	swait.ge [sflag:s29], $0x1  }
0xc6: {  	[sflag:s29] =	ssyncadd.s32 $0xFFFFFFFF  }
0xc7: {  	_ =	strace $0x9000004E  }
0xc8: {  	_ =	sfence  }
0xc9: {  	s30 =	sld [smem:$0x0];
	_ =	sdelay $0x2  }
0xca: {  	s31 =	sshll.u32 s1, $0xD;
	s1 =	sshrl.u32 s1, $0x2  }
0xcb: {  	s4 =	sand.u32 $0x4000, s31;
	s1 =	sadd.s32 s1, s30  }
0xcc: {  	s0 =	sor.u32 s4, s0;
	s1 =	sshll.u32 s1, $0x11  }
0xcd: {  	s0 =	sor.u32 s1, s0  }
0xce: {  	s0 =	sadd.s32 $0x8F2B, s0  }
0xcf: {  	[sflag:s0] =	ssyncadd.remote.s32 $0x1  }
0xd0: {  	_ =	sfence.sel $0xFFFF  }
0xd1: {  	[dreg:$0x0] =	wrdreg $0xFFFFFFFF;
	(pc) =	sbr.abs _section_cstart, $3  }
0xd2: {  	[dreg:$0x1] =	wrdreg $0xFFFFFFFF  }
0xd3: {  	_ =	task.clear_ibuf [dreg:s22], $0x2FFFF;
	_ =	strace $0x9FFFFFFF  }
0xd4: {  	(tm) =	ssettm $0x7FFFFFFF  }
0xd5: {  	_ =	shalt  }
tec
execute0_lowered:
.L_overlay_start_1:
0x0: {  	(tag) =	ssettag $0x1  }
0x1: {  	s5 =	rddreg [dreg:$0x0]  }
0x2: {  	s1 =	rddreg [dreg:$0x1]  }
0x3: {  	s2 =	rddreg [dreg:$0x2]  }
0x4: {  	s3 =	rddreg [dreg:$0x3]  }
0x5: {  	s0 =	rddreg [dreg:$0x4]  }
0x6: {  	s6 =	srdreg.scid;
	s8 =	stileid.u32;
	s4 =	simm.s32 $0x0  }
0x7: {  	s11 =	simm.s32 $0x4;
	s12 =	simm.s32 $0x800;
	s13 =	simm.s32 $0x80  }
0x8: {  	s14 =	simm.s32 $0x1000;
	s15 =	simm.s32 $0x1;
	s16 =	simm.s32 $0x5000  }
0x9: {  	s17 =	simm.s32 $0x3;
	s18 =	simm.s32 $0x2;
	s19 =	simm.s32 $0x0  }
0xa: {  	s6 =	sand.u32 $0x1, s6;
	s7 =	sshll.u32 s8, $0x1;
	[smem:$0x7FF] =	sst s4  }
.Ltmp0:
0xb: {  	p0 =	sne.s32 s8, $0x0;
	s9 =	sor.u32 s6, s7;
	(pc) =	sbr.rel .LBB2_1-.Ltmp0, $4  }
0xc: {  	s6 =	ssub.s32 $0x2, s6;
	_ =	strace $0x8000004D;
	s7 =	sshll.u32 s9, $0x8  }
0xd: {  	s10 =	sshrl.u32 s6, $0x1;
	s8 =	smul.u32 $0x28000, s9;
	s7 =	sadd.s32 s7, s5  }
0xe: {  	s5 =	sadd.s32 $0xB4600, s5;
	s10 =	ssub.s32 s6, s10;
	s6 =	sadd.s32 $0xE600, s7  }
0xf: {  	s7 =	sadd.s32 $0x12600, s7;
	s9 =	smax.u32 s10, $0x1;
	s10 =	sshrl.u32 @!p0 s3, $0x3  }
.LBB2_9:
0x10: {  	_ =	swait.ge [sflag:s17], $0x4000  }
0x11: {  	[sflag:s17] =	ssyncset.done $0x0  }
0x12: {  	[sflag:s17] =	ssyncadd.s32 $0xFFFFC000  }
0x13: {  	_ =	swait.ge [sflag:s17], $0x4000  }
0x14: {  	[sflag:s17] =	ssyncset.done $0x0  }
0x15: {  	s19 =	sadd.s32 $0x1, s19;
	[sflag:s17] =	ssyncadd.s32 $0xFFFFC000  }
0x16: {  	p1 =	sne.s32 s19, s9;
	_ =	swait.ge [sflag:s17], $0x4000  }
.Ltmp1:
0x17: {  	[sflag:s17] =	ssyncset.done $0x0;
	(pc) =	sbr.rel @!p1 .LBB2_10-.Ltmp1, $4  }
0x18: {  	[sflag:s17] =	ssyncadd.s32 $0xFFFFC000  }
0x19: {  	_ =	swait.ge [sflag:s17], $0x4000  }
0x1a: {  	[sflag:s17] =	ssyncset.done $0x0  }
0x1b: {  	[sflag:s17] =	ssyncadd.s32 $0xFFFFC000  }
.LBB2_1:
0x1c: {  	s20 =	simm.s32 @!p0 $0x1C04  }
0x1d: {  	[spmem:s10], [sflag:s20] =	dma.local @!p0 [hbm:s2], $0x1900  }
0x1e: {  	s20 =	simm.s32 @!p0 $0x4  }
0x1f: {  	_ =	swait.ge @!p0 [sflag:s20], $0x1900  }
0x20: {  	[sflag:s20] =	ssyncset.done @!p0 $0x0  }
0x21: {  	[sflag:s20] =	ssyncadd.s32 @!p0 $0xFFFFE700  }
0x22: {  	[bflag:$0x0] =	sbarrier.arrive $0xFFFF  }
0x23: {  	[tilespmem:s4], [sflag:$0x4] =	stream.linear.gather [hbm4b:s6+s4], $0x500, $0x38;
	[tilespmem:$0x11C80] =	vst v63  }
0x24: {  	_ =	swait.ge [sflag:s11], $0x500  }
0x25: {  	[sflag:s11] =	ssyncset.done $0x0  }
0x26: {  	[sflag:s11] =	ssyncadd.s32 $0xFFFFFB00  }
0x27: {  	[tilespmem:s12], [sflag:$0x4] =	stream.linear.gather [hbm4b:s7+s4], $0x500, $0x38;
	[tilespmem:$0x11C80] =	vst v63  }
0x28: {  	_ =	swait.ge [sflag:s11], $0x500  }
0x29: {  	[sflag:s11] =	ssyncset.done $0x0  }
0x2a: {  	[sflag:s11] =	ssyncadd.s32 $0xFFFFFB00  }
0x2b: {  	[tilespmem:s14], [sflag:$0x1] =	stream.indirect.gather [hbm4b:s1+s13], $0x80, s4, s13, $0xb8;
	[tilespmem:$0x11C80] =	vst v63  }
0x2c: {  	_ =	swait.ge [sflag:s15], $0x4000  }
.Ltmp2:
0x2d: {  	[sflag:s15] =	ssyncset.done $0x0;
	(pc) =	sbr.rel .LBB2_2-.Ltmp2, $4  }
0x2e: {  	[sflag:s15] =	ssyncadd.s32 $0xFFFFC000  }
0x2f: {  	[tilespmem:s14], [sflag:$0x2] =	stream.indirect.gather.add.f32 [spmem:s3], $0x80, s12, s13, $0xb8;
	[tilespmem:$0x11C80] =	vst v63  }
0x30: {  	s20 =	simm.s32 $0x0  }
0x31: {  	[tilespmem:s16], [sflag:$0x1] =	stream.indirect.gather [hbm4b:s1+s13], $0x80, s13, s13, $0xb8;
	[tilespmem:$0x11C80] =	vst v63  }
.LBB2_3:
0x32: {  	_ =	swait.ge [sflag:s17], $0x4000  }
0x33: {  	[sflag:s17] =	ssyncset.done $0x0  }
0x34: {  	[sflag:s17] =	ssyncadd.s32 $0xFFFFC000  }
.LBB2_5:
0x35: {  	s21 =	sadd.s32 $0x2, s20  }
0x36: {  	s22 =	sshll.u32 s21, $0xE  }
0x37: {  	s21 =	sshll.u32 s21, $0x7;
	s22 =	sand.u32 $0xC000, s22  }
0x38: {  	s21 =	sand.u32 $0x3FFFFF80, s21;
	s22 =	sor.u32 $0x1000, s22  }
0x39: {  	[tilespmem:s22], [sflag:$0x1] =	stream.indirect.gather [hbm4b:s1+s13], $0x80, s21, s13, $0xb8;
	[tilespmem:$0x11C80] =	vst v63  }
.LBB2_7:
0x3a: {  	s21 =	sadd.s32 $0x1, s20  }
0x3b: {  	_ =	swait.ge [sflag:s15], $0x4000;
	s22 =	sshll.u32 s21, $0xE;
	s23 =	sshll.u32 s21, $0x7  }
0x3c: {  	[sflag:s15] =	ssyncset.done $0x0;
	s22 =	sand.u32 $0xC000, s22;
	s23 =	sand.u32 $0x3FFFFF80, s23  }
0x3d: {  	[sflag:s15] =	ssyncadd.s32 $0xFFFFC000;
	s22 =	sor.u32 $0x1000, s22;
	s23 =	sadd.s32 $0x800, s23  }
0x3e: {  	[tilespmem:s22], [sflag:$0x2] =	stream.indirect.gather.add.f32 [spmem:s3], $0x80, s23, s13, $0xb8;
	[tilespmem:$0x11C80] =	vst v63  }
.LBB2_8:
0x3f: {  	s20 =	sshll.u32 s20, $0xE;
	p1 =	slt.u32 s21, $0xA  }
.Ltmp3:
0x40: {  	_ =	swait.ge [sflag:s18], $0x4000;
	s22 =	sadd.s32 s8, s20;
	(pc) =	sbr.rel @!p1 .LBB2_9-.Ltmp3, $4  }
0x41: {  	[sflag:s18] =	ssyncset.done $0x0;
	s20 =	sand.u32 $0xC000, s20;
	s22 =	sshrl.u32 s22, $0x3  }
0x42: {  	[sflag:s18] =	ssyncadd.s32 $0xFFFFC000;
	s20 =	sor.u32 $0x1000, s20;
	s22 =	sadd.s32 s5, s22  }
0x43: {  	[hbm4b:s22+s4] =	stream.linear.scatter [tilespmem:s20], [sflag:$0x3], $0x4000, $0x38;
	[tilespmem:$0x11C80] =	vst v63  }
0x44: {  	s20 =	smov.u32 s21  }
.LBB2_2:
0x45: {  	s21 =	sadd.s32 $0xFFFFFFFE, s20  }
0x46: {  	p1 =	sgt.u32 s21, $0x5  }
.Ltmp4:
0x47: {  	_ = 	snop;
	(pc) =	sbr.rel @!p1 .LBB2_3-.Ltmp4, $1  }
0x48: {  	_ =	sdelay $0x3  }
0x49: {  	p1 =	sgt.u32 s20, $0x7  }
.Ltmp5:
0x4a: {  	_ = 	snop;
	(pc) =	sbr.rel @!p1 .LBB2_5-.Ltmp5, $1  }
0x4b: {  	_ =	sdelay $0x3  }
0x4c: {  	p1 =	seq.s32 s20, $0x9  }
.Ltmp6:
0x4d: {  	_ = 	snop;
	(pc) =	sbr.rel @p1 .LBB2_8-.Ltmp6, $4  }
.Ltmp7:
0x4e: {  	_ = 	snop;
	(pc) =	sbr.rel @!p1 .LBB2_7-.Ltmp7, $4  }
0x4f: {  	_ = 	snop  }
0x50: {  	_ = 	snop  }
0x51: {  	s21 =	simm.s32 $0xA  }
0x52: {  	_ = 	snop  }
.LBB2_10:
0x53: {  	_ =	sfence.sel $0x180000  }
0x54: {  	[bflag:$0x0] =	sbarrier.arrive $0xFFFF  }
0x55: {  	_ =	strace $0x9000004D  }
0x56: {  	s0 =	sadd.s32 @!p0 $0x100000, s0;
	[bflag:$0x2] =	sbarrier.arrive $0xFFFF  }
0x57: {  	[sflag:s0] =	ssyncadd.tile.s32 @!p0 $0x1;
	_ =	shalt  }
.Lfunc_end2:
_tile_overlayer_lowered:
.L_overlay_start_2:
0x58: {  	(tag) =	ssettag $0x2  }
0x59: {  	s0 =	rddreg [dreg:$0x0];
	s2 =	stileid.u32  }
0x5a: {  	s1 =	rddreg [dreg:$0x1];
	p0 =	sne.s32 s2, $0x0  }
0x5b: {  	s3 =	rddreg [dreg:$0x2];
	[bflag:$0x3] =	sbarrier.arrive $0xFFFF;
	s2 =	simm.s32 @!p0 $0x1C04  }
0x5c: {  	[timem:s3], [sflag:s2] =	dma.local @!p0 [hbm:s0], s1  }
0x5d: {  	s0 =	simm.s32 @!p0 $0x4  }
0x5e: {  	_ =	swait.ge @!p0 [sflag:s0], s1  }
0x5f: {  	s1 =	ssub.s32 @!p0 $0x0, s1;
	[sflag:s0] =	ssyncset.done @!p0 $0x0  }
0x60: {  	[sflag:s0] =	ssyncadd.s32 @!p0 s1  }
0x61: {  	[bflag:$0x3] =	sbarrier.arrive $0xFFFF  }
0x62: {  	_ =	shalt  }

// kernel: _run.21.cloned.1.call-start
scs
__scs_entry_jumppad:
0x0: {  	(pc) =	sbr.rel $0x88, $3  }
0x1: {  	(tag) =	ssettag $0x0;
	lr =	simm.s32 $0x1  }
0x2: {  	[smem:$0x3F9C] =	sst lr;
	_ =	strace $0xD0000000  }
0x3: {  	_ = 	snop  }
0x4: {  	_ = 	snop  }
0x5: {  	_ = 	snop  }
0x6: {  	_ = 	snop  }
0x7: {  	_ = 	snop  }
__scs_overlays_trampoline_lowered:
0x8: {  	[smem:$0x3FAB] =	sst s0  }
0x9: {  	[smem:$0x3FAC] =	sst s1  }
0xa: {  	[smem:$0x3FAD] =	sst s2  }
0xb: {  	[smem:$0x3FAE] =	sst s3  }
0xc: {  	[smem:$0x3FAF] =	sst s4  }
0xd: {  	[smem:$0x3FB0] =	sst s5  }
0xe: {  	[smem:$0x3FB1] =	sst s6  }
0xf: {  	[smem:$0x3FB2] =	sst s7  }
0x10: {  	[smem:$0x3FB3] =	sst s8  }
0x11: {  	[smem:$0x3FB4] =	sst s9;
	s0 =	simm.s32 @!p0 $0x0  }
0x12: {  	s1 =	sld [smem:$0x3F9A];
	s0 =	simm.s32 @p0 $0x1  }
0x13: {  	[smem:$0x3FB5] =	sst s0;
	s0 =	simm.s32 @!p1 $0x0  }
0x14: {  	s2 =	sld [smem:$0x3F99];
	s0 =	simm.s32 @p1 $0x1  }
0x15: {  	[smem:$0x3FB6] =	sst s0;
	s0 =	simm.s32 @!p2 $0x0  }
0x16: {  	s3 =	sld [smem:$0x3FDB];
	s0 =	simm.s32 @p2 $0x1  }
0x17: {  	s4 =	simm.s32 $0x1BF5;
	[smem:$0x3FB8] =	sst s0  }
0x18: {  	s0 =	sld [smem:$0x3F9B];
	_ =	swait.ge [sflag:s4], $0x0  }
0x19: {  	s7 =	sld [smem:$0x3F9C]  }
0x1a: {  	s8 =	sadd.s32 $0xFFFFE003, lr  }
0x1b: {  	s9 =	sadd.s32 $0xFFFFFEF7, lr;
	s5 =	simm.s32 $0xFFFFFFFF;
	p2 =	slt.u32 s8, $0xFFFFF086  }
0x1c: {  	p1 =	slt.u32 s9, $0xF7A;
	s5 =	simm.s32 @!p2 $0x0  }
0x1d: {  	s5 =	simm.s32 @p1 $0x1;
	p0 =	seq.s32 s7, s2  }
0x1e: {  	s7 =	smul.u32 @!p0 $0xF7A, s2;
	p2 =	seq.s32 @!p0 s5, $0x0  }
0x1f: {  	s9 =	smul.u32 $0xF7A, s1;
	s8 =	simm.s32 @!p0 $0x1BF5;
	p2 =	por !p2, p0  }
0x20: {  	[sflag:s8] =	ssyncset.s32 @!p0 $0xFFFFF086;
	s6 =	sadd.s32 @!p0 s3, s7;
	s7 =	simm.s32 @!p0 $0x108  }
0x21: {  	s3 =	sadd.s32 s3, s9;
	s6 =	sadd.s32 @!p0 $0x88, s6;
	s7 =	simm.s32 @p2 $0x1082  }
0x22: {  	[simem:s7], [sflag:s8] =	dma.local @!p0 [hbm:s6], $0xF7A  }
0x23: {  	s9 =	sor.u32 $0xD0000000, s2;
	s6 =	simm.s32 $0x108;
	_ =	swait.ge @!p0 [sflag:s8], $0x0  }
0x24: {  	s3 =	sadd.s32 $0x88, s3;
	s6 =	simm.s32 @!p1 $0x1082;
	[sflag:s4] =	ssyncset.s32 $0xFFFFF086  }
0x25: {  	[simem:s6], [sflag:s4] =	dma.local [hbm:s3], $0xF7A  }
0x26: {  	[smem:$0x3F9C] =	sst s1;
	(tag) =	ssettag s2;
	_ =	strace s9  }
0x27: {  	s1 =	sld [smem:$0x3FAC]  }
0x28: {  	s2 =	sld [smem:$0x3FAD]  }
0x29: {  	s4 =	sld [smem:$0x3FAF]  }
0x2a: {  	p0 =	seq.s32 s5, $0x0;
	s5 =	sld [smem:$0x3FB0]  }
0x2b: {  	s6 =	sld [smem:$0x3FB1]  }
0x2c: {  	s7 =	sld [smem:$0x3FB2]  }
0x2d: {  	s3 =	simm.s32 $0x108;
	s8 =	sld [smem:$0x3FB3]  }
0x2e: {  	s3 =	simm.s32 @!p0 $0x1082;
	s9 =	sld [smem:$0x3FB4]  }
0x2f: {  	lr =	sadd.s32 s0, s3;
	s0 =	sld [smem:$0x3FAB]  }
0x30: {  	s3 =	sld [smem:$0x3FAE]  }
0x31: {  	[smem:$0x3FB7] =	sst s10  }
0x32: {  	s10 =	sld [smem:$0x3FB5];
	_ =	sdelay $0x3  }
0x33: {  	p0 =	seq.s32 s10, $0x1;
	s10 =	sld [smem:$0x3FB7];
	_ =	sdelay $0x3  }
0x34: {  	[smem:$0x3FB7] =	sst s10  }
0x35: {  	s10 =	sld [smem:$0x3FB6];
	_ =	sdelay $0x3  }
0x36: {  	p1 =	seq.s32 s10, $0x1;
	s10 =	sld [smem:$0x3FB7];
	_ =	sdelay $0x3  }
0x37: {  	[smem:$0x3FB7] =	sst s10  }
0x38: {  	s10 =	sld [smem:$0x3FB8]  }
0x39: {  	_ = 	snop;
	(pc) =	sbr.ind lr, $3  }
0x3a: {  	_ = 	snop  }
0x3b: {  	_ = 	snop  }
0x3c: {  	p2 =	seq.s32 s10, $0x1;
	s10 =	sld [smem:$0x3FB7]  }
0x3d: {  	_ =	shalt  }
0x3e: {  	_ =	shalt  }
0x3f: {  	_ =	shalt  }
0x40: {  	_ =	shalt  }
0x41: {  	_ =	shalt  }
0x42: {  	_ =	shalt  }
0x43: {  	_ =	shalt  }
0x44: {  	_ =	shalt  }
0x45: {  	_ =	shalt  }
0x46: {  	_ =	shalt  }
0x47: {  	_ =	shalt  }
0x48: {  	_ =	shalt  }
0x49: {  	_ =	shalt  }
0x4a: {  	_ =	shalt  }
0x4b: {  	_ =	shalt  }
0x4c: {  	_ =	shalt  }
0x4d: {  	_ =	shalt  }
0x4e: {  	_ =	shalt  }
0x4f: {  	_ =	shalt  }
0x50: {  	_ =	shalt  }
0x51: {  	_ =	shalt  }
0x52: {  	_ =	shalt  }
0x53: {  	_ =	shalt  }
0x54: {  	_ =	shalt  }
0x55: {  	_ =	shalt  }
0x56: {  	_ =	shalt  }
0x57: {  	_ =	shalt  }
0x58: {  	_ =	shalt  }
0x59: {  	_ =	shalt  }
0x5a: {  	_ =	shalt  }
0x5b: {  	_ =	shalt  }
0x5c: {  	_ =	shalt  }
0x5d: {  	_ =	shalt  }
0x5e: {  	_ =	shalt  }
0x5f: {  	_ =	shalt  }
0x60: {  	_ =	shalt  }
0x61: {  	_ =	shalt  }
0x62: {  	_ =	shalt  }
0x63: {  	_ =	shalt  }
0x64: {  	_ =	shalt  }
0x65: {  	_ =	shalt  }
0x66: {  	_ =	shalt  }
0x67: {  	_ =	shalt  }
0x68: {  	_ =	shalt  }
0x69: {  	_ =	shalt  }
0x6a: {  	_ =	shalt  }
0x6b: {  	_ =	shalt  }
0x6c: {  	_ =	shalt  }
0x6d: {  	_ =	shalt  }
0x6e: {  	_ =	shalt  }
0x6f: {  	_ =	shalt  }
0x70: {  	_ =	shalt  }
0x71: {  	_ =	shalt  }
0x72: {  	_ =	shalt  }
0x73: {  	_ =	shalt  }
0x74: {  	_ =	shalt  }
0x75: {  	_ =	shalt  }
0x76: {  	_ =	shalt  }
0x77: {  	_ =	shalt  }
0x78: {  	_ =	shalt  }
0x79: {  	_ =	shalt  }
0x7a: {  	_ =	shalt  }
0x7b: {  	_ =	shalt  }
0x7c: {  	_ =	shalt  }
0x7d: {  	_ =	shalt  }
0x7e: {  	_ =	shalt  }
0x7f: {  	_ =	shalt  }
0x80: {  	_ =	shalt  }
0x81: {  	_ =	shalt  }
0x82: {  	_ =	shalt  }
0x83: {  	_ =	shalt  }
0x84: {  	_ =	shalt  }
0x85: {  	_ =	shalt  }
0x86: {  	_ =	shalt  }
0x87: {  	_ =	shalt  }
.Lfunc_end0:
.L_simem_size_0:
called_computation.3_lowered:
.L_overlay_start_0:
0x88: {  	s2 =	sld [smem:$0x3FD9]  }
0x89: {  	s3 =	sld [smem:$0x3FFE];
	_ =	sdelay $0x1  }
0x8a: {  	s1 =	srdreg.scid  }
0x8b: {  	s0 =	sand.u32 $0x1, s1  }
0x8c: {  	s17 =	sshll.u32 s0, $0xA;
	s2 =	sadd.s32 s3, s2  }
0x8d: {  	s2 =	sadd.s32 s2, s17  }
0x8e: {  	[smem:$0x3FC3] =	sst s2  }
0x8f: {  	_ = 	snop  }
0x90: {  	s18 =	sld [smem:$0x3FC7]  }
0x91: {  	s4 =	sld [smem:$0x3FC6];
	(tm) =	ssettm $0x1  }
0x92: {  	s19 =	sld [smem:$0x3FFB];
	_ =	sdelay $0x3  }
0x93: {  	_ =	strace s19  }
0x94: {  	s2 =	sld [smem:$0x3FFC];
	_ =	sdelay $0x3  }
0x95: {  	_ =	strace s2  }
0x96: {  	s2 =	sld [smem:$0x3FFD];
	_ =	sdelay $0x3  }
0x97: {  	_ =	strace s2  }
0x98: {  	_ =	strace $0x8FFFFFFF  }
0x99: {  	s20 =	sld [smem:$0x3FDB];
	_ =	sdelay $0x1  }
0x9a: {  	s5 =	simm.s32 $_scs_section_size  }
0x9b: {  	s6 =	simm.s32 $_size__tile_overlayer_lowered;
	s7 =	simm.s32 $_tile_overlayer_lowered  }
0x9c: {  	s8 =	simm.s32 $0x1BFF;
	s21 =	sshll.u32 s7, $0x1;
	s5 =	sadd.s32 s5, s20  }
0x9d: {  	s22 =	simm.s32 $0x0;
	s6 =	sshll.u32 s6, $0x1;
	s7 =	sadd.s32 s21, s5  }
0x9e: {  	[timem:s22], [sflag:s8] =	dma.local [hbm:s7], s6  }
0x9f: {  	_ =	swait.ge [sflag:s8], s6  }
0xa0: {  	s6 =	ssub.s32 $0x0, s6;
	[sflag:s8] =	ssyncset.done $0x0  }
0xa1: {  	[sflag:s8] =	ssyncadd.s32 s6;
	_ =	sdelay $0x1  }
0xa2: {  	s23 =	simm.s32 $0x1B8B  }
0xa3: {  	_ =	swait.ge [sflag:s23], $0x1  }
0xa4: {  	[sflag:s23] =	ssyncset.done $0x0  }
0xa5: {  	[sflag:s23] =	ssyncadd.s32 $0xFFFFFFFF  }
0xa6: {  	s6 =	sld [smem:$0x0]  }
0xa7: {  	s7 =	sand.u32 $0xFFFFFFFE, s1  }
0xa8: {  	p0 =	sne.s32 s1, s7  }
0xa9: {  	s7 =	sshll.u32 @p0 s7, $0xE  }
0xaa: {  	s7 =	sadd.s32 @p0 $0x11B8D, s7;
	s8 =	sshll.u32 @p0 s6, $0x11  }
0xab: {  	s7 =	sor.u32 @p0 s8, s7  }
0xac: {  	[sflag:s7] =	ssyncadd.remote.s32 @p0 $0x1;
	_ =	sdelay $0x1  }
0xad: {  	s7 =	simm.s32 @p0 $0x1B8D  }
0xae: {  	_ =	swait.eq @p0 [sflag:s7], $0x1  }
0xaf: {  	[sflag:s7] =	ssyncadd.s32 @p0 $0xFFFFFFFF  }
0xb0: {  	s8 =	sshll.u32 @!p0 s1, $0xE  }
0xb1: {  	s8 =	sor.u32 @!p0 $0x4000, s8;
	s7 =	simm.s32 @!p0 $0x1B8D  }
0xb2: {  	s6 =	sshll.u32 @!p0 s6, $0x11;
	s8 =	sadd.s32 @!p0 $0x11B8D, s8;
	_ =	swait.eq @!p0 [sflag:s7], $0x1  }
0xb3: {  	s6 =	sor.u32 @!p0 s6, s8;
	[sflag:s7] =	ssyncadd.s32 @!p0 $0xFFFFFFFF  }
0xb4: {  	s25 =	simm.s32 $0x1B8E;
	s24 =	sld [smem:$0x3FFE];
	[sflag:s6] =	ssyncadd.remote.s32 @!p0 $0x1  }
0xb5: {  	s26 =	simm.s32 $execute0_lowered;
	[smem:$0x3FD2] =	sst s25  }
0xb6: {  	s7 =	sshll.u32 s26, $0x1;
	_ =	strace $0x8000004F;
	[dreg:$0x1] =	wrdreg $0xFFFFFFFF  }
0xb7: {  	s28 =	simm.s32 $_size_execute0_lowered;
	s5 =	sadd.s32 s5, s7;
	[dreg:$0x0] =	wrdreg $0x0  }
0xb8: {  	s7 =	sshll.u32 s28, $0x1;
	[dreg:$0x2] =	wrdreg s5  }
0xb9: {  	[dreg:$0x3] =	wrdreg s7  }
0xba: {  	[dreg:$0x4] =	wrdreg $0xC0  }
0xbb: {  	_ =	task [dreg:s22], $0x5FFFF  }
0xbc: {  	[dreg:$0x1] =	wrdreg $0xFFFFFFFF  }
0xbd: {  	[dreg:$0x0] =	wrdreg $0x60  }
0xbe: {  	[dreg:$0x2] =	wrdreg s24  }
0xbf: {  	[dreg:$0x3] =	wrdreg s18  }
0xc0: {  	[dreg:$0x4] =	wrdreg s4  }
0xc1: {  	[dreg:$0x5] =	wrdreg $0x110000  }
0xc2: {  	[dreg:$0x6] =	wrdreg $0xC  }
0xc3: {  	_ =	task.clear_ibuf [dreg:s22], $0x7FFFF;
	_ =	strace $0x9000004F  }
0xc4: {  	s29 =	simm.s32 $0xC;
	_ =	strace $0x80000051  }
0xc5: {  	_ =	swait.ge [sflag:s29], $0x1  }
0xc6: {  	[sflag:s29] =	ssyncadd.s32 $0xFFFFFFFF  }
0xc7: {  	_ =	strace $0x90000051  }
0xc8: {  	_ =	sfence  }
0xc9: {  	s30 =	sld [smem:$0x0];
	_ =	sdelay $0x2  }
0xca: {  	s31 =	sshll.u32 s1, $0xD;
	s1 =	sshrl.u32 s1, $0x2  }
0xcb: {  	s4 =	sand.u32 $0x4000, s31;
	s1 =	sadd.s32 s1, s30  }
0xcc: {  	s0 =	sor.u32 s4, s0;
	s1 =	sshll.u32 s1, $0x11  }
0xcd: {  	s0 =	sor.u32 s1, s0  }
0xce: {  	s0 =	sadd.s32 $0x8F2B, s0  }
0xcf: {  	[sflag:s0] =	ssyncadd.remote.s32 $0x1  }
0xd0: {  	_ =	sfence.sel $0xFFFF  }
0xd1: {  	[dreg:$0x0] =	wrdreg $0xFFFFFFFF;
	(pc) =	sbr.abs _section_cstart, $3  }
0xd2: {  	[dreg:$0x1] =	wrdreg $0xFFFFFFFF  }
0xd3: {  	_ =	task.clear_ibuf [dreg:s22], $0x2FFFF;
	_ =	strace $0x9FFFFFFF  }
0xd4: {  	(tm) =	ssettm $0x7FFFFFFF  }
0xd5: {  	_ =	shalt  }
tec
execute0_lowered:
.L_overlay_start_1:
0x0: {  	(tag) =	ssettag $0x1  }
0x1: {  	s5 =	rddreg [dreg:$0x0]  }
0x2: {  	s1 =	rddreg [dreg:$0x1]  }
0x3: {  	s2 =	rddreg [dreg:$0x2]  }
0x4: {  	s3 =	rddreg [dreg:$0x3]  }
0x5: {  	s0 =	rddreg [dreg:$0x4]  }
0x6: {  	s6 =	srdreg.scid;
	s8 =	stileid.u32;
	s4 =	simm.s32 $0x0  }
0x7: {  	s11 =	simm.s32 $0x4;
	s12 =	simm.s32 $0x800;
	s13 =	simm.s32 $0x80  }
0x8: {  	s14 =	simm.s32 $0x1000;
	s15 =	simm.s32 $0x1;
	s16 =	simm.s32 $0x5000  }
0x9: {  	s17 =	simm.s32 $0x3;
	s18 =	simm.s32 $0x2;
	s19 =	simm.s32 $0x0  }
0xa: {  	s6 =	sand.u32 $0x1, s6;
	s7 =	sshll.u32 s8, $0x1;
	[smem:$0x7FF] =	sst s4  }
.Ltmp0:
0xb: {  	p0 =	sne.s32 s8, $0x0;
	s9 =	sor.u32 s6, s7;
	(pc) =	sbr.rel .LBB2_1-.Ltmp0, $4  }
0xc: {  	s6 =	ssub.s32 $0x2, s6;
	_ =	strace $0x80000050;
	s7 =	sshll.u32 s9, $0x8  }
0xd: {  	s10 =	sshrl.u32 s6, $0x1;
	s8 =	smul.u32 $0x28000, s9;
	s7 =	sadd.s32 s7, s5  }
0xe: {  	s5 =	sadd.s32 $0x158600, s5;
	s10 =	ssub.s32 s6, s10;
	s6 =	sadd.s32 $0x5E00, s7  }
0xf: {  	s7 =	sadd.s32 $0x3600, s7;
	s9 =	smax.u32 s10, $0x1;
	s10 =	sshrl.u32 @!p0 s3, $0x3  }
.LBB2_9:
0x10: {  	_ =	swait.ge [sflag:s17], $0x4000  }
0x11: {  	[sflag:s17] =	ssyncset.done $0x0  }
0x12: {  	[sflag:s17] =	ssyncadd.s32 $0xFFFFC000  }
0x13: {  	_ =	swait.ge [sflag:s17], $0x4000  }
0x14: {  	[sflag:s17] =	ssyncset.done $0x0  }
0x15: {  	s19 =	sadd.s32 $0x1, s19;
	[sflag:s17] =	ssyncadd.s32 $0xFFFFC000  }
0x16: {  	p1 =	sne.s32 s19, s9;
	_ =	swait.ge [sflag:s17], $0x4000  }
.Ltmp1:
0x17: {  	[sflag:s17] =	ssyncset.done $0x0;
	(pc) =	sbr.rel @!p1 .LBB2_10-.Ltmp1, $4  }
0x18: {  	[sflag:s17] =	ssyncadd.s32 $0xFFFFC000  }
0x19: {  	_ =	swait.ge [sflag:s17], $0x4000  }
0x1a: {  	[sflag:s17] =	ssyncset.done $0x0  }
0x1b: {  	[sflag:s17] =	ssyncadd.s32 $0xFFFFC000  }
.LBB2_1:
0x1c: {  	s20 =	simm.s32 @!p0 $0x1C04  }
0x1d: {  	[spmem:s10], [sflag:s20] =	dma.local @!p0 [hbm:s2], $0x1900  }
0x1e: {  	s20 =	simm.s32 @!p0 $0x4  }
0x1f: {  	_ =	swait.ge @!p0 [sflag:s20], $0x1900  }
0x20: {  	[sflag:s20] =	ssyncset.done @!p0 $0x0  }
0x21: {  	[sflag:s20] =	ssyncadd.s32 @!p0 $0xFFFFE700  }
0x22: {  	[bflag:$0x0] =	sbarrier.arrive $0xFFFF  }
0x23: {  	[tilespmem:s4], [sflag:$0x4] =	stream.linear.gather [hbm4b:s6+s4], $0x500, $0x38;
	[tilespmem:$0x11C80] =	vst v63  }
0x24: {  	_ =	swait.ge [sflag:s11], $0x500  }
0x25: {  	[sflag:s11] =	ssyncset.done $0x0  }
0x26: {  	[sflag:s11] =	ssyncadd.s32 $0xFFFFFB00  }
0x27: {  	[tilespmem:s12], [sflag:$0x4] =	stream.linear.gather [hbm4b:s7+s4], $0x500, $0x38;
	[tilespmem:$0x11C80] =	vst v63  }
0x28: {  	_ =	swait.ge [sflag:s11], $0x500  }
0x29: {  	[sflag:s11] =	ssyncset.done $0x0  }
0x2a: {  	[sflag:s11] =	ssyncadd.s32 $0xFFFFFB00  }
0x2b: {  	[tilespmem:s14], [sflag:$0x1] =	stream.indirect.gather [hbm4b:s1+s13], $0x80, s4, s13, $0xb8;
	[tilespmem:$0x11C80] =	vst v63  }
0x2c: {  	_ =	swait.ge [sflag:s15], $0x4000  }
.Ltmp2:
0x2d: {  	[sflag:s15] =	ssyncset.done $0x0;
	(pc) =	sbr.rel .LBB2_2-.Ltmp2, $4  }
0x2e: {  	[sflag:s15] =	ssyncadd.s32 $0xFFFFC000  }
0x2f: {  	[tilespmem:s14], [sflag:$0x2] =	stream.indirect.gather.add.f32 [spmem:s3], $0x80, s12, s13, $0xb8;
	[tilespmem:$0x11C80] =	vst v63  }
0x30: {  	s20 =	simm.s32 $0x0  }
0x31: {  	[tilespmem:s16], [sflag:$0x1] =	stream.indirect.gather [hbm4b:s1+s13], $0x80, s13, s13, $0xb8;
	[tilespmem:$0x11C80] =	vst v63  }
.LBB2_3:
0x32: {  	_ =	swait.ge [sflag:s17], $0x4000  }
0x33: {  	[sflag:s17] =	ssyncset.done $0x0  }
0x34: {  	[sflag:s17] =	ssyncadd.s32 $0xFFFFC000  }
.LBB2_5:
0x35: {  	s21 =	sadd.s32 $0x2, s20  }
0x36: {  	s22 =	sshll.u32 s21, $0xE  }
0x37: {  	s21 =	sshll.u32 s21, $0x7;
	s22 =	sand.u32 $0xC000, s22  }
0x38: {  	s21 =	sand.u32 $0x3FFFFF80, s21;
	s22 =	sor.u32 $0x1000, s22  }
0x39: {  	[tilespmem:s22], [sflag:$0x1] =	stream.indirect.gather [hbm4b:s1+s13], $0x80, s21, s13, $0xb8;
	[tilespmem:$0x11C80] =	vst v63  }
.LBB2_7:
0x3a: {  	s21 =	sadd.s32 $0x1, s20  }
0x3b: {  	_ =	swait.ge [sflag:s15], $0x4000;
	s22 =	sshll.u32 s21, $0xE;
	s23 =	sshll.u32 s21, $0x7  }
0x3c: {  	[sflag:s15] =	ssyncset.done $0x0;
	s22 =	sand.u32 $0xC000, s22;
	s23 =	sand.u32 $0x3FFFFF80, s23  }
0x3d: {  	[sflag:s15] =	ssyncadd.s32 $0xFFFFC000;
	s22 =	sor.u32 $0x1000, s22;
	s23 =	sadd.s32 $0x800, s23  }
0x3e: {  	[tilespmem:s22], [sflag:$0x2] =	stream.indirect.gather.add.f32 [spmem:s3], $0x80, s23, s13, $0xb8;
	[tilespmem:$0x11C80] =	vst v63  }
.LBB2_8:
0x3f: {  	s20 =	sshll.u32 s20, $0xE;
	p1 =	slt.u32 s21, $0xA  }
.Ltmp3:
0x40: {  	_ =	swait.ge [sflag:s18], $0x4000;
	s22 =	sadd.s32 s8, s20;
	(pc) =	sbr.rel @!p1 .LBB2_9-.Ltmp3, $4  }
0x41: {  	[sflag:s18] =	ssyncset.done $0x0;
	s20 =	sand.u32 $0xC000, s20;
	s22 =	sshrl.u32 s22, $0x3  }
0x42: {  	[sflag:s18] =	ssyncadd.s32 $0xFFFFC000;
	s20 =	sor.u32 $0x1000, s20;
	s22 =	sadd.s32 s5, s22  }
0x43: {  	[hbm4b:s22+s4] =	stream.linear.scatter [tilespmem:s20], [sflag:$0x3], $0x4000, $0x38;
	[tilespmem:$0x11C80] =	vst v63  }
0x44: {  	s20 =	smov.u32 s21  }
.LBB2_2:
0x45: {  	s21 =	sadd.s32 $0xFFFFFFFE, s20  }
0x46: {  	p1 =	sgt.u32 s21, $0x5  }
.Ltmp4:
0x47: {  	_ = 	snop;
	(pc) =	sbr.rel @!p1 .LBB2_3-.Ltmp4, $1  }
0x48: {  	_ =	sdelay $0x3  }
0x49: {  	p1 =	sgt.u32 s20, $0x7  }
.Ltmp5:
0x4a: {  	_ = 	snop;
	(pc) =	sbr.rel @!p1 .LBB2_5-.Ltmp5, $1  }
0x4b: {  	_ =	sdelay $0x3  }
0x4c: {  	p1 =	seq.s32 s20, $0x9  }
.Ltmp6:
0x4d: {  	_ = 	snop;
	(pc) =	sbr.rel @p1 .LBB2_8-.Ltmp6, $4  }
.Ltmp7:
0x4e: {  	_ = 	snop;
	(pc) =	sbr.rel @!p1 .LBB2_7-.Ltmp7, $4  }
0x4f: {  	_ = 	snop  }
0x50: {  	_ = 	snop  }
0x51: {  	s21 =	simm.s32 $0xA  }
0x52: {  	_ = 	snop  }
.LBB2_10:
0x53: {  	_ =	sfence.sel $0x180000  }
0x54: {  	[bflag:$0x0] =	sbarrier.arrive $0xFFFF  }
0x55: {  	_ =	strace $0x90000050  }
0x56: {  	s0 =	sadd.s32 @!p0 $0x100000, s0;
	[bflag:$0x2] =	sbarrier.arrive $0xFFFF  }
0x57: {  	[sflag:s0] =	ssyncadd.tile.s32 @!p0 $0x1;
	_ =	shalt  }
.Lfunc_end2:
_tile_overlayer_lowered:
.L_overlay_start_2:
0x58: {  	(tag) =	ssettag $0x2  }
0x59: {  	s0 =	rddreg [dreg:$0x0];
	s2 =	stileid.u32  }
0x5a: {  	s1 =	rddreg [dreg:$0x1];
	p0 =	sne.s32 s2, $0x0  }
0x5b: {  	s3 =	rddreg [dreg:$0x2];
	[bflag:$0x3] =	sbarrier.arrive $0xFFFF;
	s2 =	simm.s32 @!p0 $0x1C04  }
0x5c: {  	[timem:s3], [sflag:s2] =	dma.local @!p0 [hbm:s0], s1  }
0x5d: {  	s0 =	simm.s32 @!p0 $0x4  }
0x5e: {  	_ =	swait.ge @!p0 [sflag:s0], s1  }
0x5f: {  	s1 =	ssub.s32 @!p0 $0x0, s1;
	[sflag:s0] =	ssyncset.done @!p0 $0x0  }
0x60: {  	[sflag:s0] =	ssyncadd.s32 @!p0 s1  }
0x61: {  	[bflag:$0x3] =	sbarrier.arrive $0xFFFF  }
0x62: {  	_ =	shalt  }

// kernel: _run.24.cloned.1.call-start
scs
__scs_entry_jumppad:
0x0: {  	(pc) =	sbr.rel $0x88, $3  }
0x1: {  	(tag) =	ssettag $0x0;
	lr =	simm.s32 $0x1  }
0x2: {  	[smem:$0x3F9C] =	sst lr;
	_ =	strace $0xD0000000  }
0x3: {  	_ = 	snop  }
0x4: {  	_ = 	snop  }
0x5: {  	_ = 	snop  }
0x6: {  	_ = 	snop  }
0x7: {  	_ = 	snop  }
__scs_overlays_trampoline_lowered:
0x8: {  	[smem:$0x3FAB] =	sst s0  }
0x9: {  	[smem:$0x3FAC] =	sst s1  }
0xa: {  	[smem:$0x3FAD] =	sst s2  }
0xb: {  	[smem:$0x3FAE] =	sst s3  }
0xc: {  	[smem:$0x3FAF] =	sst s4  }
0xd: {  	[smem:$0x3FB0] =	sst s5  }
0xe: {  	[smem:$0x3FB1] =	sst s6  }
0xf: {  	[smem:$0x3FB2] =	sst s7  }
0x10: {  	[smem:$0x3FB3] =	sst s8  }
0x11: {  	[smem:$0x3FB4] =	sst s9;
	s0 =	simm.s32 @!p0 $0x0  }
0x12: {  	s1 =	sld [smem:$0x3F9A];
	s0 =	simm.s32 @p0 $0x1  }
0x13: {  	[smem:$0x3FB5] =	sst s0;
	s0 =	simm.s32 @!p1 $0x0  }
0x14: {  	s2 =	sld [smem:$0x3F99];
	s0 =	simm.s32 @p1 $0x1  }
0x15: {  	[smem:$0x3FB6] =	sst s0;
	s0 =	simm.s32 @!p2 $0x0  }
0x16: {  	s3 =	sld [smem:$0x3FDB];
	s0 =	simm.s32 @p2 $0x1  }
0x17: {  	s4 =	simm.s32 $0x1BF5;
	[smem:$0x3FB8] =	sst s0  }
0x18: {  	s0 =	sld [smem:$0x3F9B];
	_ =	swait.ge [sflag:s4], $0x0  }
0x19: {  	s7 =	sld [smem:$0x3F9C]  }
0x1a: {  	s8 =	sadd.s32 $0xFFFFE003, lr  }
0x1b: {  	s9 =	sadd.s32 $0xFFFFFEF7, lr;
	s5 =	simm.s32 $0xFFFFFFFF;
	p2 =	slt.u32 s8, $0xFFFFF086  }
0x1c: {  	p1 =	slt.u32 s9, $0xF7A;
	s5 =	simm.s32 @!p2 $0x0  }
0x1d: {  	s5 =	simm.s32 @p1 $0x1;
	p0 =	seq.s32 s7, s2  }
0x1e: {  	s7 =	smul.u32 @!p0 $0xF7A, s2;
	p2 =	seq.s32 @!p0 s5, $0x0  }
0x1f: {  	s9 =	smul.u32 $0xF7A, s1;
	s8 =	simm.s32 @!p0 $0x1BF5;
	p2 =	por !p2, p0  }
0x20: {  	[sflag:s8] =	ssyncset.s32 @!p0 $0xFFFFF086;
	s6 =	sadd.s32 @!p0 s3, s7;
	s7 =	simm.s32 @!p0 $0x108  }
0x21: {  	s3 =	sadd.s32 s3, s9;
	s6 =	sadd.s32 @!p0 $0x88, s6;
	s7 =	simm.s32 @p2 $0x1082  }
0x22: {  	[simem:s7], [sflag:s8] =	dma.local @!p0 [hbm:s6], $0xF7A  }
0x23: {  	s9 =	sor.u32 $0xD0000000, s2;
	s6 =	simm.s32 $0x108;
	_ =	swait.ge @!p0 [sflag:s8], $0x0  }
0x24: {  	s3 =	sadd.s32 $0x88, s3;
	s6 =	simm.s32 @!p1 $0x1082;
	[sflag:s4] =	ssyncset.s32 $0xFFFFF086  }
0x25: {  	[simem:s6], [sflag:s4] =	dma.local [hbm:s3], $0xF7A  }
0x26: {  	[smem:$0x3F9C] =	sst s1;
	(tag) =	ssettag s2;
	_ =	strace s9  }
0x27: {  	s1 =	sld [smem:$0x3FAC]  }
0x28: {  	s2 =	sld [smem:$0x3FAD]  }
0x29: {  	s4 =	sld [smem:$0x3FAF]  }
0x2a: {  	p0 =	seq.s32 s5, $0x0;
	s5 =	sld [smem:$0x3FB0]  }
0x2b: {  	s6 =	sld [smem:$0x3FB1]  }
0x2c: {  	s7 =	sld [smem:$0x3FB2]  }
0x2d: {  	s3 =	simm.s32 $0x108;
	s8 =	sld [smem:$0x3FB3]  }
0x2e: {  	s3 =	simm.s32 @!p0 $0x1082;
	s9 =	sld [smem:$0x3FB4]  }
0x2f: {  	lr =	sadd.s32 s0, s3;
	s0 =	sld [smem:$0x3FAB]  }
0x30: {  	s3 =	sld [smem:$0x3FAE]  }
0x31: {  	[smem:$0x3FB7] =	sst s10  }
0x32: {  	s10 =	sld [smem:$0x3FB5];
	_ =	sdelay $0x3  }
0x33: {  	p0 =	seq.s32 s10, $0x1;
	s10 =	sld [smem:$0x3FB7];
	_ =	sdelay $0x3  }
0x34: {  	[smem:$0x3FB7] =	sst s10  }
0x35: {  	s10 =	sld [smem:$0x3FB6];
	_ =	sdelay $0x3  }
0x36: {  	p1 =	seq.s32 s10, $0x1;
	s10 =	sld [smem:$0x3FB7];
	_ =	sdelay $0x3  }
0x37: {  	[smem:$0x3FB7] =	sst s10  }
0x38: {  	s10 =	sld [smem:$0x3FB8]  }
0x39: {  	_ = 	snop;
	(pc) =	sbr.ind lr, $3  }
0x3a: {  	_ = 	snop  }
0x3b: {  	_ = 	snop  }
0x3c: {  	p2 =	seq.s32 s10, $0x1;
	s10 =	sld [smem:$0x3FB7]  }
0x3d: {  	_ =	shalt  }
0x3e: {  	_ =	shalt  }
0x3f: {  	_ =	shalt  }
0x40: {  	_ =	shalt  }
0x41: {  	_ =	shalt  }
0x42: {  	_ =	shalt  }
0x43: {  	_ =	shalt  }
0x44: {  	_ =	shalt  }
0x45: {  	_ =	shalt  }
0x46: {  	_ =	shalt  }
0x47: {  	_ =	shalt  }
0x48: {  	_ =	shalt  }
0x49: {  	_ =	shalt  }
0x4a: {  	_ =	shalt  }
0x4b: {  	_ =	shalt  }
0x4c: {  	_ =	shalt  }
0x4d: {  	_ =	shalt  }
0x4e: {  	_ =	shalt  }
0x4f: {  	_ =	shalt  }
0x50: {  	_ =	shalt  }
0x51: {  	_ =	shalt  }
0x52: {  	_ =	shalt  }
0x53: {  	_ =	shalt  }
0x54: {  	_ =	shalt  }
0x55: {  	_ =	shalt  }
0x56: {  	_ =	shalt  }
0x57: {  	_ =	shalt  }
0x58: {  	_ =	shalt  }
0x59: {  	_ =	shalt  }
0x5a: {  	_ =	shalt  }
0x5b: {  	_ =	shalt  }
0x5c: {  	_ =	shalt  }
0x5d: {  	_ =	shalt  }
0x5e: {  	_ =	shalt  }
0x5f: {  	_ =	shalt  }
0x60: {  	_ =	shalt  }
0x61: {  	_ =	shalt  }
0x62: {  	_ =	shalt  }
0x63: {  	_ =	shalt  }
0x64: {  	_ =	shalt  }
0x65: {  	_ =	shalt  }
0x66: {  	_ =	shalt  }
0x67: {  	_ =	shalt  }
0x68: {  	_ =	shalt  }
0x69: {  	_ =	shalt  }
0x6a: {  	_ =	shalt  }
0x6b: {  	_ =	shalt  }
0x6c: {  	_ =	shalt  }
0x6d: {  	_ =	shalt  }
0x6e: {  	_ =	shalt  }
0x6f: {  	_ =	shalt  }
0x70: {  	_ =	shalt  }
0x71: {  	_ =	shalt  }
0x72: {  	_ =	shalt  }
0x73: {  	_ =	shalt  }
0x74: {  	_ =	shalt  }
0x75: {  	_ =	shalt  }
0x76: {  	_ =	shalt  }
0x77: {  	_ =	shalt  }
0x78: {  	_ =	shalt  }
0x79: {  	_ =	shalt  }
0x7a: {  	_ =	shalt  }
0x7b: {  	_ =	shalt  }
0x7c: {  	_ =	shalt  }
0x7d: {  	_ =	shalt  }
0x7e: {  	_ =	shalt  }
0x7f: {  	_ =	shalt  }
0x80: {  	_ =	shalt  }
0x81: {  	_ =	shalt  }
0x82: {  	_ =	shalt  }
0x83: {  	_ =	shalt  }
0x84: {  	_ =	shalt  }
0x85: {  	_ =	shalt  }
0x86: {  	_ =	shalt  }
0x87: {  	_ =	shalt  }
.Lfunc_end0:
.L_simem_size_0:
called_computation.4_lowered:
.L_overlay_start_0:
0x88: {  	s2 =	sld [smem:$0x3FD9]  }
0x89: {  	s3 =	sld [smem:$0x3FFE];
	_ =	sdelay $0x1  }
0x8a: {  	s1 =	srdreg.scid  }
0x8b: {  	s0 =	sand.u32 $0x1, s1  }
0x8c: {  	s17 =	sshll.u32 s0, $0xA;
	s2 =	sadd.s32 s3, s2  }
0x8d: {  	s2 =	sadd.s32 s2, s17  }
0x8e: {  	[smem:$0x3FC3] =	sst s2  }
0x8f: {  	_ = 	snop  }
0x90: {  	s18 =	sld [smem:$0x3FC7]  }
0x91: {  	s4 =	sld [smem:$0x3FC6];
	(tm) =	ssettm $0x1  }
0x92: {  	s19 =	sld [smem:$0x3FFB];
	_ =	sdelay $0x3  }
0x93: {  	_ =	strace s19  }
0x94: {  	s2 =	sld [smem:$0x3FFC];
	_ =	sdelay $0x3  }
0x95: {  	_ =	strace s2  }
0x96: {  	s2 =	sld [smem:$0x3FFD];
	_ =	sdelay $0x3  }
0x97: {  	_ =	strace s2  }
0x98: {  	_ =	strace $0x8FFFFFFF  }
0x99: {  	s20 =	sld [smem:$0x3FDB];
	_ =	sdelay $0x1  }
0x9a: {  	s5 =	simm.s32 $_scs_section_size  }
0x9b: {  	s6 =	simm.s32 $_size__tile_overlayer_lowered;
	s7 =	simm.s32 $_tile_overlayer_lowered  }
0x9c: {  	s8 =	simm.s32 $0x1BFF;
	s21 =	sshll.u32 s7, $0x1;
	s5 =	sadd.s32 s5, s20  }
0x9d: {  	s22 =	simm.s32 $0x0;
	s6 =	sshll.u32 s6, $0x1;
	s7 =	sadd.s32 s21, s5  }
0x9e: {  	[timem:s22], [sflag:s8] =	dma.local [hbm:s7], s6  }
0x9f: {  	_ =	swait.ge [sflag:s8], s6  }
0xa0: {  	s6 =	ssub.s32 $0x0, s6;
	[sflag:s8] =	ssyncset.done $0x0  }
0xa1: {  	[sflag:s8] =	ssyncadd.s32 s6;
	_ =	sdelay $0x1  }
0xa2: {  	s23 =	simm.s32 $0x1B8B  }
0xa3: {  	_ =	swait.ge [sflag:s23], $0x1  }
0xa4: {  	[sflag:s23] =	ssyncset.done $0x0  }
0xa5: {  	[sflag:s23] =	ssyncadd.s32 $0xFFFFFFFF  }
0xa6: {  	s6 =	sld [smem:$0x0]  }
0xa7: {  	s7 =	sand.u32 $0xFFFFFFFE, s1  }
0xa8: {  	p0 =	sne.s32 s1, s7  }
0xa9: {  	s7 =	sshll.u32 @p0 s7, $0xE  }
0xaa: {  	s7 =	sadd.s32 @p0 $0x11B8D, s7;
	s8 =	sshll.u32 @p0 s6, $0x11  }
0xab: {  	s7 =	sor.u32 @p0 s8, s7  }
0xac: {  	[sflag:s7] =	ssyncadd.remote.s32 @p0 $0x1;
	_ =	sdelay $0x1  }
0xad: {  	s7 =	simm.s32 @p0 $0x1B8D  }
0xae: {  	_ =	swait.eq @p0 [sflag:s7], $0x1  }
0xaf: {  	[sflag:s7] =	ssyncadd.s32 @p0 $0xFFFFFFFF  }
0xb0: {  	s8 =	sshll.u32 @!p0 s1, $0xE  }
0xb1: {  	s8 =	sor.u32 @!p0 $0x4000, s8;
	s7 =	simm.s32 @!p0 $0x1B8D  }
0xb2: {  	s6 =	sshll.u32 @!p0 s6, $0x11;
	s8 =	sadd.s32 @!p0 $0x11B8D, s8;
	_ =	swait.eq @!p0 [sflag:s7], $0x1  }
0xb3: {  	s6 =	sor.u32 @!p0 s6, s8;
	[sflag:s7] =	ssyncadd.s32 @!p0 $0xFFFFFFFF  }
0xb4: {  	s25 =	simm.s32 $0x1B8E;
	s24 =	sld [smem:$0x3FFE];
	[sflag:s6] =	ssyncadd.remote.s32 @!p0 $0x1  }
0xb5: {  	s26 =	simm.s32 $execute0_lowered;
	[smem:$0x3FD2] =	sst s25  }
0xb6: {  	s7 =	sshll.u32 s26, $0x1;
	_ =	strace $0x80000052;
	[dreg:$0x1] =	wrdreg $0xFFFFFFFF  }
0xb7: {  	s28 =	simm.s32 $_size_execute0_lowered;
	s5 =	sadd.s32 s5, s7;
	[dreg:$0x0] =	wrdreg $0x0  }
0xb8: {  	s7 =	sshll.u32 s28, $0x1;
	[dreg:$0x2] =	wrdreg s5  }
0xb9: {  	[dreg:$0x3] =	wrdreg s7  }
0xba: {  	[dreg:$0x4] =	wrdreg $0xC0  }
0xbb: {  	_ =	task [dreg:s22], $0x5FFFF  }
0xbc: {  	[dreg:$0x1] =	wrdreg $0xFFFFFFFF  }
0xbd: {  	[dreg:$0x0] =	wrdreg $0x60  }
0xbe: {  	[dreg:$0x2] =	wrdreg s24  }
0xbf: {  	[dreg:$0x3] =	wrdreg s18  }
0xc0: {  	[dreg:$0x4] =	wrdreg s4  }
0xc1: {  	[dreg:$0x5] =	wrdreg $0x110000  }
0xc2: {  	[dreg:$0x6] =	wrdreg $0xD  }
0xc3: {  	_ =	task.clear_ibuf [dreg:s22], $0x7FFFF;
	_ =	strace $0x90000052  }
0xc4: {  	s29 =	simm.s32 $0xD;
	_ =	strace $0x80000054  }
0xc5: {  	_ =	swait.ge [sflag:s29], $0x1  }
0xc6: {  	[sflag:s29] =	ssyncadd.s32 $0xFFFFFFFF  }
0xc7: {  	_ =	strace $0x90000054  }
0xc8: {  	_ =	sfence  }
0xc9: {  	s30 =	sld [smem:$0x0];
	_ =	sdelay $0x2  }
0xca: {  	s31 =	sshll.u32 s1, $0xD;
	s1 =	sshrl.u32 s1, $0x2  }
0xcb: {  	s4 =	sand.u32 $0x4000, s31;
	s1 =	sadd.s32 s1, s30  }
0xcc: {  	s0 =	sor.u32 s4, s0;
	s1 =	sshll.u32 s1, $0x11  }
0xcd: {  	s0 =	sor.u32 s1, s0  }
0xce: {  	s0 =	sadd.s32 $0x8F2B, s0  }
0xcf: {  	[sflag:s0] =	ssyncadd.remote.s32 $0x1  }
0xd0: {  	_ =	sfence.sel $0xFFFF  }
0xd1: {  	[dreg:$0x0] =	wrdreg $0xFFFFFFFF;
	(pc) =	sbr.abs _section_cstart, $3  }
0xd2: {  	[dreg:$0x1] =	wrdreg $0xFFFFFFFF  }
0xd3: {  	_ =	task.clear_ibuf [dreg:s22], $0x2FFFF;
	_ =	strace $0x9FFFFFFF  }
0xd4: {  	(tm) =	ssettm $0x7FFFFFFF  }
0xd5: {  	_ =	shalt  }
tec
execute0_lowered:
.L_overlay_start_1:
0x0: {  	(tag) =	ssettag $0x1  }
0x1: {  	s5 =	rddreg [dreg:$0x0]  }
0x2: {  	s1 =	rddreg [dreg:$0x1]  }
0x3: {  	s2 =	rddreg [dreg:$0x2]  }
0x4: {  	s3 =	rddreg [dreg:$0x3]  }
0x5: {  	s0 =	rddreg [dreg:$0x4]  }
0x6: {  	s6 =	srdreg.scid;
	s8 =	stileid.u32;
	s4 =	simm.s32 $0x0  }
0x7: {  	s11 =	simm.s32 $0x4;
	s12 =	simm.s32 $0x800;
	s13 =	simm.s32 $0x80  }
0x8: {  	s14 =	simm.s32 $0x1000;
	s15 =	simm.s32 $0x1;
	s16 =	simm.s32 $0x5000  }
0x9: {  	s17 =	simm.s32 $0x3;
	s18 =	simm.s32 $0x2;
	s19 =	simm.s32 $0x0  }
0xa: {  	s6 =	sand.u32 $0x1, s6;
	s7 =	sshll.u32 s8, $0x1;
	[smem:$0x7FF] =	sst s4  }
.Ltmp0:
0xb: {  	p0 =	sne.s32 s8, $0x0;
	s9 =	sor.u32 s6, s7;
	(pc) =	sbr.rel .LBB2_1-.Ltmp0, $4  }
0xc: {  	s6 =	ssub.s32 $0x2, s6;
	_ =	strace $0x80000053;
	s7 =	sshll.u32 s9, $0x8  }
0xd: {  	s10 =	sshrl.u32 s6, $0x1;
	s8 =	smul.u32 $0x28000, s9;
	s7 =	sadd.s32 s7, s5  }
0xe: {  	s5 =	sadd.s32 $0x1F8600, s5;
	s10 =	ssub.s32 s6, s10;
	s6 =	sadd.s32 $0x154600, s7  }
0xf: {  	s7 =	sadd.s32 $0x156600, s7;
	s9 =	smax.u32 s10, $0x1;
	s10 =	sshrl.u32 @!p0 s3, $0x3  }
.LBB2_9:
0x10: {  	_ =	swait.ge [sflag:s17], $0x4000  }
0x11: {  	[sflag:s17] =	ssyncset.done $0x0  }
0x12: {  	[sflag:s17] =	ssyncadd.s32 $0xFFFFC000  }
0x13: {  	_ =	swait.ge [sflag:s17], $0x4000  }
0x14: {  	[sflag:s17] =	ssyncset.done $0x0  }
0x15: {  	s19 =	sadd.s32 $0x1, s19;
	[sflag:s17] =	ssyncadd.s32 $0xFFFFC000  }
0x16: {  	p1 =	sne.s32 s19, s9;
	_ =	swait.ge [sflag:s17], $0x4000  }
.Ltmp1:
0x17: {  	[sflag:s17] =	ssyncset.done $0x0;
	(pc) =	sbr.rel @!p1 .LBB2_10-.Ltmp1, $4  }
0x18: {  	[sflag:s17] =	ssyncadd.s32 $0xFFFFC000  }
0x19: {  	_ =	swait.ge [sflag:s17], $0x4000  }
0x1a: {  	[sflag:s17] =	ssyncset.done $0x0  }
0x1b: {  	[sflag:s17] =	ssyncadd.s32 $0xFFFFC000  }
.LBB2_1:
0x1c: {  	s20 =	simm.s32 @!p0 $0x1C04  }
0x1d: {  	[spmem:s10], [sflag:s20] =	dma.local @!p0 [hbm:s2], $0x1900  }
0x1e: {  	s20 =	simm.s32 @!p0 $0x4  }
0x1f: {  	_ =	swait.ge @!p0 [sflag:s20], $0x1900  }
0x20: {  	[sflag:s20] =	ssyncset.done @!p0 $0x0  }
0x21: {  	[sflag:s20] =	ssyncadd.s32 @!p0 $0xFFFFE700  }
0x22: {  	[bflag:$0x0] =	sbarrier.arrive $0xFFFF  }
0x23: {  	[tilespmem:s4], [sflag:$0x4] =	stream.linear.gather [hbm4b:s6+s4], $0x500, $0x38;
	[tilespmem:$0x11C80] =	vst v63  }
0x24: {  	_ =	swait.ge [sflag:s11], $0x500  }
0x25: {  	[sflag:s11] =	ssyncset.done $0x0  }
0x26: {  	[sflag:s11] =	ssyncadd.s32 $0xFFFFFB00  }
0x27: {  	[tilespmem:s12], [sflag:$0x4] =	stream.linear.gather [hbm4b:s7+s4], $0x500, $0x38;
	[tilespmem:$0x11C80] =	vst v63  }
0x28: {  	_ =	swait.ge [sflag:s11], $0x500  }
0x29: {  	[sflag:s11] =	ssyncset.done $0x0  }
0x2a: {  	[sflag:s11] =	ssyncadd.s32 $0xFFFFFB00  }
0x2b: {  	[tilespmem:s14], [sflag:$0x1] =	stream.indirect.gather [hbm4b:s1+s13], $0x80, s4, s13, $0xb8;
	[tilespmem:$0x11C80] =	vst v63  }
0x2c: {  	_ =	swait.ge [sflag:s15], $0x4000  }
.Ltmp2:
0x2d: {  	[sflag:s15] =	ssyncset.done $0x0;
	(pc) =	sbr.rel .LBB2_2-.Ltmp2, $4  }
0x2e: {  	[sflag:s15] =	ssyncadd.s32 $0xFFFFC000  }
0x2f: {  	[tilespmem:s14], [sflag:$0x2] =	stream.indirect.gather.add.f32 [spmem:s3], $0x80, s12, s13, $0xb8;
	[tilespmem:$0x11C80] =	vst v63  }
0x30: {  	s20 =	simm.s32 $0x0  }
0x31: {  	[tilespmem:s16], [sflag:$0x1] =	stream.indirect.gather [hbm4b:s1+s13], $0x80, s13, s13, $0xb8;
	[tilespmem:$0x11C80] =	vst v63  }
.LBB2_3:
0x32: {  	_ =	swait.ge [sflag:s17], $0x4000  }
0x33: {  	[sflag:s17] =	ssyncset.done $0x0  }
0x34: {  	[sflag:s17] =	ssyncadd.s32 $0xFFFFC000  }
.LBB2_5:
0x35: {  	s21 =	sadd.s32 $0x2, s20  }
0x36: {  	s22 =	sshll.u32 s21, $0xE  }
0x37: {  	s21 =	sshll.u32 s21, $0x7;
	s22 =	sand.u32 $0xC000, s22  }
0x38: {  	s21 =	sand.u32 $0x3FFFFF80, s21;
	s22 =	sor.u32 $0x1000, s22  }
0x39: {  	[tilespmem:s22], [sflag:$0x1] =	stream.indirect.gather [hbm4b:s1+s13], $0x80, s21, s13, $0xb8;
	[tilespmem:$0x11C80] =	vst v63  }
.LBB2_7:
0x3a: {  	s21 =	sadd.s32 $0x1, s20  }
0x3b: {  	_ =	swait.ge [sflag:s15], $0x4000;
	s22 =	sshll.u32 s21, $0xE;
	s23 =	sshll.u32 s21, $0x7  }
0x3c: {  	[sflag:s15] =	ssyncset.done $0x0;
	s22 =	sand.u32 $0xC000, s22;
	s23 =	sand.u32 $0x3FFFFF80, s23  }
0x3d: {  	[sflag:s15] =	ssyncadd.s32 $0xFFFFC000;
	s22 =	sor.u32 $0x1000, s22;
	s23 =	sadd.s32 $0x800, s23  }
0x3e: {  	[tilespmem:s22], [sflag:$0x2] =	stream.indirect.gather.add.f32 [spmem:s3], $0x80, s23, s13, $0xb8;
	[tilespmem:$0x11C80] =	vst v63  }
.LBB2_8:
0x3f: {  	s20 =	sshll.u32 s20, $0xE;
	p1 =	slt.u32 s21, $0xA  }
.Ltmp3:
0x40: {  	_ =	swait.ge [sflag:s18], $0x4000;
	s22 =	sadd.s32 s8, s20;
	(pc) =	sbr.rel @!p1 .LBB2_9-.Ltmp3, $4  }
0x41: {  	[sflag:s18] =	ssyncset.done $0x0;
	s20 =	sand.u32 $0xC000, s20;
	s22 =	sshrl.u32 s22, $0x3  }
0x42: {  	[sflag:s18] =	ssyncadd.s32 $0xFFFFC000;
	s20 =	sor.u32 $0x1000, s20;
	s22 =	sadd.s32 s5, s22  }
0x43: {  	[hbm4b:s22+s4] =	stream.linear.scatter [tilespmem:s20], [sflag:$0x3], $0x4000, $0x38;
	[tilespmem:$0x11C80] =	vst v63  }
0x44: {  	s20 =	smov.u32 s21  }
.LBB2_2:
0x45: {  	s21 =	sadd.s32 $0xFFFFFFFE, s20  }
0x46: {  	p1 =	sgt.u32 s21, $0x5  }
.Ltmp4:
0x47: {  	_ = 	snop;
	(pc) =	sbr.rel @!p1 .LBB2_3-.Ltmp4, $1  }
0x48: {  	_ =	sdelay $0x3  }
0x49: {  	p1 =	sgt.u32 s20, $0x7  }
.Ltmp5:
0x4a: {  	_ = 	snop;
	(pc) =	sbr.rel @!p1 .LBB2_5-.Ltmp5, $1  }
0x4b: {  	_ =	sdelay $0x3  }
0x4c: {  	p1 =	seq.s32 s20, $0x9  }
.Ltmp6:
0x4d: {  	_ = 	snop;
	(pc) =	sbr.rel @p1 .LBB2_8-.Ltmp6, $4  }
.Ltmp7:
0x4e: {  	_ = 	snop;
	(pc) =	sbr.rel @!p1 .LBB2_7-.Ltmp7, $4  }
0x4f: {  	_ = 	snop  }
0x50: {  	_ = 	snop  }
0x51: {  	s21 =	simm.s32 $0xA  }
0x52: {  	_ = 	snop  }
.LBB2_10:
0x53: {  	_ =	sfence.sel $0x180000  }
0x54: {  	[bflag:$0x0] =	sbarrier.arrive $0xFFFF  }
0x55: {  	_ =	strace $0x90000053  }
0x56: {  	s0 =	sadd.s32 @!p0 $0x100000, s0;
	[bflag:$0x2] =	sbarrier.arrive $0xFFFF  }
0x57: {  	[sflag:s0] =	ssyncadd.tile.s32 @!p0 $0x1;
	_ =	shalt  }
.Lfunc_end2:
_tile_overlayer_lowered:
.L_overlay_start_2:
0x58: {  	(tag) =	ssettag $0x2  }
0x59: {  	s0 =	rddreg [dreg:$0x0];
	s2 =	stileid.u32  }
0x5a: {  	s1 =	rddreg [dreg:$0x1];
	p0 =	sne.s32 s2, $0x0  }
0x5b: {  	s3 =	rddreg [dreg:$0x2];
	[bflag:$0x3] =	sbarrier.arrive $0xFFFF;
	s2 =	simm.s32 @!p0 $0x1C04  }
0x5c: {  	[timem:s3], [sflag:s2] =	dma.local @!p0 [hbm:s0], s1  }
0x5d: {  	s0 =	simm.s32 @!p0 $0x4  }
0x5e: {  	_ =	swait.ge @!p0 [sflag:s0], s1  }
0x5f: {  	s1 =	ssub.s32 @!p0 $0x0, s1;
	[sflag:s0] =	ssyncset.done @!p0 $0x0  }
0x60: {  	[sflag:s0] =	ssyncadd.s32 @!p0 s1  }
0x61: {  	[bflag:$0x3] =	sbarrier.arrive $0xFFFF  }
0x62: {  	_ =	shalt  }

</sc_bundles>
